<compile_context>
chip_gen: v7x
topology: tpu7x:2x2x1
jax: 0.10.2.dev20260603
libtpu: 0.0.44.dev20260713+nightly
codegen_flags: <defaults>
</compile_context>

<pallas_src>
import functools

import jax
import jax.numpy as jnp
from jax import lax
from jax.experimental import pallas as pl
from jax.experimental.pallas import tpu as pltpu
from jax.experimental.pallas import tpu_sc as plsc

NW = 32
QB = 4096
U = 4


def _make_plane_gather(F, V, D, B, lo, npl, with_emb1):
    ppt = npl // NW
    nq = B // QB
    mesh = plsc.VectorSubcoreMesh(core_axis_name="c", subcore_axis_name="s")

    if with_emb1:
        out_type = (jax.ShapeDtypeStruct((npl, B), jnp.float32),
                    jax.ShapeDtypeStruct((F, B), jnp.float32))
    else:
        out_type = jax.ShapeDtypeStruct((npl, B), jnp.float32)

    @functools.partial(
        pl.kernel,
        mesh=mesh,
        compiler_params=pltpu.CompilerParams(needs_layout_passes=False),
        out_type=out_type,
        scratch_types=[
            pltpu.VMEM((V,), jnp.float32),
            pltpu.VMEM((B,), jnp.int32),
            pltpu.VMEM((2, QB), jnp.float32),
            pltpu.SemaphoreType.DMA,
            pltpu.SemaphoreType.DMA,
            pltpu.SemaphoreType.DMA,
        ],
    )
    def gather(emb2_hbm, emb1_hbm, idx_hbm, *outs_and_scratch):
        if with_emb1:
            (out2_hbm, out1_hbm, plane, idx_v, obuf,
             semP, semO0, semO1) = outs_and_scratch
        else:
            (out2_hbm, plane, idx_v, obuf,
             semP, semO0, semO1) = outs_and_scratch
        semO = (semO0, semO1)
        cid = lax.axis_index("c")
        sid = lax.axis_index("s")
        w = sid * 2 + cid
        is_e1 = w >= NW - F
        f_e1 = w - (NW - F)

        def start_P(tab, row):
            pltpu.async_copy(tab.at[row], plane, semP)

        def wait_P():
            pltpu.make_async_copy(emb2_hbm.at[0], plane, semP).wait()

        def wait_w(par):
            pltpu.make_async_copy(obuf.at[0],
                                  out2_hbm.at[0].at[pl.ds(0, QB)],
                                  semO[par]).wait()

        def do_quarter(q, out_tab, orow):
            par = q % 2

            @plsc.parallel_loop(0, QB // 16, unroll=U)
            def _(i):
                o = pl.multiple_of(i * 16, 16)
                iv = idx_v[pl.ds(q * QB + o, 16)]
                obuf[par, pl.ds(o, 16)] = plsc.load_gather(plane, [iv])

            pltpu.async_copy(obuf.at[par],
                             out_tab.at[orow].at[pl.ds(q * QB, QB)],
                             semO[par])

        def plane_proc(out_tab, orow, warm):
            for q in range(nq):
                if q < 2:
                    @pl.when(warm)
                    def _():
                        wait_w(q % 2)
                else:
                    wait_w(q % 2)
                do_quarter(q, out_tab, orow)

        def body(j, fprev):
            p = lo + w * ppt + j
            f = p // D
            nxt = j + 1

            @pl.when(f != fprev)
            def _():
                pltpu.sync_copy(idx_hbm.at[f], idx_v)

            wait_P()
            plane_proc(out2_hbm, w * ppt + j, j > 0)

            @pl.when(nxt < ppt)
            def _():
                start_P(emb2_hbm, p + 1)
            if with_emb1:
                @pl.when(jnp.logical_and(nxt == ppt, is_e1))
                def _():
                    start_P(emb1_hbm, f_e1)
            return f

        start_P(emb2_hbm, lo + w * ppt)
        lax.fori_loop(0, ppt, body, -1)

        if with_emb1:
            @pl.when(is_e1)
            def _():
                pltpu.sync_copy(idx_hbm.at[f_e1], idx_v)
                wait_P()
                plane_proc(out1_hbm, f_e1, w >= 0)

        wait_w(0)
        wait_w(1)

    return gather


def _tc1_body(catA_ref, W0eA_ref, S16A_ref, onesA_ref,
              h0p_ref, semb_ref, ssq_ref):
    prec = lax.Precision.DEFAULT
    dn = (((0,), (0,)), ((), ()))
    catA = catA_ref[...]
    h0p_ref[...] = lax.dot_general(catA, W0eA_ref[...], dn, precision=prec)
    semb_ref[...] = lax.dot_general(catA, S16A_ref[...], dn, precision=prec)
    ssq_ref[...] = lax.dot_general(onesA_ref[...], catA * catA, dn,
                                   precision=prec)


def _tc2_body(cont_ref, catB_ref, g1T_ref, h0p_ref, semb_ref, ssq_ref,
              Wc_ref, W0c_ref, W0eB_ref, b0_ref, W1_ref, b1_ref, Wh_ref,
              S16B_ref, onesB_ref, onesF_ref, onesD_ref, sc_ref, out_ref):
    prec = lax.Precision.DEFAULT
    dn = (((0,), (0,)), ((), ()))
    dnT = (((0,), (1,)), ((), ()))
    cont = cont_ref[...]
    catB = catB_ref[...]
    g1T = g1T_ref[...]
    b_cont = sc_ref[0]
    b_out = sc_ref[1]
    w_fm = sc_ref[2]
    fm1 = (lax.dot_general(Wc_ref[...], cont, dnT, precision=prec)
           + lax.dot_general(onesF_ref[...], g1T, dn, precision=prec)
           + b_cont)
    sum_emb = semb_ref[...] + lax.dot_general(catB, S16B_ref[...], dn,
                                              precision=prec)
    square_sum = lax.dot_general(onesD_ref[...], sum_emb * sum_emb, dnT,
                                 precision=prec)
    sumsq = ssq_ref[...] + lax.dot_general(onesB_ref[...], catB * catB, dn,
                                           precision=prec)
    fm = fm1 + 0.5 * (square_sum - sumsq)
    h = jnp.maximum(h0p_ref[...]
                    + jnp.dot(cont, W0c_ref[...], precision=prec)
                    + lax.dot_general(catB, W0eB_ref[...], dn, precision=prec)
                    + b0_ref[...], 0.0)
    h = jnp.maximum(jnp.dot(h, W1_ref[...], precision=prec) + b1_ref[...], 0.0)
    out_ref[...] = (lax.dot_general(Wh_ref[...], h, dnT, precision=prec)
                    + fm * w_fm + b_out)


def kernel(continuous, categorical, emb1, emb2, W_cont, b_cont, W0, b0, W1,
           b1, W_out, b_out):
    F, V, D = emb2.shape
    B, C = continuous.shape
    H0 = W0.shape[1]
    H1 = W1.shape[1]
    FD = F * D
    npA = 320
    npB = FD - npA

    emb2_pl = emb2.transpose(0, 2, 1).reshape(FD, V)
    emb1_pl = emb1.transpose(0, 2, 1).reshape(F, V)
    idx = categorical.reshape(F, B).astype(jnp.int32)

    gatherA = _make_plane_gather(F, V, D, B, 0, npA, False)
    gatherB = _make_plane_gather(F, V, D, B, npA, npB, True)
    catA = gatherA(emb2_pl, emb1_pl, idx)
    catB, g1T = gatherB(emb2_pl, emb1_pl, idx)

    S16 = jnp.tile(jnp.eye(D, dtype=jnp.float32), (F, 1))
    sc = jnp.concatenate([b_cont, b_out, W_out[0]]).astype(jnp.float32)
    W0c = W0[:C]
    W0eA = W0[C:C + npA]
    W0eB = W0[C + npA:]
    S16A = S16[:npA]
    S16B = S16[npA:]
    onesA = jnp.ones((npA, 1), jnp.float32)
    onesB = jnp.ones((npB, 1), jnp.float32)
    onesF = jnp.ones((F, 1), jnp.float32)
    onesD = jnp.ones((D, 1), jnp.float32)
    Wh = W_out[1:]

    BB = 2048
    rep = lambda i: (0, 0)
    col = lambda i: (0, i)
    row = lambda i: (i, 0)
    h0p, semb, ssq = pl.pallas_call(
        _tc1_body,
        grid=(B // BB,),
        in_specs=[
            pl.BlockSpec((npA, BB), col),
            pl.BlockSpec((npA, H0), rep),
            pl.BlockSpec((npA, D), rep),
            pl.BlockSpec((npA, 1), rep),
        ],
        out_specs=[
            pl.BlockSpec((BB, H0), row),
            pl.BlockSpec((BB, D), row),
            pl.BlockSpec((1, BB), col),
        ],
        out_shape=[
            jax.ShapeDtypeStruct((B, H0), jnp.float32),
            jax.ShapeDtypeStruct((B, D), jnp.float32),
            jax.ShapeDtypeStruct((1, B), jnp.float32),
        ],
    )(catA, W0eA, S16A, onesA)

    out = pl.pallas_call(
        _tc2_body,
        grid=(B // BB,),
        in_specs=[
            pl.BlockSpec((BB, C), row),
            pl.BlockSpec((npB, BB), col),
            pl.BlockSpec((F, BB), col),
            pl.BlockSpec((BB, H0), row),
            pl.BlockSpec((BB, D), row),
            pl.BlockSpec((1, BB), col),
            pl.BlockSpec((C, 1), rep),
            pl.BlockSpec((C, H0), rep),
            pl.BlockSpec((npB, H0), rep),
            pl.BlockSpec((1, H0), rep),
            pl.BlockSpec((H0, H1), rep),
            pl.BlockSpec((1, H1), rep),
            pl.BlockSpec((H1, 1), rep),
            pl.BlockSpec((npB, D), rep),
            pl.BlockSpec((npB, 1), rep),
            pl.BlockSpec((F, 1), rep),
            pl.BlockSpec((D, 1), rep),
            pl.BlockSpec(memory_space=pltpu.SMEM),
        ],
        out_specs=pl.BlockSpec((1, BB), col),
        out_shape=jax.ShapeDtypeStruct((1, B), jnp.float32),
    )(continuous, catB, g1T, h0p, semb, ssq, W_cont, W0c, W0eB,
      b0.reshape(1, H0), W1, b1.reshape(1, H1), Wh, S16B, onesB, onesF,
      onesD, sc)
    return out.reshape(B, 1)

# --- scband reference (transcript-rebuilt; emitter-appended) ---
"""Pipeline reference for scband-deep-fm-10368051052905 (READ-ONLY COPY).

The authoritative reference and input builder live on the scoring server;
editing this copy changes nothing except your own understanding.
"""

import jax, jax.numpy as jnp
import numpy as np

V = 100000   # vocab per categorical field
F = 26       # number of sparse fields
B = 16384    # batch
D = 16       # embedding dim
C = 13       # continuous dim
H0, H1 = 256, 128


def setup_inputs(seed: int = 0) -> dict:
    key = jax.random.key(seed)
    ks = jax.random.split(key, 14)
    continuous = jax.random.normal(ks[0], (B, C), dtype=jnp.float32)
    categorical = jax.random.randint(ks[1], (F, B, 1), 0, V)  # stacked per-field [B,1] index tensors
    # parameters
    emb1 = jax.random.normal(ks[2], (F, V, 1), dtype=jnp.float32) * 0.01   # first-order tables
    emb2 = jax.random.normal(ks[3], (F, V, D), dtype=jnp.float32) * 0.05   # second-order tables (xavier-ish)
    W_cont = jax.random.normal(ks[4], (C, 1), dtype=jnp.float32) * (1.0 / np.sqrt(C))
    b_cont = jnp.zeros((1,), dtype=jnp.float32)
    din = C + F * D  # 429
    W0 = jax.random.normal(ks[5], (din, H0), dtype=jnp.float32) * (1.0 / np.sqrt(din))
    b0 = jnp.zeros((H0,), dtype=jnp.float32)
    W1 = jax.random.normal(ks[6], (H0, H1), dtype=jnp.float32) * (1.0 / np.sqrt(H0))
    b1 = jnp.zeros((H1,), dtype=jnp.float32)
    W_out = jax.random.normal(ks[7], (H1 + 1, 1), dtype=jnp.float32) * (1.0 / np.sqrt(H1 + 1))
    b_out = jnp.zeros((1,), dtype=jnp.float32)
    return {"continuous": continuous, "categorical": categorical,
            "emb1": emb1, "emb2": emb2, "W_cont": W_cont, "b_cont": b_cont,
            "W0": W0, "b0": b0, "W1": W1, "b1": b1, "W_out": W_out, "b_out": b_out}


def reference(continuous, categorical, emb1, emb2, W_cont, b_cont, W0, b0, W1, b1, W_out, b_out):
    # ---- FM first order ----
    fm1_continuous = continuous @ W_cont + b_cont                      # [B,1]
    g1 = jnp.take_along_axis(emb1, categorical, axis=1)               # [F,B,1] (per-field emb summed over L=1)
    fm1_categorical = jnp.sum(g1, axis=0)                              # [B,1]
    fm1_out = fm1_continuous + fm1_categorical
    # ---- FM second order ----
    g2 = jnp.take_along_axis(emb2, categorical, axis=1)               # [F,B,D]
    cat_emb_stack = jnp.transpose(g2, (1, 0, 2))                       # [B,F,D]
    sum_emb = jnp.sum(cat_emb_stack, axis=1)                           # [B,D]
    square_sum = jnp.square(sum_emb)
    sum_square = jnp.sum(jnp.square(cat_emb_stack), axis=1)
    fm2_out = 0.5 * jnp.sum(square_sum - sum_square, axis=1, keepdims=True)  # [B,1]
    fm_out = fm1_out + fm2_out
    # ---- DNN (eval mode: dropout = identity) ----
    cat_emb_flat = cat_emb_stack.reshape(cat_emb_stack.shape[0], -1)   # [B, F*D]
    dnn_in = jnp.concatenate([continuous, cat_emb_flat], axis=1)       # [B, C+F*D]
    h = jax.nn.relu(dnn_in @ W0 + b0)
    h = jax.nn.relu(h @ W1 + b1)
    fusion = jnp.concatenate([fm_out, h], axis=1)                      # [B, H1+1]
    final_out = fusion @ W_out + b_out                                 # [B,1]
    return final_out

if __name__ == "__main__":
    import jax
    _d = setup_inputs()
    print(jax.jit(kernel)(*tuple(_d.values())))

</pallas_src>

<mosaic_0001>
#map = affine_map<(d0, d1) -> (0, 0)>
module attributes {stable_mosaic.version = 14 : i64} {
  func.func @gather(%arg0: i32, %arg1: i32, %arg2: memref<416x100000xf32, #tpu.memory_space<hbm>>, %arg3: memref<26x100000xf32, #tpu.memory_space<hbm>>, %arg4: memref<26x16384xi32, #tpu.memory_space<hbm>>, %arg5: memref<96x16384xf32, #tpu.memory_space<hbm>>, %arg6: memref<26x16384xf32, #tpu.memory_space<hbm>>, %arg7: memref<100000xf32, #tpu.memory_space<vmem>>, %arg8: memref<16384xi32, #tpu.memory_space<vmem>>, %arg9: memref<2x4096xf32, #tpu.memory_space<vmem>>, %arg10: memref<!tpu.dma_semaphore, #tpu.memory_space<semaphore_mem>>, %arg11: memref<!tpu.dma_semaphore, #tpu.memory_space<semaphore_mem>>, %arg12: memref<!tpu.dma_semaphore, #tpu.memory_space<semaphore_mem>>) attributes {dimension_semantics = [#tpu.dimension_semantics<core_parallel>, #tpu.dimension_semantics<subcore_parallel>], iteration_bounds = array<i64: 2, 16>, scalar_prefetch = 0 : i64, scratch_operands = 6 : i64, tpu.core_type = #tpu.core_type<sc_vector_subcore>, window_params = [{transform_indices = #map}, {transform_indices = #map}, {transform_indices = #map}, {transform_indices = #map}, {transform_indices = #map}]} {
    %mul3A = arith.constant 2 : i32
    %mul3A_0 = arith.muli %arg1, %mul3A : i32
    %add3A = arith.addi %mul3A_0, %arg0 : i32
    %ge3A = arith.constant 6 : i32
    %ge3A_1 = arith.cmpi sge, %add3A, %ge3A : i32
    %sub3A = arith.constant 6 : i32
    %sub3A_2 = arith.subi %add3A, %sub3A : i32
    %mul3A_3 = arith.constant 3 : i32
    %mul3A_4 = arith.muli %add3A, %mul3A_3 : i32
    %add3A_5 = arith.constant 320 : i32
    %add3A_6 = arith.addi %add3A_5, %mul3A_4 : i32
    %dma_start3A = arith.constant 0 : i32
    %dma_start3A_7 = tpu.memref_slice %arg2[%add3A_6, %dma_start3A] : memref<416x100000xf32, #tpu.memory_space<hbm>> -> memref<1x100000xf32, #tpu.memory_space<hbm>>
    %dma_start3A_8 = tpu.memref_squeeze %dma_start3A_7 : memref<1x100000xf32, #tpu.memory_space<hbm>> -> memref<100000xf32, #tpu.memory_space<hbm>>
    %dma_start3A_9 = arith.constant 0 : i32
    %dma_start3A_10 = tpu.memref_slice %arg2[%add3A_6, %dma_start3A_9] : memref<416x100000xf32, #tpu.memory_space<hbm>> -> memref<1x100000xf32, #tpu.memory_space<hbm>>
    %dma_start3A_11 = tpu.memref_squeeze %dma_start3A_10 : memref<1x100000xf32, #tpu.memory_space<hbm>> -> memref<100000xf32, #tpu.memory_space<hbm>>
    tpu.enqueue_dma source(%dma_start3A_11 : memref<100000xf32, #tpu.memory_space<hbm>>) target(%arg7 : memref<100000xf32, #tpu.memory_space<vmem>>) target_semaphore(%arg10 : memref<!tpu.dma_semaphore, #tpu.memory_space<semaphore_mem>>)
    %scan3A = arith.constant -1 : i32
    %scan3A_12 = arith.constant 0 : i32
    %scan3A_13 = arith.constant 3 : i32
    %scan3A_14 = arith.addi %scan3A_12, %scan3A_13 : i32
    %scan3A_15 = arith.constant 1 : i32
    %scan3A_16 = scf.for %scan3A_54 = %scan3A_12 to %scan3A_14 step %scan3A_15 iter_args(%scan3A_55 = %scan3A) -> (i32)  : i32 {
      %mul3A_56 = arith.constant 3 : i32
      %mul3A_57 = arith.muli %add3A, %mul3A_56 : i32
      %add3A_58 = arith.constant 320 : i32
      %add3A_59 = arith.addi %add3A_58, %mul3A_57 : i32
      %add3A_60 = arith.addi %add3A_59, %scan3A_54 : i32
      %jit3A = arith.constant 16 : i32
      %div3A = arith.divsi %add3A_60, %jit3A : i32
      %sign3A = arith.constant 0 : i32
      %sign3A_61 = arith.cmpi sgt, %add3A_60, %sign3A : i32
      %sign3A_62 = arith.extui %sign3A_61 : i1 to i32
      %sign3A_63 = arith.constant 0 : i32
      %sign3A_64 = arith.cmpi slt, %add3A_60, %sign3A_63 : i32
      %sign3A_65 = arith.extui %sign3A_64 : i1 to i32
      %sign3A_66 = arith.subi %sign3A_62, %sign3A_65 : i32
      %sign3A_67 = arith.constant 0 : i32
      %sign3A_68 = arith.cmpi sgt, %jit3A, %sign3A_67 : i32
      %sign3A_69 = arith.extui %sign3A_68 : i1 to i32
      %sign3A_70 = arith.constant 0 : i32
      %sign3A_71 = arith.cmpi slt, %jit3A, %sign3A_70 : i32
      %sign3A_72 = arith.extui %sign3A_71 : i1 to i32
      %sign3A_73 = arith.subi %sign3A_69, %sign3A_72 : i32
      %ne3A = arith.cmpi ne, %sign3A_66, %sign3A_73 : i32
      %rem3A = arith.remsi %add3A_60, %jit3A : i32
      %ne3A_74 = arith.constant 0 : i32
      %ne3A_75 = arith.cmpi ne, %rem3A, %ne3A_74 : i32
      %and3A = arith.andi %ne3A, %ne3A_75 : i1
      %sub3A_76 = arith.constant 1 : i32
      %sub3A_77 = arith.subi %div3A, %sub3A_76 : i32
      %select_n3A = arith.select %and3A, %sub3A_77, %div3A : i32
      %add3A_78 = arith.constant 1 : i32
      %add3A_79 = arith.addi %scan3A_54, %add3A_78 : i32
      %ne3A_80 = arith.cmpi ne, %select_n3A, %scan3A_55 : i32
      %convert_element_type3A_81 = arith.extui %ne3A_80 : i1 to i32
      %cond3A_82 = arith.constant 0 : i32
      %cond3A_83 = arith.cmpi ne, %convert_element_type3A_81, %cond3A_82 : i32
      scf.if %cond3A_83 {
        "tpu.region"() ({
          %run_scoped3A = tpu.sem_alloc : memref<!tpu.dma_semaphore, #tpu.memory_space<semaphore_mem>>
          %dma_start3A_225 = arith.constant 0 : i32
          %dma_start3A_226 = tpu.memref_slice %arg4[%select_n3A, %dma_start3A_225] : memref<26x16384xi32, #tpu.memory_space<hbm>> -> memref<1x16384xi32, #tpu.memory_space<hbm>>
          %dma_start3A_227 = tpu.memref_squeeze %dma_start3A_226 : memref<1x16384xi32, #tpu.memory_space<hbm>> -> memref<16384xi32, #tpu.memory_space<hbm>>
          %dma_start3A_228 = arith.constant 0 : i32
          %dma_start3A_229 = tpu.memref_slice %arg4[%select_n3A, %dma_start3A_228] : memref<26x16384xi32, #tpu.memory_space<hbm>> -> memref<1x16384xi32, #tpu.memory_space<hbm>>
          %dma_start3A_230 = tpu.memref_squeeze %dma_start3A_229 : memref<1x16384xi32, #tpu.memory_space<hbm>> -> memref<16384xi32, #tpu.memory_space<hbm>>
          tpu.enqueue_dma source(%dma_start3A_230 : memref<16384xi32, #tpu.memory_space<hbm>>) target(%arg8 : memref<16384xi32, #tpu.memory_space<vmem>>) target_semaphore(%run_scoped3A : memref<!tpu.dma_semaphore, #tpu.memory_space<semaphore_mem>>)
          %dma_wait3A_231 = arith.constant 0 : i32
          %dma_wait3A_232 = tpu.memref_slice %arg4[%select_n3A, %dma_wait3A_231] : memref<26x16384xi32, #tpu.memory_space<hbm>> -> memref<1x16384xi32, #tpu.memory_space<hbm>>
          %dma_wait3A_233 = tpu.memref_squeeze %dma_wait3A_232 : memref<1x16384xi32, #tpu.memory_space<hbm>> -> memref<16384xi32, #tpu.memory_space<hbm>>
          %dma_wait3A_234 = arith.constant 0 : i32
          %dma_wait3A_235 = tpu.memref_slice %arg4[%select_n3A, %dma_wait3A_234] : memref<26x16384xi32, #tpu.memory_space<hbm>> -> memref<1x16384xi32, #tpu.memory_space<hbm>>
          %dma_wait3A_236 = tpu.memref_squeeze %dma_wait3A_235 : memref<1x16384xi32, #tpu.memory_space<hbm>> -> memref<16384xi32, #tpu.memory_space<hbm>>
          tpu.wait_dma2 semaphore(%run_scoped3A : memref<!tpu.dma_semaphore, #tpu.memory_space<semaphore_mem>>) src(%dma_wait3A_236 : memref<16384xi32, #tpu.memory_space<hbm>>) dst(%arg8 : memref<16384xi32, #tpu.memory_space<vmem>>)
          tpu.yield
        }) : () -> ()
      } else {
      }
      %dma_wait3A_84 = arith.constant 0 : i32
      %dma_wait3A_85 = arith.constant 0 : i32
      %dma_wait3A_86 = tpu.memref_slice %arg2[%dma_wait3A_84, %dma_wait3A_85] : memref<416x100000xf32, #tpu.memory_space<hbm>> -> memref<1x100000xf32, #tpu.memory_space<hbm>>
      %dma_wait3A_87 = tpu.memref_squeeze %dma_wait3A_86 : memref<1x100000xf32, #tpu.memory_space<hbm>> -> memref<100000xf32, #tpu.memory_space<hbm>>
      %dma_wait3A_88 = arith.constant 0 : i32
      %dma_wait3A_89 = tpu.memref_slice %arg2[%dma_wait3A_84, %dma_wait3A_88] : memref<416x100000xf32, #tpu.memory_space<hbm>> -> memref<1x100000xf32, #tpu.memory_space<hbm>>
      %dma_wait3A_90 = tpu.memref_squeeze %dma_wait3A_89 : memref<1x100000xf32, #tpu.memory_space<hbm>> -> memref<100000xf32, #tpu.memory_space<hbm>>
      tpu.wait_dma2 semaphore(%arg10 : memref<!tpu.dma_semaphore, #tpu.memory_space<semaphore_mem>>) src(%dma_wait3A_90 : memref<100000xf32, #tpu.memory_space<hbm>>) dst(%arg7 : memref<100000xf32, #tpu.memory_space<vmem>>)
      %mul3A_91 = arith.constant 3 : i32
      %mul3A_92 = arith.muli %add3A, %mul3A_91 : i32
      %add3A_93 = arith.addi %mul3A_92, %scan3A_54 : i32
      %gt3A = arith.constant 0 : i32
      %gt3A_94 = arith.cmpi sgt, %scan3A_54, %gt3A : i32
      %convert_element_type3A_95 = arith.extui %gt3A_94 : i1 to i32
      %cond3A_96 = arith.constant 0 : i32
      %cond3A_97 = arith.cmpi ne, %convert_element_type3A_95, %cond3A_96 : i32
      scf.if %cond3A_97 {
        %dma_wait3A_225 = arith.constant 0 : i32
        %dma_wait3A_226 = arith.constant 0 : i32
        %dma_wait3A_227 = arith.constant 0 : i32
        %dma_wait3A_228 = tpu.memref_slice %arg9[%dma_wait3A_225, %dma_wait3A_227] : memref<2x4096xf32, #tpu.memory_space<vmem>> -> memref<1x4096xf32, #tpu.memory_space<vmem>>
        %dma_wait3A_229 = tpu.memref_squeeze %dma_wait3A_228 : memref<1x4096xf32, #tpu.memory_space<vmem>> -> memref<4096xf32, #tpu.memory_space<vmem>>
        %dma_wait3A_230 = arith.constant 0 : i32
        %dma_wait3A_231 = tpu.memref_slice %arg5[%dma_wait3A_226, %dma_wait3A_230] : memref<96x16384xf32, #tpu.memory_space<hbm>> -> memref<1x16384xf32, #tpu.memory_space<hbm>>
        %dma_wait3A_232 = tpu.memref_squeeze %dma_wait3A_231 : memref<1x16384xf32, #tpu.memory_space<hbm>> -> memref<16384xf32, #tpu.memory_space<hbm>>
        %dma_wait3A_233 = arith.constant 0 : i32
        %dma_wait3A_234 = tpu.memref_slice %dma_wait3A_232[%dma_wait3A_233] : memref<16384xf32, #tpu.memory_space<hbm>> -> memref<4096xf32, #tpu.memory_space<hbm>>
        %dma_wait3A_235 = arith.constant 0 : i32
        %dma_wait3A_236 = tpu.memref_slice %arg5[%dma_wait3A_226, %dma_wait3A_235] : memref<96x16384xf32, #tpu.memory_space<hbm>> -> memref<1x16384xf32, #tpu.memory_space<hbm>>
        %dma_wait3A_237 = tpu.memref_squeeze %dma_wait3A_236 : memref<1x16384xf32, #tpu.memory_space<hbm>> -> memref<16384xf32, #tpu.memory_space<hbm>>
        %dma_wait3A_238 = arith.constant 0 : i32
        %dma_wait3A_239 = tpu.memref_slice %dma_wait3A_237[%dma_wait3A_238] : memref<16384xf32, #tpu.memory_space<hbm>> -> memref<4096xf32, #tpu.memory_space<hbm>>
        %dma_wait3A_240 = arith.constant 0 : i32
        %dma_wait3A_241 = tpu.memref_slice %arg9[%dma_wait3A_225, %dma_wait3A_240] : memref<2x4096xf32, #tpu.memory_space<vmem>> -> memref<1x4096xf32, #tpu.memory_space<vmem>>
        %dma_wait3A_242 = tpu.memref_squeeze %dma_wait3A_241 : memref<1x4096xf32, #tpu.memory_space<vmem>> -> memref<4096xf32, #tpu.memory_space<vmem>>
        tpu.wait_dma2 semaphore(%arg11 : memref<!tpu.dma_semaphore, #tpu.memory_space<semaphore_mem>>) src(%dma_wait3A_242 : memref<4096xf32, #tpu.memory_space<vmem>>) dst(%dma_wait3A_239 : memref<4096xf32, #tpu.memory_space<hbm>>)
      } else {
      }
      %parallel_loop3A = arith.constant 0 : i32
      %parallel_loop3A_98 = arith.constant 256 : i32
      %parallel_loop3A_99 = arith.constant 1 : i32
      scf.for %parallel_loop3A_225 = %parallel_loop3A to %parallel_loop3A_98 step %parallel_loop3A_99  : i32 {
        %parallel_loop3A_226 = arith.constant 16 : i32
        %parallel_loop3A_227 = arith.muli %parallel_loop3A_225, %parallel_loop3A_226 : i32
        %parallel_loop3A_228 = tpu.assume_multiple %parallel_loop3A_227, 16 : i32
        %parallel_loop3A_229 = arith.constant 0 : i32
        %parallel_loop3A_230 = arith.addi %parallel_loop3A_229, %parallel_loop3A_228 : i32
        %parallel_loop3A_231 = arith.index_cast %parallel_loop3A_230 : i32 to index
        %parallel_loop3A_232 = tpu.vector_load %arg8[%parallel_loop3A_231] {strides = array<i32>} : memref<16384xi32, #tpu.memory_space<vmem>>, vector<16xi32>,
        %parallel_loop3A_233 = tpu.vector_load_idx %arg7[%parallel_loop3A_232] : memref<100000xf32, #tpu.memory_space<vmem>>[vector<16xi32>], vector<16xf32>,
        %parallel_loop3A_234 = arith.constant 0 : i32
        %parallel_loop3A_235 = arith.index_cast %parallel_loop3A_234 : i32 to index
        %parallel_loop3A_236 = arith.index_cast %parallel_loop3A_228 : i32 to index
        %parallel_loop3A_237 = tpu.vector_load %arg9[%parallel_loop3A_235, %parallel_loop3A_236] {strides = array<i32>} : memref<2x4096xf32, #tpu.memory_space<vmem>>, vector<16xf32>,
        tpu.vector_store %arg9[%parallel_loop3A_235, %parallel_loop3A_236], %parallel_loop3A_233 {strides = array<i32>} : memref<2x4096xf32, #tpu.memory_space<vmem>>, vector<16xf32>,
      } {sc.loop_unroll_factor = 4 : i64, sc.parallel_access}
      %dma_start3A_100 = arith.constant 0 : i32
      %dma_start3A_101 = arith.constant 0 : i32
      %dma_start3A_102 = tpu.memref_slice %arg9[%dma_start3A_100, %dma_start3A_101] : memref<2x4096xf32, #tpu.memory_space<vmem>> -> memref<1x4096xf32, #tpu.memory_space<vmem>>
      %dma_start3A_103 = tpu.memref_squeeze %dma_start3A_102 : memref<1x4096xf32, #tpu.memory_space<vmem>> -> memref<4096xf32, #tpu.memory_space<vmem>>
      %dma_start3A_104 = arith.constant 0 : i32
      %dma_start3A_105 = tpu.memref_slice %arg5[%add3A_93, %dma_start3A_104] : memref<96x16384xf32, #tpu.memory_space<hbm>> -> memref<1x16384xf32, #tpu.memory_space<hbm>>
      %dma_start3A_106 = tpu.memref_squeeze %dma_start3A_105 : memref<1x16384xf32, #tpu.memory_space<hbm>> -> memref<16384xf32, #tpu.memory_space<hbm>>
      %dma_start3A_107 = arith.constant 0 : i32
      %dma_start3A_108 = tpu.memref_slice %dma_start3A_106[%dma_start3A_107] : memref<16384xf32, #tpu.memory_space<hbm>> -> memref<4096xf32, #tpu.memory_space<hbm>>
      %dma_start3A_109 = arith.constant 0 : i32
      %dma_start3A_110 = tpu.memref_slice %arg5[%add3A_93, %dma_start3A_109] : memref<96x16384xf32, #tpu.memory_space<hbm>> -> memref<1x16384xf32, #tpu.memory_space<hbm>>
      %dma_start3A_111 = tpu.memref_squeeze %dma_start3A_110 : memref<1x16384xf32, #tpu.memory_space<hbm>> -> memref<16384xf32, #tpu.memory_space<hbm>>
      %dma_start3A_112 = arith.constant 0 : i32
      %dma_start3A_113 = tpu.memref_slice %dma_start3A_111[%dma_start3A_112] : memref<16384xf32, #tpu.memory_space<hbm>> -> memref<4096xf32, #tpu.memory_space<hbm>>
      %dma_start3A_114 = arith.constant 0 : i32
      %dma_start3A_115 = tpu.memref_slice %arg9[%dma_start3A_100, %dma_start3A_114] : memref<2x4096xf32, #tpu.memory_space<vmem>> -> memref<1x4096xf32, #tpu.memory_space<vmem>>
      %dma_start3A_116 = tpu.memref_squeeze %dma_start3A_115 : memref<1x4096xf32, #tpu.memory_space<vmem>> -> memref<4096xf32, #tpu.memory_space<vmem>>
      tpu.enqueue_dma source(%dma_start3A_116 : memref<4096xf32, #tpu.memory_space<vmem>>) target(%dma_start3A_113 : memref<4096xf32, #tpu.memory_space<hbm>>) target_semaphore(%arg11 : memref<!tpu.dma_semaphore, #tpu.memory_space<semaphore_mem>>)
      %convert_element_type3A_117 = arith.extui %gt3A_94 : i1 to i32
      %cond3A_118 = arith.constant 0 : i32
      %cond3A_119 = arith.cmpi ne, %convert_element_type3A_117, %cond3A_118 : i32
      scf.if %cond3A_119 {
        %dma_wait3A_225 = arith.constant 0 : i32
        %dma_wait3A_226 = arith.constant 0 : i32
        %dma_wait3A_227 = arith.constant 0 : i32
        %dma_wait3A_228 = tpu.memref_slice %arg9[%dma_wait3A_225, %dma_wait3A_227] : memref<2x4096xf32, #tpu.memory_space<vmem>> -> memref<1x4096xf32, #tpu.memory_space<vmem>>
        %dma_wait3A_229 = tpu.memref_squeeze %dma_wait3A_228 : memref<1x4096xf32, #tpu.memory_space<vmem>> -> memref<4096xf32, #tpu.memory_space<vmem>>
        %dma_wait3A_230 = arith.constant 0 : i32
        %dma_wait3A_231 = tpu.memref_slice %arg5[%dma_wait3A_226, %dma_wait3A_230] : memref<96x16384xf32, #tpu.memory_space<hbm>> -> memref<1x16384xf32, #tpu.memory_space<hbm>>
        %dma_wait3A_232 = tpu.memref_squeeze %dma_wait3A_231 : memref<1x16384xf32, #tpu.memory_space<hbm>> -> memref<16384xf32, #tpu.memory_space<hbm>>
        %dma_wait3A_233 = arith.constant 0 : i32
        %dma_wait3A_234 = tpu.memref_slice %dma_wait3A_232[%dma_wait3A_233] : memref<16384xf32, #tpu.memory_space<hbm>> -> memref<4096xf32, #tpu.memory_space<hbm>>
        %dma_wait3A_235 = arith.constant 0 : i32
        %dma_wait3A_236 = tpu.memref_slice %arg5[%dma_wait3A_226, %dma_wait3A_235] : memref<96x16384xf32, #tpu.memory_space<hbm>> -> memref<1x16384xf32, #tpu.memory_space<hbm>>
        %dma_wait3A_237 = tpu.memref_squeeze %dma_wait3A_236 : memref<1x16384xf32, #tpu.memory_space<hbm>> -> memref<16384xf32, #tpu.memory_space<hbm>>
        %dma_wait3A_238 = arith.constant 0 : i32
        %dma_wait3A_239 = tpu.memref_slice %dma_wait3A_237[%dma_wait3A_238] : memref<16384xf32, #tpu.memory_space<hbm>> -> memref<4096xf32, #tpu.memory_space<hbm>>
        %dma_wait3A_240 = arith.constant 0 : i32
        %dma_wait3A_241 = tpu.memref_slice %arg9[%dma_wait3A_225, %dma_wait3A_240] : memref<2x4096xf32, #tpu.memory_space<vmem>> -> memref<1x4096xf32, #tpu.memory_space<vmem>>
        %dma_wait3A_242 = tpu.memref_squeeze %dma_wait3A_241 : memref<1x4096xf32, #tpu.memory_space<vmem>> -> memref<4096xf32, #tpu.memory_space<vmem>>
        tpu.wait_dma2 semaphore(%arg12 : memref<!tpu.dma_semaphore, #tpu.memory_space<semaphore_mem>>) src(%dma_wait3A_242 : memref<4096xf32, #tpu.memory_space<vmem>>) dst(%dma_wait3A_239 : memref<4096xf32, #tpu.memory_space<hbm>>)
      } else {
      }
      %parallel_loop3A_120 = arith.constant 0 : i32
      %parallel_loop3A_121 = arith.constant 256 : i32
      %parallel_loop3A_122 = arith.constant 1 : i32
      scf.for %parallel_loop3A_225 = %parallel_loop3A_120 to %parallel_loop3A_121 step %parallel_loop3A_122  : i32 {
        %parallel_loop3A_226 = arith.constant 16 : i32
        %parallel_loop3A_227 = arith.muli %parallel_loop3A_225, %parallel_loop3A_226 : i32
        %parallel_loop3A_228 = tpu.assume_multiple %parallel_loop3A_227, 16 : i32
        %parallel_loop3A_229 = arith.constant 4096 : i32
        %parallel_loop3A_230 = arith.addi %parallel_loop3A_229, %parallel_loop3A_228 : i32
        %parallel_loop3A_231 = arith.index_cast %parallel_loop3A_230 : i32 to index
        %parallel_loop3A_232 = tpu.vector_load %arg8[%parallel_loop3A_231] {strides = array<i32>} : memref<16384xi32, #tpu.memory_space<vmem>>, vector<16xi32>,
        %parallel_loop3A_233 = tpu.vector_load_idx %arg7[%parallel_loop3A_232] : memref<100000xf32, #tpu.memory_space<vmem>>[vector<16xi32>], vector<16xf32>,
        %parallel_loop3A_234 = arith.constant 1 : i32
        %parallel_loop3A_235 = arith.index_cast %parallel_loop3A_234 : i32 to index
        %parallel_loop3A_236 = arith.index_cast %parallel_loop3A_228 : i32 to index
        %parallel_loop3A_237 = tpu.vector_load %arg9[%parallel_loop3A_235, %parallel_loop3A_236] {strides = array<i32>} : memref<2x4096xf32, #tpu.memory_space<vmem>>, vector<16xf32>,
        tpu.vector_store %arg9[%parallel_loop3A_235, %parallel_loop3A_236], %parallel_loop3A_233 {strides = array<i32>} : memref<2x4096xf32, #tpu.memory_space<vmem>>, vector<16xf32>,
      } {sc.loop_unroll_factor = 4 : i64, sc.parallel_access}
      %dma_start3A_123 = arith.constant 1 : i32
      %dma_start3A_124 = arith.constant 0 : i32
      %dma_start3A_125 = tpu.memref_slice %arg9[%dma_start3A_123, %dma_start3A_124] : memref<2x4096xf32, #tpu.memory_space<vmem>> -> memref<1x4096xf32, #tpu.memory_space<vmem>>
      %dma_start3A_126 = tpu.memref_squeeze %dma_start3A_125 : memref<1x4096xf32, #tpu.memory_space<vmem>> -> memref<4096xf32, #tpu.memory_space<vmem>>
      %dma_start3A_127 = arith.constant 0 : i32
      %dma_start3A_128 = tpu.memref_slice %arg5[%add3A_93, %dma_start3A_127] : memref<96x16384xf32, #tpu.memory_space<hbm>> -> memref<1x16384xf32, #tpu.memory_space<hbm>>
      %dma_start3A_129 = tpu.memref_squeeze %dma_start3A_128 : memref<1x16384xf32, #tpu.memory_space<hbm>> -> memref<16384xf32, #tpu.memory_space<hbm>>
      %dma_start3A_130 = arith.constant 4096 : i32
      %dma_start3A_131 = tpu.memref_slice %dma_start3A_129[%dma_start3A_130] : memref<16384xf32, #tpu.memory_space<hbm>> -> memref<4096xf32, #tpu.memory_space<hbm>>
      %dma_start3A_132 = arith.constant 0 : i32
      %dma_start3A_133 = tpu.memref_slice %arg5[%add3A_93, %dma_start3A_132] : memref<96x16384xf32, #tpu.memory_space<hbm>> -> memref<1x16384xf32, #tpu.memory_space<hbm>>
      %dma_start3A_134 = tpu.memref_squeeze %dma_start3A_133 : memref<1x16384xf32, #tpu.memory_space<hbm>> -> memref<16384xf32, #tpu.memory_space<hbm>>
      %dma_start3A_135 = arith.constant 4096 : i32
      %dma_start3A_136 = tpu.memref_slice %dma_start3A_134[%dma_start3A_135] : memref<16384xf32, #tpu.memory_space<hbm>> -> memref<4096xf32, #tpu.memory_space<hbm>>
      %dma_start3A_137 = arith.constant 0 : i32
      %dma_start3A_138 = tpu.memref_slice %arg9[%dma_start3A_123, %dma_start3A_137] : memref<2x4096xf32, #tpu.memory_space<vmem>> -> memref<1x4096xf32, #tpu.memory_space<vmem>>
      %dma_start3A_139 = tpu.memref_squeeze %dma_start3A_138 : memref<1x4096xf32, #tpu.memory_space<vmem>> -> memref<4096xf32, #tpu.memory_space<vmem>>
      tpu.enqueue_dma source(%dma_start3A_139 : memref<4096xf32, #tpu.memory_space<vmem>>) target(%dma_start3A_136 : memref<4096xf32, #tpu.memory_space<hbm>>) target_semaphore(%arg12 : memref<!tpu.dma_semaphore, #tpu.memory_space<semaphore_mem>>)
      %dma_wait3A_140 = arith.constant 0 : i32
      %dma_wait3A_141 = arith.constant 0 : i32
      %dma_wait3A_142 = arith.constant 0 : i32
      %dma_wait3A_143 = tpu.memref_slice %arg9[%dma_wait3A_140, %dma_wait3A_142] : memref<2x4096xf32, #tpu.memory_space<vmem>> -> memref<1x4096xf32, #tpu.memory_space<vmem>>
      %dma_wait3A_144 = tpu.memref_squeeze %dma_wait3A_143 : memref<1x4096xf32, #tpu.memory_space<vmem>> -> memref<4096xf32, #tpu.memory_space<vmem>>
      %dma_wait3A_145 = arith.constant 0 : i32
      %dma_wait3A_146 = tpu.memref_slice %arg5[%dma_wait3A_141, %dma_wait3A_145] : memref<96x16384xf32, #tpu.memory_space<hbm>> -> memref<1x16384xf32, #tpu.memory_space<hbm>>
      %dma_wait3A_147 = tpu.memref_squeeze %dma_wait3A_146 : memref<1x16384xf32, #tpu.memory_space<hbm>> -> memref<16384xf32, #tpu.memory_space<hbm>>
      %dma_wait3A_148 = arith.constant 0 : i32
      %dma_wait3A_149 = tpu.memref_slice %dma_wait3A_147[%dma_wait3A_148] : memref<16384xf32, #tpu.memory_space<hbm>> -> memref<4096xf32, #tpu.memory_space<hbm>>
      %dma_wait3A_150 = arith.constant 0 : i32
      %dma_wait3A_151 = tpu.memref_slice %arg5[%dma_wait3A_141, %dma_wait3A_150] : memref<96x16384xf32, #tpu.memory_space<hbm>> -> memref<1x16384xf32, #tpu.memory_space<hbm>>
      %dma_wait3A_152 = tpu.memref_squeeze %dma_wait3A_151 : memref<1x16384xf32, #tpu.memory_space<hbm>> -> memref<16384xf32, #tpu.memory_space<hbm>>
      %dma_wait3A_153 = arith.constant 0 : i32
      %dma_wait3A_154 = tpu.memref_slice %dma_wait3A_152[%dma_wait3A_153] : memref<16384xf32, #tpu.memory_space<hbm>> -> memref<4096xf32, #tpu.memory_space<hbm>>
      %dma_wait3A_155 = arith.constant 0 : i32
      %dma_wait3A_156 = tpu.memref_slice %arg9[%dma_wait3A_140, %dma_wait3A_155] : memref<2x4096xf32, #tpu.memory_space<vmem>> -> memref<1x4096xf32, #tpu.memory_space<vmem>>
      %dma_wait3A_157 = tpu.memref_squeeze %dma_wait3A_156 : memref<1x4096xf32, #tpu.memory_space<vmem>> -> memref<4096xf32, #tpu.memory_space<vmem>>
      tpu.wait_dma2 semaphore(%arg11 : memref<!tpu.dma_semaphore, #tpu.memory_space<semaphore_mem>>) src(%dma_wait3A_157 : memref<4096xf32, #tpu.memory_space<vmem>>) dst(%dma_wait3A_154 : memref<4096xf32, #tpu.memory_space<hbm>>)
      %parallel_loop3A_158 = arith.constant 0 : i32
      %parallel_loop3A_159 = arith.constant 256 : i32
      %parallel_loop3A_160 = arith.constant 1 : i32
      scf.for %parallel_loop3A_225 = %parallel_loop3A_158 to %parallel_loop3A_159 step %parallel_loop3A_160  : i32 {
        %parallel_loop3A_226 = arith.constant 16 : i32
        %parallel_loop3A_227 = arith.muli %parallel_loop3A_225, %parallel_loop3A_226 : i32
        %parallel_loop3A_228 = tpu.assume_multiple %parallel_loop3A_227, 16 : i32
        %parallel_loop3A_229 = arith.constant 8192 : i32
        %parallel_loop3A_230 = arith.addi %parallel_loop3A_229, %parallel_loop3A_228 : i32
        %parallel_loop3A_231 = arith.index_cast %parallel_loop3A_230 : i32 to index
        %parallel_loop3A_232 = tpu.vector_load %arg8[%parallel_loop3A_231] {strides = array<i32>} : memref<16384xi32, #tpu.memory_space<vmem>>, vector<16xi32>,
        %parallel_loop3A_233 = tpu.vector_load_idx %arg7[%parallel_loop3A_232] : memref<100000xf32, #tpu.memory_space<vmem>>[vector<16xi32>], vector<16xf32>,
        %parallel_loop3A_234 = arith.constant 0 : i32
        %parallel_loop3A_235 = arith.index_cast %parallel_loop3A_234 : i32 to index
        %parallel_loop3A_236 = arith.index_cast %parallel_loop3A_228 : i32 to index
        %parallel_loop3A_237 = tpu.vector_load %arg9[%parallel_loop3A_235, %parallel_loop3A_236] {strides = array<i32>} : memref<2x4096xf32, #tpu.memory_space<vmem>>, vector<16xf32>,
        tpu.vector_store %arg9[%parallel_loop3A_235, %parallel_loop3A_236], %parallel_loop3A_233 {strides = array<i32>} : memref<2x4096xf32, #tpu.memory_space<vmem>>, vector<16xf32>,
      } {sc.loop_unroll_factor = 4 : i64, sc.parallel_access}
      %dma_start3A_161 = arith.constant 0 : i32
      %dma_start3A_162 = arith.constant 0 : i32
      %dma_start3A_163 = tpu.memref_slice %arg9[%dma_start3A_161, %dma_start3A_162] : memref<2x4096xf32, #tpu.memory_space<vmem>> -> memref<1x4096xf32, #tpu.memory_space<vmem>>
      %dma_start3A_164 = tpu.memref_squeeze %dma_start3A_163 : memref<1x4096xf32, #tpu.memory_space<vmem>> -> memref<4096xf32, #tpu.memory_space<vmem>>
      %dma_start3A_165 = arith.constant 0 : i32
      %dma_start3A_166 = tpu.memref_slice %arg5[%add3A_93, %dma_start3A_165] : memref<96x16384xf32, #tpu.memory_space<hbm>> -> memref<1x16384xf32, #tpu.memory_space<hbm>>
      %dma_start3A_167 = tpu.memref_squeeze %dma_start3A_166 : memref<1x16384xf32, #tpu.memory_space<hbm>> -> memref<16384xf32, #tpu.memory_space<hbm>>
      %dma_start3A_168 = arith.constant 8192 : i32
      %dma_start3A_169 = tpu.memref_slice %dma_start3A_167[%dma_start3A_168] : memref<16384xf32, #tpu.memory_space<hbm>> -> memref<4096xf32, #tpu.memory_space<hbm>>
      %dma_start3A_170 = arith.constant 0 : i32
      %dma_start3A_171 = tpu.memref_slice %arg5[%add3A_93, %dma_start3A_170] : memref<96x16384xf32, #tpu.memory_space<hbm>> -> memref<1x16384xf32, #tpu.memory_space<hbm>>
      %dma_start3A_172 = tpu.memref_squeeze %dma_start3A_171 : memref<1x16384xf32, #tpu.memory_space<hbm>> -> memref<16384xf32, #tpu.memory_space<hbm>>
      %dma_start3A_173 = arith.constant 8192 : i32
      %dma_start3A_174 = tpu.memref_slice %dma_start3A_172[%dma_start3A_173] : memref<16384xf32, #tpu.memory_space<hbm>> -> memref<4096xf32, #tpu.memory_space<hbm>>
      %dma_start3A_175 = arith.constant 0 : i32
      %dma_start3A_176 = tpu.memref_slice %arg9[%dma_start3A_161, %dma_start3A_175] : memref<2x4096xf32, #tpu.memory_space<vmem>> -> memref<1x4096xf32, #tpu.memory_space<vmem>>
      %dma_start3A_177 = tpu.memref_squeeze %dma_start3A_176 : memref<1x4096xf32, #tpu.memory_space<vmem>> -> memref<4096xf32, #tpu.memory_space<vmem>>
      tpu.enqueue_dma source(%dma_start3A_177 : memref<4096xf32, #tpu.memory_space<vmem>>) target(%dma_start3A_174 : memref<4096xf32, #tpu.memory_space<hbm>>) target_semaphore(%arg11 : memref<!tpu.dma_semaphore, #tpu.memory_space<semaphore_mem>>)
      %dma_wait3A_178 = arith.constant 0 : i32
      %dma_wait3A_179 = arith.constant 0 : i32
      %dma_wait3A_180 = arith.constant 0 : i32
      %dma_wait3A_181 = tpu.memref_slice %arg9[%dma_wait3A_178, %dma_wait3A_180] : memref<2x4096xf32, #tpu.memory_space<vmem>> -> memref<1x4096xf32, #tpu.memory_space<vmem>>
      %dma_wait3A_182 = tpu.memref_squeeze %dma_wait3A_181 : memref<1x4096xf32, #tpu.memory_space<vmem>> -> memref<4096xf32, #tpu.memory_space<vmem>>
      %dma_wait3A_183 = arith.constant 0 : i32
      %dma_wait3A_184 = tpu.memref_slice %arg5[%dma_wait3A_179, %dma_wait3A_183] : memref<96x16384xf32, #tpu.memory_space<hbm>> -> memref<1x16384xf32, #tpu.memory_space<hbm>>
      %dma_wait3A_185 = tpu.memref_squeeze %dma_wait3A_184 : memref<1x16384xf32, #tpu.memory_space<hbm>> -> memref<16384xf32, #tpu.memory_space<hbm>>
      %dma_wait3A_186 = arith.constant 0 : i32
      %dma_wait3A_187 = tpu.memref_slice %dma_wait3A_185[%dma_wait3A_186] : memref<16384xf32, #tpu.memory_space<hbm>> -> memref<4096xf32, #tpu.memory_space<hbm>>
      %dma_wait3A_188 = arith.constant 0 : i32
      %dma_wait3A_189 = tpu.memref_slice %arg5[%dma_wait3A_179, %dma_wait3A_188] : memref<96x16384xf32, #tpu.memory_space<hbm>> -> memref<1x16384xf32, #tpu.memory_space<hbm>>
      %dma_wait3A_190 = tpu.memref_squeeze %dma_wait3A_189 : memref<1x16384xf32, #tpu.memory_space<hbm>> -> memref<16384xf32, #tpu.memory_space<hbm>>
      %dma_wait3A_191 = arith.constant 0 : i32
      %dma_wait3A_192 = tpu.memref_slice %dma_wait3A_190[%dma_wait3A_191] : memref<16384xf32, #tpu.memory_space<hbm>> -> memref<4096xf32, #tpu.memory_space<hbm>>
      %dma_wait3A_193 = arith.constant 0 : i32
      %dma_wait3A_194 = tpu.memref_slice %arg9[%dma_wait3A_178, %dma_wait3A_193] : memref<2x4096xf32, #tpu.memory_space<vmem>> -> memref<1x4096xf32, #tpu.memory_space<vmem>>
      %dma_wait3A_195 = tpu.memref_squeeze %dma_wait3A_194 : memref<1x4096xf32, #tpu.memory_space<vmem>> -> memref<4096xf32, #tpu.memory_space<vmem>>
      tpu.wait_dma2 semaphore(%arg12 : memref<!tpu.dma_semaphore, #tpu.memory_space<semaphore_mem>>) src(%dma_wait3A_195 : memref<4096xf32, #tpu.memory_space<vmem>>) dst(%dma_wait3A_192 : memref<4096xf32, #tpu.memory_space<hbm>>)
      %parallel_loop3A_196 = arith.constant 0 : i32
      %parallel_loop3A_197 = arith.constant 256 : i32
      %parallel_loop3A_198 = arith.constant 1 : i32
      scf.for %parallel_loop3A_225 = %parallel_loop3A_196 to %parallel_loop3A_197 step %parallel_loop3A_198  : i32 {
        %parallel_loop3A_226 = arith.constant 16 : i32
        %parallel_loop3A_227 = arith.muli %parallel_loop3A_225, %parallel_loop3A_226 : i32
        %parallel_loop3A_228 = tpu.assume_multiple %parallel_loop3A_227, 16 : i32
        %parallel_loop3A_229 = arith.constant 12288 : i32
        %parallel_loop3A_230 = arith.addi %parallel_loop3A_229, %parallel_loop3A_228 : i32
        %parallel_loop3A_231 = arith.index_cast %parallel_loop3A_230 : i32 to index
        %parallel_loop3A_232 = tpu.vector_load %arg8[%parallel_loop3A_231] {strides = array<i32>} : memref<16384xi32, #tpu.memory_space<vmem>>, vector<16xi32>,
        %parallel_loop3A_233 = tpu.vector_load_idx %arg7[%parallel_loop3A_232] : memref<100000xf32, #tpu.memory_space<vmem>>[vector<16xi32>], vector<16xf32>,
        %parallel_loop3A_234 = arith.constant 1 : i32
        %parallel_loop3A_235 = arith.index_cast %parallel_loop3A_234 : i32 to index
        %parallel_loop3A_236 = arith.index_cast %parallel_loop3A_228 : i32 to index
        %parallel_loop3A_237 = tpu.vector_load %arg9[%parallel_loop3A_235, %parallel_loop3A_236] {strides = array<i32>} : memref<2x4096xf32, #tpu.memory_space<vmem>>, vector<16xf32>,
        tpu.vector_store %arg9[%parallel_loop3A_235, %parallel_loop3A_236], %parallel_loop3A_233 {strides = array<i32>} : memref<2x4096xf32, #tpu.memory_space<vmem>>, vector<16xf32>,
      } {sc.loop_unroll_factor = 4 : i64, sc.parallel_access}
      %dma_start3A_199 = arith.constant 1 : i32
      %dma_start3A_200 = arith.constant 0 : i32
      %dma_start3A_201 = tpu.memref_slice %arg9[%dma_start3A_199, %dma_start3A_200] : memref<2x4096xf32, #tpu.memory_space<vmem>> -> memref<1x4096xf32, #tpu.memory_space<vmem>>
      %dma_start3A_202 = tpu.memref_squeeze %dma_start3A_201 : memref<1x4096xf32, #tpu.memory_space<vmem>> -> memref<4096xf32, #tpu.memory_space<vmem>>
      %dma_start3A_203 = arith.constant 0 : i32
      %dma_start3A_204 = tpu.memref_slice %arg5[%add3A_93, %dma_start3A_203] : memref<96x16384xf32, #tpu.memory_space<hbm>> -> memref<1x16384xf32, #tpu.memory_space<hbm>>
      %dma_start3A_205 = tpu.memref_squeeze %dma_start3A_204 : memref<1x16384xf32, #tpu.memory_space<hbm>> -> memref<16384xf32, #tpu.memory_space<hbm>>
      %dma_start3A_206 = arith.constant 12288 : i32
      %dma_start3A_207 = tpu.memref_slice %dma_start3A_205[%dma_start3A_206] : memref<16384xf32, #tpu.memory_space<hbm>> -> memref<4096xf32, #tpu.memory_space<hbm>>
      %dma_start3A_208 = arith.constant 0 : i32
      %dma_start3A_209 = tpu.memref_slice %arg5[%add3A_93, %dma_start3A_208] : memref<96x16384xf32, #tpu.memory_space<hbm>> -> memref<1x16384xf32, #tpu.memory_space<hbm>>
      %dma_start3A_210 = tpu.memref_squeeze %dma_start3A_209 : memref<1x16384xf32, #tpu.memory_space<hbm>> -> memref<16384xf32, #tpu.memory_space<hbm>>
      %dma_start3A_211 = arith.constant 12288 : i32
      %dma_start3A_212 = tpu.memref_slice %dma_start3A_210[%dma_start3A_211] : memref<16384xf32, #tpu.memory_space<hbm>> -> memref<4096xf32, #tpu.memory_space<hbm>>
      %dma_start3A_213 = arith.constant 0 : i32
      %dma_start3A_214 = tpu.memref_slice %arg9[%dma_start3A_199, %dma_start3A_213] : memref<2x4096xf32, #tpu.memory_space<vmem>> -> memref<1x4096xf32, #tpu.memory_space<vmem>>
      %dma_start3A_215 = tpu.memref_squeeze %dma_start3A_214 : memref<1x4096xf32, #tpu.memory_space<vmem>> -> memref<4096xf32, #tpu.memory_space<vmem>>
      tpu.enqueue_dma source(%dma_start3A_215 : memref<4096xf32, #tpu.memory_space<vmem>>) target(%dma_start3A_212 : memref<4096xf32, #tpu.memory_space<hbm>>) target_semaphore(%arg12 : memref<!tpu.dma_semaphore, #tpu.memory_space<semaphore_mem>>)
      %lt3A = arith.constant 3 : i32
      %lt3A_216 = arith.cmpi slt, %add3A_79, %lt3A : i32
      %convert_element_type3A_217 = arith.extui %lt3A_216 : i1 to i32
      %cond3A_218 = arith.constant 0 : i32
      %cond3A_219 = arith.cmpi ne, %convert_element_type3A_217, %cond3A_218 : i32
      scf.if %cond3A_219 {
        %add3A_225 = arith.constant 1 : i32
        %add3A_226 = arith.addi %add3A_60, %add3A_225 : i32
        %dma_start3A_227 = arith.constant 0 : i32
        %dma_start3A_228 = tpu.memref_slice %arg2[%add3A_226, %dma_start3A_227] : memref<416x100000xf32, #tpu.memory_space<hbm>> -> memref<1x100000xf32, #tpu.memory_space<hbm>>
        %dma_start3A_229 = tpu.memref_squeeze %dma_start3A_228 : memref<1x100000xf32, #tpu.memory_space<hbm>> -> memref<100000xf32, #tpu.memory_space<hbm>>
        %dma_start3A_230 = arith.constant 0 : i32
        %dma_start3A_231 = tpu.memref_slice %arg2[%add3A_226, %dma_start3A_230] : memref<416x100000xf32, #tpu.memory_space<hbm>> -> memref<1x100000xf32, #tpu.memory_space<hbm>>
        %dma_start3A_232 = tpu.memref_squeeze %dma_start3A_231 : memref<1x100000xf32, #tpu.memory_space<hbm>> -> memref<100000xf32, #tpu.memory_space<hbm>>
        tpu.enqueue_dma source(%dma_start3A_232 : memref<100000xf32, #tpu.memory_space<hbm>>) target(%arg7 : memref<100000xf32, #tpu.memory_space<vmem>>) target_semaphore(%arg10 : memref<!tpu.dma_semaphore, #tpu.memory_space<semaphore_mem>>)
      } else {
      }
      %eq3A = arith.constant 3 : i32
      %eq3A_220 = arith.cmpi eq, %add3A_79, %eq3A : i32
      %and3A_221 = arith.andi %eq3A_220, %ge3A_1 : i1
      %convert_element_type3A_222 = arith.extui %and3A_221 : i1 to i32
      %cond3A_223 = arith.constant 0 : i32
      %cond3A_224 = arith.cmpi ne, %convert_element_type3A_222, %cond3A_223 : i32
      scf.if %cond3A_224 {
        %dma_start3A_225 = arith.constant 0 : i32
        %dma_start3A_226 = tpu.memref_slice %arg3[%sub3A_2, %dma_start3A_225] : memref<26x100000xf32, #tpu.memory_space<hbm>> -> memref<1x100000xf32, #tpu.memory_space<hbm>>
        %dma_start3A_227 = tpu.memref_squeeze %dma_start3A_226 : memref<1x100000xf32, #tpu.memory_space<hbm>> -> memref<100000xf32, #tpu.memory_space<hbm>>
        %dma_start3A_228 = arith.constant 0 : i32
        %dma_start3A_229 = tpu.memref_slice %arg3[%sub3A_2, %dma_start3A_228] : memref<26x100000xf32, #tpu.memory_space<hbm>> -> memref<1x100000xf32, #tpu.memory_space<hbm>>
        %dma_start3A_230 = tpu.memref_squeeze %dma_start3A_229 : memref<1x100000xf32, #tpu.memory_space<hbm>> -> memref<100000xf32, #tpu.memory_space<hbm>>
        tpu.enqueue_dma source(%dma_start3A_230 : memref<100000xf32, #tpu.memory_space<hbm>>) target(%arg7 : memref<100000xf32, #tpu.memory_space<vmem>>) target_semaphore(%arg10 : memref<!tpu.dma_semaphore, #tpu.memory_space<semaphore_mem>>)
      } else {
      }
      scf.yield %select_n3A : i32
    }
    %scan3A_17 = arith.constant 3 : i32
    %convert_element_type3A = arith.extui %ge3A_1 : i1 to i32
    %cond3A = arith.constant 0 : i32
    %cond3A_18 = arith.cmpi ne, %convert_element_type3A, %cond3A : i32
    scf.if %cond3A_18 {
      "tpu.region"() ({
        %run_scoped3A = tpu.sem_alloc : memref<!tpu.dma_semaphore, #tpu.memory_space<semaphore_mem>>
        %dma_start3A_184 = arith.constant 0 : i32
        %dma_start3A_185 = tpu.memref_slice %arg4[%sub3A_2, %dma_start3A_184] : memref<26x16384xi32, #tpu.memory_space<hbm>> -> memref<1x16384xi32, #tpu.memory_space<hbm>>
        %dma_start3A_186 = tpu.memref_squeeze %dma_start3A_185 : memref<1x16384xi32, #tpu.memory_space<hbm>> -> memref<16384xi32, #tpu.memory_space<hbm>>
        %dma_start3A_187 = arith.constant 0 : i32
        %dma_start3A_188 = tpu.memref_slice %arg4[%sub3A_2, %dma_start3A_187] : memref<26x16384xi32, #tpu.memory_space<hbm>> -> memref<1x16384xi32, #tpu.memory_space<hbm>>
        %dma_start3A_189 = tpu.memref_squeeze %dma_start3A_188 : memref<1x16384xi32, #tpu.memory_space<hbm>> -> memref<16384xi32, #tpu.memory_space<hbm>>
        tpu.enqueue_dma source(%dma_start3A_189 : memref<16384xi32, #tpu.memory_space<hbm>>) target(%arg8 : memref<16384xi32, #tpu.memory_space<vmem>>) target_semaphore(%run_scoped3A : memref<!tpu.dma_semaphore, #tpu.memory_space<semaphore_mem>>)
        %dma_wait3A_190 = arith.constant 0 : i32
        %dma_wait3A_191 = tpu.memref_slice %arg4[%sub3A_2, %dma_wait3A_190] : memref<26x16384xi32, #tpu.memory_space<hbm>> -> memref<1x16384xi32, #tpu.memory_space<hbm>>
        %dma_wait3A_192 = tpu.memref_squeeze %dma_wait3A_191 : memref<1x16384xi32, #tpu.memory_space<hbm>> -> memref<16384xi32, #tpu.memory_space<hbm>>
        %dma_wait3A_193 = arith.constant 0 : i32
        %dma_wait3A_194 = tpu.memref_slice %arg4[%sub3A_2, %dma_wait3A_193] : memref<26x16384xi32, #tpu.memory_space<hbm>> -> memref<1x16384xi32, #tpu.memory_space<hbm>>
        %dma_wait3A_195 = tpu.memref_squeeze %dma_wait3A_194 : memref<1x16384xi32, #tpu.memory_space<hbm>> -> memref<16384xi32, #tpu.memory_space<hbm>>
        tpu.wait_dma2 semaphore(%run_scoped3A : memref<!tpu.dma_semaphore, #tpu.memory_space<semaphore_mem>>) src(%dma_wait3A_195 : memref<16384xi32, #tpu.memory_space<hbm>>) dst(%arg8 : memref<16384xi32, #tpu.memory_space<vmem>>)
        tpu.yield
      }) : () -> ()
      %dma_wait3A_54 = arith.constant 0 : i32
      %dma_wait3A_55 = arith.constant 0 : i32
      %dma_wait3A_56 = tpu.memref_slice %arg2[%dma_wait3A_54, %dma_wait3A_55] : memref<416x100000xf32, #tpu.memory_space<hbm>> -> memref<1x100000xf32, #tpu.memory_space<hbm>>
      %dma_wait3A_57 = tpu.memref_squeeze %dma_wait3A_56 : memref<1x100000xf32, #tpu.memory_space<hbm>> -> memref<100000xf32, #tpu.memory_space<hbm>>
      %dma_wait3A_58 = arith.constant 0 : i32
      %dma_wait3A_59 = tpu.memref_slice %arg2[%dma_wait3A_54, %dma_wait3A_58] : memref<416x100000xf32, #tpu.memory_space<hbm>> -> memref<1x100000xf32, #tpu.memory_space<hbm>>
      %dma_wait3A_60 = tpu.memref_squeeze %dma_wait3A_59 : memref<1x100000xf32, #tpu.memory_space<hbm>> -> memref<100000xf32, #tpu.memory_space<hbm>>
      tpu.wait_dma2 semaphore(%arg10 : memref<!tpu.dma_semaphore, #tpu.memory_space<semaphore_mem>>) src(%dma_wait3A_60 : memref<100000xf32, #tpu.memory_space<hbm>>) dst(%arg7 : memref<100000xf32, #tpu.memory_space<vmem>>)
      %ge3A_61 = arith.constant 0 : i32
      %ge3A_62 = arith.cmpi sge, %add3A, %ge3A_61 : i32
      %convert_element_type3A_63 = arith.extui %ge3A_62 : i1 to i32
      %cond3A_64 = arith.constant 0 : i32
      %cond3A_65 = arith.cmpi ne, %convert_element_type3A_63, %cond3A_64 : i32
      scf.if %cond3A_65 {
        %dma_wait3A_184 = arith.constant 0 : i32
        %dma_wait3A_185 = arith.constant 0 : i32
        %dma_wait3A_186 = arith.constant 0 : i32
        %dma_wait3A_187 = tpu.memref_slice %arg9[%dma_wait3A_184, %dma_wait3A_186] : memref<2x4096xf32, #tpu.memory_space<vmem>> -> memref<1x4096xf32, #tpu.memory_space<vmem>>
        %dma_wait3A_188 = tpu.memref_squeeze %dma_wait3A_187 : memref<1x4096xf32, #tpu.memory_space<vmem>> -> memref<4096xf32, #tpu.memory_space<vmem>>
        %dma_wait3A_189 = arith.constant 0 : i32
        %dma_wait3A_190 = tpu.memref_slice %arg5[%dma_wait3A_185, %dma_wait3A_189] : memref<96x16384xf32, #tpu.memory_space<hbm>> -> memref<1x16384xf32, #tpu.memory_space<hbm>>
        %dma_wait3A_191 = tpu.memref_squeeze %dma_wait3A_190 : memref<1x16384xf32, #tpu.memory_space<hbm>> -> memref<16384xf32, #tpu.memory_space<hbm>>
        %dma_wait3A_192 = arith.constant 0 : i32
        %dma_wait3A_193 = tpu.memref_slice %dma_wait3A_191[%dma_wait3A_192] : memref<16384xf32, #tpu.memory_space<hbm>> -> memref<4096xf32, #tpu.memory_space<hbm>>
        %dma_wait3A_194 = arith.constant 0 : i32
        %dma_wait3A_195 = tpu.memref_slice %arg5[%dma_wait3A_185, %dma_wait3A_194] : memref<96x16384xf32, #tpu.memory_space<hbm>> -> memref<1x16384xf32, #tpu.memory_space<hbm>>
        %dma_wait3A_196 = tpu.memref_squeeze %dma_wait3A_195 : memref<1x16384xf32, #tpu.memory_space<hbm>> -> memref<16384xf32, #tpu.memory_space<hbm>>
        %dma_wait3A_197 = arith.constant 0 : i32
        %dma_wait3A_198 = tpu.memref_slice %dma_wait3A_196[%dma_wait3A_197] : memref<16384xf32, #tpu.memory_space<hbm>> -> memref<4096xf32, #tpu.memory_space<hbm>>
        %dma_wait3A_199 = arith.constant 0 : i32
        %dma_wait3A_200 = tpu.memref_slice %arg9[%dma_wait3A_184, %dma_wait3A_199] : memref<2x4096xf32, #tpu.memory_space<vmem>> -> memref<1x4096xf32, #tpu.memory_space<vmem>>
        %dma_wait3A_201 = tpu.memref_squeeze %dma_wait3A_200 : memref<1x4096xf32, #tpu.memory_space<vmem>> -> memref<4096xf32, #tpu.memory_space<vmem>>
        tpu.wait_dma2 semaphore(%arg11 : memref<!tpu.dma_semaphore, #tpu.memory_space<semaphore_mem>>) src(%dma_wait3A_201 : memref<4096xf32, #tpu.memory_space<vmem>>) dst(%dma_wait3A_198 : memref<4096xf32, #tpu.memory_space<hbm>>)
      } else {
      }
      %parallel_loop3A = arith.constant 0 : i32
      %parallel_loop3A_66 = arith.constant 256 : i32
      %parallel_loop3A_67 = arith.constant 1 : i32
      scf.for %parallel_loop3A_184 = %parallel_loop3A to %parallel_loop3A_66 step %parallel_loop3A_67  : i32 {
        %parallel_loop3A_185 = arith.constant 16 : i32
        %parallel_loop3A_186 = arith.muli %parallel_loop3A_184, %parallel_loop3A_185 : i32
        %parallel_loop3A_187 = tpu.assume_multiple %parallel_loop3A_186, 16 : i32
        %parallel_loop3A_188 = arith.constant 0 : i32
        %parallel_loop3A_189 = arith.addi %parallel_loop3A_188, %parallel_loop3A_187 : i32
        %parallel_loop3A_190 = arith.index_cast %parallel_loop3A_189 : i32 to index
        %parallel_loop3A_191 = tpu.vector_load %arg8[%parallel_loop3A_190] {strides = array<i32>} : memref<16384xi32, #tpu.memory_space<vmem>>, vector<16xi32>,
        %parallel_loop3A_192 = tpu.vector_load_idx %arg7[%parallel_loop3A_191] : memref<100000xf32, #tpu.memory_space<vmem>>[vector<16xi32>], vector<16xf32>,
        %parallel_loop3A_193 = arith.constant 0 : i32
        %parallel_loop3A_194 = arith.index_cast %parallel_loop3A_193 : i32 to index
        %parallel_loop3A_195 = arith.index_cast %parallel_loop3A_187 : i32 to index
        %parallel_loop3A_196 = tpu.vector_load %arg9[%parallel_loop3A_194, %parallel_loop3A_195] {strides = array<i32>} : memref<2x4096xf32, #tpu.memory_space<vmem>>, vector<16xf32>,
        tpu.vector_store %arg9[%parallel_loop3A_194, %parallel_loop3A_195], %parallel_loop3A_192 {strides = array<i32>} : memref<2x4096xf32, #tpu.memory_space<vmem>>, vector<16xf32>,
      } {sc.loop_unroll_factor = 4 : i64, sc.parallel_access}
      %dma_start3A_68 = arith.constant 0 : i32
      %dma_start3A_69 = arith.constant 0 : i32
      %dma_start3A_70 = tpu.memref_slice %arg9[%dma_start3A_68, %dma_start3A_69] : memref<2x4096xf32, #tpu.memory_space<vmem>> -> memref<1x4096xf32, #tpu.memory_space<vmem>>
      %dma_start3A_71 = tpu.memref_squeeze %dma_start3A_70 : memref<1x4096xf32, #tpu.memory_space<vmem>> -> memref<4096xf32, #tpu.memory_space<vmem>>
      %dma_start3A_72 = arith.constant 0 : i32
      %dma_start3A_73 = tpu.memref_slice %arg6[%sub3A_2, %dma_start3A_72] : memref<26x16384xf32, #tpu.memory_space<hbm>> -> memref<1x16384xf32, #tpu.memory_space<hbm>>
      %dma_start3A_74 = tpu.memref_squeeze %dma_start3A_73 : memref<1x16384xf32, #tpu.memory_space<hbm>> -> memref<16384xf32, #tpu.memory_space<hbm>>
      %dma_start3A_75 = arith.constant 0 : i32
      %dma_start3A_76 = tpu.memref_slice %dma_start3A_74[%dma_start3A_75] : memref<16384xf32, #tpu.memory_space<hbm>> -> memref<4096xf32, #tpu.memory_space<hbm>>
      %dma_start3A_77 = arith.constant 0 : i32
      %dma_start3A_78 = tpu.memref_slice %arg6[%sub3A_2, %dma_start3A_77] : memref<26x16384xf32, #tpu.memory_space<hbm>> -> memref<1x16384xf32, #tpu.memory_space<hbm>>
      %dma_start3A_79 = tpu.memref_squeeze %dma_start3A_78 : memref<1x16384xf32, #tpu.memory_space<hbm>> -> memref<16384xf32, #tpu.memory_space<hbm>>
      %dma_start3A_80 = arith.constant 0 : i32
      %dma_start3A_81 = tpu.memref_slice %dma_start3A_79[%dma_start3A_80] : memref<16384xf32, #tpu.memory_space<hbm>> -> memref<4096xf32, #tpu.memory_space<hbm>>
      %dma_start3A_82 = arith.constant 0 : i32
      %dma_start3A_83 = tpu.memref_slice %arg9[%dma_start3A_68, %dma_start3A_82] : memref<2x4096xf32, #tpu.memory_space<vmem>> -> memref<1x4096xf32, #tpu.memory_space<vmem>>
      %dma_start3A_84 = tpu.memref_squeeze %dma_start3A_83 : memref<1x4096xf32, #tpu.memory_space<vmem>> -> memref<4096xf32, #tpu.memory_space<vmem>>
      tpu.enqueue_dma source(%dma_start3A_84 : memref<4096xf32, #tpu.memory_space<vmem>>) target(%dma_start3A_81 : memref<4096xf32, #tpu.memory_space<hbm>>) target_semaphore(%arg11 : memref<!tpu.dma_semaphore, #tpu.memory_space<semaphore_mem>>)
      %convert_element_type3A_85 = arith.extui %ge3A_62 : i1 to i32
      %cond3A_86 = arith.constant 0 : i32
      %cond3A_87 = arith.cmpi ne, %convert_element_type3A_85, %cond3A_86 : i32
      scf.if %cond3A_87 {
        %dma_wait3A_184 = arith.constant 0 : i32
        %dma_wait3A_185 = arith.constant 0 : i32
        %dma_wait3A_186 = arith.constant 0 : i32
        %dma_wait3A_187 = tpu.memref_slice %arg9[%dma_wait3A_184, %dma_wait3A_186] : memref<2x4096xf32, #tpu.memory_space<vmem>> -> memref<1x4096xf32, #tpu.memory_space<vmem>>
        %dma_wait3A_188 = tpu.memref_squeeze %dma_wait3A_187 : memref<1x4096xf32, #tpu.memory_space<vmem>> -> memref<4096xf32, #tpu.memory_space<vmem>>
        %dma_wait3A_189 = arith.constant 0 : i32
        %dma_wait3A_190 = tpu.memref_slice %arg5[%dma_wait3A_185, %dma_wait3A_189] : memref<96x16384xf32, #tpu.memory_space<hbm>> -> memref<1x16384xf32, #tpu.memory_space<hbm>>
        %dma_wait3A_191 = tpu.memref_squeeze %dma_wait3A_190 : memref<1x16384xf32, #tpu.memory_space<hbm>> -> memref<16384xf32, #tpu.memory_space<hbm>>
        %dma_wait3A_192 = arith.constant 0 : i32
        %dma_wait3A_193 = tpu.memref_slice %dma_wait3A_191[%dma_wait3A_192] : memref<16384xf32, #tpu.memory_space<hbm>> -> memref<4096xf32, #tpu.memory_space<hbm>>
        %dma_wait3A_194 = arith.constant 0 : i32
        %dma_wait3A_195 = tpu.memref_slice %arg5[%dma_wait3A_185, %dma_wait3A_194] : memref<96x16384xf32, #tpu.memory_space<hbm>> -> memref<1x16384xf32, #tpu.memory_space<hbm>>
        %dma_wait3A_196 = tpu.memref_squeeze %dma_wait3A_195 : memref<1x16384xf32, #tpu.memory_space<hbm>> -> memref<16384xf32, #tpu.memory_space<hbm>>
        %dma_wait3A_197 = arith.constant 0 : i32
        %dma_wait3A_198 = tpu.memref_slice %dma_wait3A_196[%dma_wait3A_197] : memref<16384xf32, #tpu.memory_space<hbm>> -> memref<4096xf32, #tpu.memory_space<hbm>>
        %dma_wait3A_199 = arith.constant 0 : i32
        %dma_wait3A_200 = tpu.memref_slice %arg9[%dma_wait3A_184, %dma_wait3A_199] : memref<2x4096xf32, #tpu.memory_space<vmem>> -> memref<1x4096xf32, #tpu.memory_space<vmem>>
        %dma_wait3A_201 = tpu.memref_squeeze %dma_wait3A_200 : memref<1x4096xf32, #tpu.memory_space<vmem>> -> memref<4096xf32, #tpu.memory_space<vmem>>
        tpu.wait_dma2 semaphore(%arg12 : memref<!tpu.dma_semaphore, #tpu.memory_space<semaphore_mem>>) src(%dma_wait3A_201 : memref<4096xf32, #tpu.memory_space<vmem>>) dst(%dma_wait3A_198 : memref<4096xf32, #tpu.memory_space<hbm>>)
      } else {
      }
      %parallel_loop3A_88 = arith.constant 0 : i32
      %parallel_loop3A_89 = arith.constant 256 : i32
      %parallel_loop3A_90 = arith.constant 1 : i32
      scf.for %parallel_loop3A_184 = %parallel_loop3A_88 to %parallel_loop3A_89 step %parallel_loop3A_90  : i32 {
        %parallel_loop3A_185 = arith.constant 16 : i32
        %parallel_loop3A_186 = arith.muli %parallel_loop3A_184, %parallel_loop3A_185 : i32
        %parallel_loop3A_187 = tpu.assume_multiple %parallel_loop3A_186, 16 : i32
        %parallel_loop3A_188 = arith.constant 4096 : i32
        %parallel_loop3A_189 = arith.addi %parallel_loop3A_188, %parallel_loop3A_187 : i32
        %parallel_loop3A_190 = arith.index_cast %parallel_loop3A_189 : i32 to index
        %parallel_loop3A_191 = tpu.vector_load %arg8[%parallel_loop3A_190] {strides = array<i32>} : memref<16384xi32, #tpu.memory_space<vmem>>, vector<16xi32>,
        %parallel_loop3A_192 = tpu.vector_load_idx %arg7[%parallel_loop3A_191] : memref<100000xf32, #tpu.memory_space<vmem>>[vector<16xi32>], vector<16xf32>,
        %parallel_loop3A_193 = arith.constant 1 : i32
        %parallel_loop3A_194 = arith.index_cast %parallel_loop3A_193 : i32 to index
        %parallel_loop3A_195 = arith.index_cast %parallel_loop3A_187 : i32 to index
        %parallel_loop3A_196 = tpu.vector_load %arg9[%parallel_loop3A_194, %parallel_loop3A_195] {strides = array<i32>} : memref<2x4096xf32, #tpu.memory_space<vmem>>, vector<16xf32>,
        tpu.vector_store %arg9[%parallel_loop3A_194, %parallel_loop3A_195], %parallel_loop3A_192 {strides = array<i32>} : memref<2x4096xf32, #tpu.memory_space<vmem>>, vector<16xf32>,
      } {sc.loop_unroll_factor = 4 : i64, sc.parallel_access}
      %dma_start3A_91 = arith.constant 1 : i32
      %dma_start3A_92 = arith.constant 0 : i32
      %dma_start3A_93 = tpu.memref_slice %arg9[%dma_start3A_91, %dma_start3A_92] : memref<2x4096xf32, #tpu.memory_space<vmem>> -> memref<1x4096xf32, #tpu.memory_space<vmem>>
      %dma_start3A_94 = tpu.memref_squeeze %dma_start3A_93 : memref<1x4096xf32, #tpu.memory_space<vmem>> -> memref<4096xf32, #tpu.memory_space<vmem>>
      %dma_start3A_95 = arith.constant 0 : i32
      %dma_start3A_96 = tpu.memref_slice %arg6[%sub3A_2, %dma_start3A_95] : memref<26x16384xf32, #tpu.memory_space<hbm>> -> memref<1x16384xf32, #tpu.memory_space<hbm>>
      %dma_start3A_97 = tpu.memref_squeeze %dma_start3A_96 : memref<1x16384xf32, #tpu.memory_space<hbm>> -> memref<16384xf32, #tpu.memory_space<hbm>>
      %dma_start3A_98 = arith.constant 4096 : i32
      %dma_start3A_99 = tpu.memref_slice %dma_start3A_97[%dma_start3A_98] : memref<16384xf32, #tpu.memory_space<hbm>> -> memref<4096xf32, #tpu.memory_space<hbm>>
      %dma_start3A_100 = arith.constant 0 : i32
      %dma_start3A_101 = tpu.memref_slice %arg6[%sub3A_2, %dma_start3A_100] : memref<26x16384xf32, #tpu.memory_space<hbm>> -> memref<1x16384xf32, #tpu.memory_space<hbm>>
      %dma_start3A_102 = tpu.memref_squeeze %dma_start3A_101 : memref<1x16384xf32, #tpu.memory_space<hbm>> -> memref<16384xf32, #tpu.memory_space<hbm>>
      %dma_start3A_103 = arith.constant 4096 : i32
      %dma_start3A_104 = tpu.memref_slice %dma_start3A_102[%dma_start3A_103] : memref<16384xf32, #tpu.memory_space<hbm>> -> memref<4096xf32, #tpu.memory_space<hbm>>
      %dma_start3A_105 = arith.constant 0 : i32
      %dma_start3A_106 = tpu.memref_slice %arg9[%dma_start3A_91, %dma_start3A_105] : memref<2x4096xf32, #tpu.memory_space<vmem>> -> memref<1x4096xf32, #tpu.memory_space<vmem>>
      %dma_start3A_107 = tpu.memref_squeeze %dma_start3A_106 : memref<1x4096xf32, #tpu.memory_space<vmem>> -> memref<4096xf32, #tpu.memory_space<vmem>>
      tpu.enqueue_dma source(%dma_start3A_107 : memref<4096xf32, #tpu.memory_space<vmem>>) target(%dma_start3A_104 : memref<4096xf32, #tpu.memory_space<hbm>>) target_semaphore(%arg12 : memref<!tpu.dma_semaphore, #tpu.memory_space<semaphore_mem>>)
      %dma_wait3A_108 = arith.constant 0 : i32
      %dma_wait3A_109 = arith.constant 0 : i32
      %dma_wait3A_110 = arith.constant 0 : i32
      %dma_wait3A_111 = tpu.memref_slice %arg9[%dma_wait3A_108, %dma_wait3A_110] : memref<2x4096xf32, #tpu.memory_space<vmem>> -> memref<1x4096xf32, #tpu.memory_space<vmem>>
      %dma_wait3A_112 = tpu.memref_squeeze %dma_wait3A_111 : memref<1x4096xf32, #tpu.memory_space<vmem>> -> memref<4096xf32, #tpu.memory_space<vmem>>
      %dma_wait3A_113 = arith.constant 0 : i32
      %dma_wait3A_114 = tpu.memref_slice %arg5[%dma_wait3A_109, %dma_wait3A_113] : memref<96x16384xf32, #tpu.memory_space<hbm>> -> memref<1x16384xf32, #tpu.memory_space<hbm>>
      %dma_wait3A_115 = tpu.memref_squeeze %dma_wait3A_114 : memref<1x16384xf32, #tpu.memory_space<hbm>> -> memref<16384xf32, #tpu.memory_space<hbm>>
      %dma_wait3A_116 = arith.constant 0 : i32
      %dma_wait3A_117 = tpu.memref_slice %dma_wait3A_115[%dma_wait3A_116] : memref<16384xf32, #tpu.memory_space<hbm>> -> memref<4096xf32, #tpu.memory_space<hbm>>
      %dma_wait3A_118 = arith.constant 0 : i32
      %dma_wait3A_119 = tpu.memref_slice %arg5[%dma_wait3A_109, %dma_wait3A_118] : memref<96x16384xf32, #tpu.memory_space<hbm>> -> memref<1x16384xf32, #tpu.memory_space<hbm>>
      %dma_wait3A_120 = tpu.memref_squeeze %dma_wait3A_119 : memref<1x16384xf32, #tpu.memory_space<hbm>> -> memref<16384xf32, #tpu.memory_space<hbm>>
      %dma_wait3A_121 = arith.constant 0 : i32
      %dma_wait3A_122 = tpu.memref_slice %dma_wait3A_120[%dma_wait3A_121] : memref<16384xf32, #tpu.memory_space<hbm>> -> memref<4096xf32, #tpu.memory_space<hbm>>
      %dma_wait3A_123 = arith.constant 0 : i32
      %dma_wait3A_124 = tpu.memref_slice %arg9[%dma_wait3A_108, %dma_wait3A_123] : memref<2x4096xf32, #tpu.memory_space<vmem>> -> memref<1x4096xf32, #tpu.memory_space<vmem>>
      %dma_wait3A_125 = tpu.memref_squeeze %dma_wait3A_124 : memref<1x4096xf32, #tpu.memory_space<vmem>> -> memref<4096xf32, #tpu.memory_space<vmem>>
      tpu.wait_dma2 semaphore(%arg11 : memref<!tpu.dma_semaphore, #tpu.memory_space<semaphore_mem>>) src(%dma_wait3A_125 : memref<4096xf32, #tpu.memory_space<vmem>>) dst(%dma_wait3A_122 : memref<4096xf32, #tpu.memory_space<hbm>>)
      %parallel_loop3A_126 = arith.constant 0 : i32
      %parallel_loop3A_127 = arith.constant 256 : i32
      %parallel_loop3A_128 = arith.constant 1 : i32
      scf.for %parallel_loop3A_184 = %parallel_loop3A_126 to %parallel_loop3A_127 step %parallel_loop3A_128  : i32 {
        %parallel_loop3A_185 = arith.constant 16 : i32
        %parallel_loop3A_186 = arith.muli %parallel_loop3A_184, %parallel_loop3A_185 : i32
        %parallel_loop3A_187 = tpu.assume_multiple %parallel_loop3A_186, 16 : i32
        %parallel_loop3A_188 = arith.constant 8192 : i32
        %parallel_loop3A_189 = arith.addi %parallel_loop3A_188, %parallel_loop3A_187 : i32
        %parallel_loop3A_190 = arith.index_cast %parallel_loop3A_189 : i32 to index
        %parallel_loop3A_191 = tpu.vector_load %arg8[%parallel_loop3A_190] {strides = array<i32>} : memref<16384xi32, #tpu.memory_space<vmem>>, vector<16xi32>,
        %parallel_loop3A_192 = tpu.vector_load_idx %arg7[%parallel_loop3A_191] : memref<100000xf32, #tpu.memory_space<vmem>>[vector<16xi32>], vector<16xf32>,
        %parallel_loop3A_193 = arith.constant 0 : i32
        %parallel_loop3A_194 = arith.index_cast %parallel_loop3A_193 : i32 to index
        %parallel_loop3A_195 = arith.index_cast %parallel_loop3A_187 : i32 to index
        %parallel_loop3A_196 = tpu.vector_load %arg9[%parallel_loop3A_194, %parallel_loop3A_195] {strides = array<i32>} : memref<2x4096xf32, #tpu.memory_space<vmem>>, vector<16xf32>,
        tpu.vector_store %arg9[%parallel_loop3A_194, %parallel_loop3A_195], %parallel_loop3A_192 {strides = array<i32>} : memref<2x4096xf32, #tpu.memory_space<vmem>>, vector<16xf32>,
      } {sc.loop_unroll_factor = 4 : i64, sc.parallel_access}
      %dma_start3A_129 = arith.constant 0 : i32
      %dma_start3A_130 = arith.constant 0 : i32
      %dma_start3A_131 = tpu.memref_slice %arg9[%dma_start3A_129, %dma_start3A_130] : memref<2x4096xf32, #tpu.memory_space<vmem>> -> memref<1x4096xf32, #tpu.memory_space<vmem>>
      %dma_start3A_132 = tpu.memref_squeeze %dma_start3A_131 : memref<1x4096xf32, #tpu.memory_space<vmem>> -> memref<4096xf32, #tpu.memory_space<vmem>>
      %dma_start3A_133 = arith.constant 0 : i32
      %dma_start3A_134 = tpu.memref_slice %arg6[%sub3A_2, %dma_start3A_133] : memref<26x16384xf32, #tpu.memory_space<hbm>> -> memref<1x16384xf32, #tpu.memory_space<hbm>>
      %dma_start3A_135 = tpu.memref_squeeze %dma_start3A_134 : memref<1x16384xf32, #tpu.memory_space<hbm>> -> memref<16384xf32, #tpu.memory_space<hbm>>
      %dma_start3A_136 = arith.constant 8192 : i32
      %dma_start3A_137 = tpu.memref_slice %dma_start3A_135[%dma_start3A_136] : memref<16384xf32, #tpu.memory_space<hbm>> -> memref<4096xf32, #tpu.memory_space<hbm>>
      %dma_start3A_138 = arith.constant 0 : i32
      %dma_start3A_139 = tpu.memref_slice %arg6[%sub3A_2, %dma_start3A_138] : memref<26x16384xf32, #tpu.memory_space<hbm>> -> memref<1x16384xf32, #tpu.memory_space<hbm>>
      %dma_start3A_140 = tpu.memref_squeeze %dma_start3A_139 : memref<1x16384xf32, #tpu.memory_space<hbm>> -> memref<16384xf32, #tpu.memory_space<hbm>>
      %dma_start3A_141 = arith.constant 8192 : i32
      %dma_start3A_142 = tpu.memref_slice %dma_start3A_140[%dma_start3A_141] : memref<16384xf32, #tpu.memory_space<hbm>> -> memref<4096xf32, #tpu.memory_space<hbm>>
      %dma_start3A_143 = arith.constant 0 : i32
      %dma_start3A_144 = tpu.memref_slice %arg9[%dma_start3A_129, %dma_start3A_143] : memref<2x4096xf32, #tpu.memory_space<vmem>> -> memref<1x4096xf32, #tpu.memory_space<vmem>>
      %dma_start3A_145 = tpu.memref_squeeze %dma_start3A_144 : memref<1x4096xf32, #tpu.memory_space<vmem>> -> memref<4096xf32, #tpu.memory_space<vmem>>
      tpu.enqueue_dma source(%dma_start3A_145 : memref<4096xf32, #tpu.memory_space<vmem>>) target(%dma_start3A_142 : memref<4096xf32, #tpu.memory_space<hbm>>) target_semaphore(%arg11 : memref<!tpu.dma_semaphore, #tpu.memory_space<semaphore_mem>>)
      %dma_wait3A_146 = arith.constant 0 : i32
      %dma_wait3A_147 = arith.constant 0 : i32
      %dma_wait3A_148 = arith.constant 0 : i32
      %dma_wait3A_149 = tpu.memref_slice %arg9[%dma_wait3A_146, %dma_wait3A_148] : memref<2x4096xf32, #tpu.memory_space<vmem>> -> memref<1x4096xf32, #tpu.memory_space<vmem>>
      %dma_wait3A_150 = tpu.memref_squeeze %dma_wait3A_149 : memref<1x4096xf32, #tpu.memory_space<vmem>> -> memref<4096xf32, #tpu.memory_space<vmem>>
      %dma_wait3A_151 = arith.constant 0 : i32
      %dma_wait3A_152 = tpu.memref_slice %arg5[%dma_wait3A_147, %dma_wait3A_151] : memref<96x16384xf32, #tpu.memory_space<hbm>> -> memref<1x16384xf32, #tpu.memory_space<hbm>>
      %dma_wait3A_153 = tpu.memref_squeeze %dma_wait3A_152 : memref<1x16384xf32, #tpu.memory_space<hbm>> -> memref<16384xf32, #tpu.memory_space<hbm>>
      %dma_wait3A_154 = arith.constant 0 : i32
      %dma_wait3A_155 = tpu.memref_slice %dma_wait3A_153[%dma_wait3A_154] : memref<16384xf32, #tpu.memory_space<hbm>> -> memref<4096xf32, #tpu.memory_space<hbm>>
      %dma_wait3A_156 = arith.constant 0 : i32
      %dma_wait3A_157 = tpu.memref_slice %arg5[%dma_wait3A_147, %dma_wait3A_156] : memref<96x16384xf32, #tpu.memory_space<hbm>> -> memref<1x16384xf32, #tpu.memory_space<hbm>>
      %dma_wait3A_158 = tpu.memref_squeeze %dma_wait3A_157 : memref<1x16384xf32, #tpu.memory_space<hbm>> -> memref<16384xf32, #tpu.memory_space<hbm>>
      %dma_wait3A_159 = arith.constant 0 : i32
      %dma_wait3A_160 = tpu.memref_slice %dma_wait3A_158[%dma_wait3A_159] : memref<16384xf32, #tpu.memory_space<hbm>> -> memref<4096xf32, #tpu.memory_space<hbm>>
      %dma_wait3A_161 = arith.constant 0 : i32
      %dma_wait3A_162 = tpu.memref_slice %arg9[%dma_wait3A_146, %dma_wait3A_161] : memref<2x4096xf32, #tpu.memory_space<vmem>> -> memref<1x4096xf32, #tpu.memory_space<vmem>>
      %dma_wait3A_163 = tpu.memref_squeeze %dma_wait3A_162 : memref<1x4096xf32, #tpu.memory_space<vmem>> -> memref<4096xf32, #tpu.memory_space<vmem>>
      tpu.wait_dma2 semaphore(%arg12 : memref<!tpu.dma_semaphore, #tpu.memory_space<semaphore_mem>>) src(%dma_wait3A_163 : memref<4096xf32, #tpu.memory_space<vmem>>) dst(%dma_wait3A_160 : memref<4096xf32, #tpu.memory_space<hbm>>)
      %parallel_loop3A_164 = arith.constant 0 : i32
      %parallel_loop3A_165 = arith.constant 256 : i32
      %parallel_loop3A_166 = arith.constant 1 : i32
      scf.for %parallel_loop3A_184 = %parallel_loop3A_164 to %parallel_loop3A_165 step %parallel_loop3A_166  : i32 {
        %parallel_loop3A_185 = arith.constant 16 : i32
        %parallel_loop3A_186 = arith.muli %parallel_loop3A_184, %parallel_loop3A_185 : i32
        %parallel_loop3A_187 = tpu.assume_multiple %parallel_loop3A_186, 16 : i32
        %parallel_loop3A_188 = arith.constant 12288 : i32
        %parallel_loop3A_189 = arith.addi %parallel_loop3A_188, %parallel_loop3A_187 : i32
        %parallel_loop3A_190 = arith.index_cast %parallel_loop3A_189 : i32 to index
        %parallel_loop3A_191 = tpu.vector_load %arg8[%parallel_loop3A_190] {strides = array<i32>} : memref<16384xi32, #tpu.memory_space<vmem>>, vector<16xi32>,
        %parallel_loop3A_192 = tpu.vector_load_idx %arg7[%parallel_loop3A_191] : memref<100000xf32, #tpu.memory_space<vmem>>[vector<16xi32>], vector<16xf32>,
        %parallel_loop3A_193 = arith.constant 1 : i32
        %parallel_loop3A_194 = arith.index_cast %parallel_loop3A_193 : i32 to index
        %parallel_loop3A_195 = arith.index_cast %parallel_loop3A_187 : i32 to index
        %parallel_loop3A_196 = tpu.vector_load %arg9[%parallel_loop3A_194, %parallel_loop3A_195] {strides = array<i32>} : memref<2x4096xf32, #tpu.memory_space<vmem>>, vector<16xf32>,
        tpu.vector_store %arg9[%parallel_loop3A_194, %parallel_loop3A_195], %parallel_loop3A_192 {strides = array<i32>} : memref<2x4096xf32, #tpu.memory_space<vmem>>, vector<16xf32>,
      } {sc.loop_unroll_factor = 4 : i64, sc.parallel_access}
      %dma_start3A_167 = arith.constant 1 : i32
      %dma_start3A_168 = arith.constant 0 : i32
      %dma_start3A_169 = tpu.memref_slice %arg9[%dma_start3A_167, %dma_start3A_168] : memref<2x4096xf32, #tpu.memory_space<vmem>> -> memref<1x4096xf32, #tpu.memory_space<vmem>>
      %dma_start3A_170 = tpu.memref_squeeze %dma_start3A_169 : memref<1x4096xf32, #tpu.memory_space<vmem>> -> memref<4096xf32, #tpu.memory_space<vmem>>
      %dma_start3A_171 = arith.constant 0 : i32
      %dma_start3A_172 = tpu.memref_slice %arg6[%sub3A_2, %dma_start3A_171] : memref<26x16384xf32, #tpu.memory_space<hbm>> -> memref<1x16384xf32, #tpu.memory_space<hbm>>
      %dma_start3A_173 = tpu.memref_squeeze %dma_start3A_172 : memref<1x16384xf32, #tpu.memory_space<hbm>> -> memref<16384xf32, #tpu.memory_space<hbm>>
      %dma_start3A_174 = arith.constant 12288 : i32
      %dma_start3A_175 = tpu.memref_slice %dma_start3A_173[%dma_start3A_174] : memref<16384xf32, #tpu.memory_space<hbm>> -> memref<4096xf32, #tpu.memory_space<hbm>>
      %dma_start3A_176 = arith.constant 0 : i32
      %dma_start3A_177 = tpu.memref_slice %arg6[%sub3A_2, %dma_start3A_176] : memref<26x16384xf32, #tpu.memory_space<hbm>> -> memref<1x16384xf32, #tpu.memory_space<hbm>>
      %dma_start3A_178 = tpu.memref_squeeze %dma_start3A_177 : memref<1x16384xf32, #tpu.memory_space<hbm>> -> memref<16384xf32, #tpu.memory_space<hbm>>
      %dma_start3A_179 = arith.constant 12288 : i32
      %dma_start3A_180 = tpu.memref_slice %dma_start3A_178[%dma_start3A_179] : memref<16384xf32, #tpu.memory_space<hbm>> -> memref<4096xf32, #tpu.memory_space<hbm>>
      %dma_start3A_181 = arith.constant 0 : i32
      %dma_start3A_182 = tpu.memref_slice %arg9[%dma_start3A_167, %dma_start3A_181] : memref<2x4096xf32, #tpu.memory_space<vmem>> -> memref<1x4096xf32, #tpu.memory_space<vmem>>
      %dma_start3A_183 = tpu.memref_squeeze %dma_start3A_182 : memref<1x4096xf32, #tpu.memory_space<vmem>> -> memref<4096xf32, #tpu.memory_space<vmem>>
      tpu.enqueue_dma source(%dma_start3A_183 : memref<4096xf32, #tpu.memory_space<vmem>>) target(%dma_start3A_180 : memref<4096xf32, #tpu.memory_space<hbm>>) target_semaphore(%arg12 : memref<!tpu.dma_semaphore, #tpu.memory_space<semaphore_mem>>)
    } else {
    }
    %dma_wait3A = arith.constant 0 : i32
    %dma_wait3A_19 = arith.constant 0 : i32
    %dma_wait3A_20 = arith.constant 0 : i32
    %dma_wait3A_21 = tpu.memref_slice %arg9[%dma_wait3A, %dma_wait3A_20] : memref<2x4096xf32, #tpu.memory_space<vmem>> -> memref<1x4096xf32, #tpu.memory_space<vmem>>
    %dma_wait3A_22 = tpu.memref_squeeze %dma_wait3A_21 : memref<1x4096xf32, #tpu.memory_space<vmem>> -> memref<4096xf32, #tpu.memory_space<vmem>>
    %dma_wait3A_23 = arith.constant 0 : i32
    %dma_wait3A_24 = tpu.memref_slice %arg5[%dma_wait3A_19, %dma_wait3A_23] : memref<96x16384xf32, #tpu.memory_space<hbm>> -> memref<1x16384xf32, #tpu.memory_space<hbm>>
    %dma_wait3A_25 = tpu.memref_squeeze %dma_wait3A_24 : memref<1x16384xf32, #tpu.memory_space<hbm>> -> memref<16384xf32, #tpu.memory_space<hbm>>
    %dma_wait3A_26 = arith.constant 0 : i32
    %dma_wait3A_27 = tpu.memref_slice %dma_wait3A_25[%dma_wait3A_26] : memref<16384xf32, #tpu.memory_space<hbm>> -> memref<4096xf32, #tpu.memory_space<hbm>>
    %dma_wait3A_28 = arith.constant 0 : i32
    %dma_wait3A_29 = tpu.memref_slice %arg5[%dma_wait3A_19, %dma_wait3A_28] : memref<96x16384xf32, #tpu.memory_space<hbm>> -> memref<1x16384xf32, #tpu.memory_space<hbm>>
    %dma_wait3A_30 = tpu.memref_squeeze %dma_wait3A_29 : memref<1x16384xf32, #tpu.memory_space<hbm>> -> memref<16384xf32, #tpu.memory_space<hbm>>
    %dma_wait3A_31 = arith.constant 0 : i32
    %dma_wait3A_32 = tpu.memref_slice %dma_wait3A_30[%dma_wait3A_31] : memref<16384xf32, #tpu.memory_space<hbm>> -> memref<4096xf32, #tpu.memory_space<hbm>>
    %dma_wait3A_33 = arith.constant 0 : i32
    %dma_wait3A_34 = tpu.memref_slice %arg9[%dma_wait3A, %dma_wait3A_33] : memref<2x4096xf32, #tpu.memory_space<vmem>> -> memref<1x4096xf32, #tpu.memory_space<vmem>>
    %dma_wait3A_35 = tpu.memref_squeeze %dma_wait3A_34 : memref<1x4096xf32, #tpu.memory_space<vmem>> -> memref<4096xf32, #tpu.memory_space<vmem>>
    tpu.wait_dma2 semaphore(%arg11 : memref<!tpu.dma_semaphore, #tpu.memory_space<semaphore_mem>>) src(%dma_wait3A_35 : memref<4096xf32, #tpu.memory_space<vmem>>) dst(%dma_wait3A_32 : memref<4096xf32, #tpu.memory_space<hbm>>)
    %dma_wait3A_36 = arith.constant 0 : i32
    %dma_wait3A_37 = arith.constant 0 : i32
    %dma_wait3A_38 = arith.constant 0 : i32
    %dma_wait3A_39 = tpu.memref_slice %arg9[%dma_wait3A_36, %dma_wait3A_38] : memref<2x4096xf32, #tpu.memory_space<vmem>> -> memref<1x4096xf32, #tpu.memory_space<vmem>>
    %dma_wait3A_40 = tpu.memref_squeeze %dma_wait3A_39 : memref<1x4096xf32, #tpu.memory_space<vmem>> -> memref<4096xf32, #tpu.memory_space<vmem>>
    %dma_wait3A_41 = arith.constant 0 : i32
    %dma_wait3A_42 = tpu.memref_slice %arg5[%dma_wait3A_37, %dma_wait3A_41] : memref<96x16384xf32, #tpu.memory_space<hbm>> -> memref<1x16384xf32, #tpu.memory_space<hbm>>
    %dma_wait3A_43 = tpu.memref_squeeze %dma_wait3A_42 : memref<1x16384xf32, #tpu.memory_space<hbm>> -> memref<16384xf32, #tpu.memory_space<hbm>>
    %dma_wait3A_44 = arith.constant 0 : i32
    %dma_wait3A_45 = tpu.memref_slice %dma_wait3A_43[%dma_wait3A_44] : memref<16384xf32, #tpu.memory_space<hbm>> -> memref<4096xf32, #tpu.memory_space<hbm>>
    %dma_wait3A_46 = arith.constant 0 : i32
    %dma_wait3A_47 = tpu.memref_slice %arg5[%dma_wait3A_37, %dma_wait3A_46] : memref<96x16384xf32, #tpu.memory_space<hbm>> -> memref<1x16384xf32, #tpu.memory_space<hbm>>
    %dma_wait3A_48 = tpu.memref_squeeze %dma_wait3A_47 : memref<1x16384xf32, #tpu.memory_space<hbm>> -> memref<16384xf32, #tpu.memory_space<hbm>>
    %dma_wait3A_49 = arith.constant 0 : i32
    %dma_wait3A_50 = tpu.memref_slice %dma_wait3A_48[%dma_wait3A_49] : memref<16384xf32, #tpu.memory_space<hbm>> -> memref<4096xf32, #tpu.memory_space<hbm>>
    %dma_wait3A_51 = arith.constant 0 : i32
    %dma_wait3A_52 = tpu.memref_slice %arg9[%dma_wait3A_36, %dma_wait3A_51] : memref<2x4096xf32, #tpu.memory_space<vmem>> -> memref<1x4096xf32, #tpu.memory_space<vmem>>
    %dma_wait3A_53 = tpu.memref_squeeze %dma_wait3A_52 : memref<1x4096xf32, #tpu.memory_space<vmem>> -> memref<4096xf32, #tpu.memory_space<vmem>>
    tpu.wait_dma2 semaphore(%arg12 : memref<!tpu.dma_semaphore, #tpu.memory_space<semaphore_mem>>) src(%dma_wait3A_53 : memref<4096xf32, #tpu.memory_space<vmem>>) dst(%dma_wait3A_50 : memref<4096xf32, #tpu.memory_space<hbm>>)
    return
  }
}

#map = affine_map<(d0, d1) -> (0, 0)>
module attributes {stable_mosaic.version = 14 : i64} {
  func.func @gather(%arg0: i32, %arg1: i32, %arg2: memref<416x100000xf32, #tpu.memory_space<hbm>>, %arg3: memref<26x100000xf32, #tpu.memory_space<hbm>>, %arg4: memref<26x16384xi32, #tpu.memory_space<hbm>>, %arg5: memref<320x16384xf32, #tpu.memory_space<hbm>>, %arg6: memref<100000xf32, #tpu.memory_space<vmem>>, %arg7: memref<16384xi32, #tpu.memory_space<vmem>>, %arg8: memref<2x4096xf32, #tpu.memory_space<vmem>>, %arg9: memref<!tpu.dma_semaphore, #tpu.memory_space<semaphore_mem>>, %arg10: memref<!tpu.dma_semaphore, #tpu.memory_space<semaphore_mem>>, %arg11: memref<!tpu.dma_semaphore, #tpu.memory_space<semaphore_mem>>) attributes {dimension_semantics = [#tpu.dimension_semantics<core_parallel>, #tpu.dimension_semantics<subcore_parallel>], iteration_bounds = array<i64: 2, 16>, scalar_prefetch = 0 : i64, scratch_operands = 6 : i64, tpu.core_type = #tpu.core_type<sc_vector_subcore>, window_params = [{transform_indices = #map}, {transform_indices = #map}, {transform_indices = #map}, {transform_indices = #map}]} {
    %mul3A = arith.constant 2 : i32
    %mul3A_0 = arith.muli %arg1, %mul3A : i32
    %add3A = arith.addi %mul3A_0, %arg0 : i32
    %ge3A = arith.constant 6 : i32
    %ge3A_1 = arith.cmpi sge, %add3A, %ge3A : i32
    %sub3A = arith.constant 6 : i32
    %sub3A_2 = arith.subi %add3A, %sub3A : i32
    %mul3A_3 = arith.constant 10 : i32
    %mul3A_4 = arith.muli %add3A, %mul3A_3 : i32
    %add3A_5 = arith.constant 0 : i32
    %add3A_6 = arith.addi %add3A_5, %mul3A_4 : i32
    %dma_start3A = arith.constant 0 : i32
    %dma_start3A_7 = tpu.memref_slice %arg2[%add3A_6, %dma_start3A] : memref<416x100000xf32, #tpu.memory_space<hbm>> -> memref<1x100000xf32, #tpu.memory_space<hbm>>
    %dma_start3A_8 = tpu.memref_squeeze %dma_start3A_7 : memref<1x100000xf32, #tpu.memory_space<hbm>> -> memref<100000xf32, #tpu.memory_space<hbm>>
    %dma_start3A_9 = arith.constant 0 : i32
    %dma_start3A_10 = tpu.memref_slice %arg2[%add3A_6, %dma_start3A_9] : memref<416x100000xf32, #tpu.memory_space<hbm>> -> memref<1x100000xf32, #tpu.memory_space<hbm>>
    %dma_start3A_11 = tpu.memref_squeeze %dma_start3A_10 : memref<1x100000xf32, #tpu.memory_space<hbm>> -> memref<100000xf32, #tpu.memory_space<hbm>>
    tpu.enqueue_dma source(%dma_start3A_11 : memref<100000xf32, #tpu.memory_space<hbm>>) target(%arg6 : memref<100000xf32, #tpu.memory_space<vmem>>) target_semaphore(%arg9 : memref<!tpu.dma_semaphore, #tpu.memory_space<semaphore_mem>>)
    %scan3A = arith.constant -1 : i32
    %scan3A_12 = arith.constant 0 : i32
    %scan3A_13 = arith.constant 10 : i32
    %scan3A_14 = arith.addi %scan3A_12, %scan3A_13 : i32
    %scan3A_15 = arith.constant 1 : i32
    %scan3A_16 = scf.for %scan3A_53 = %scan3A_12 to %scan3A_14 step %scan3A_15 iter_args(%scan3A_54 = %scan3A) -> (i32)  : i32 {
      %mul3A_55 = arith.constant 10 : i32
      %mul3A_56 = arith.muli %add3A, %mul3A_55 : i32
      %add3A_57 = arith.constant 0 : i32
      %add3A_58 = arith.addi %add3A_57, %mul3A_56 : i32
      %add3A_59 = arith.addi %add3A_58, %scan3A_53 : i32
      %jit3A = arith.constant 16 : i32
      %div3A = arith.divsi %add3A_59, %jit3A : i32
      %sign3A = arith.constant 0 : i32
      %sign3A_60 = arith.cmpi sgt, %add3A_59, %sign3A : i32
      %sign3A_61 = arith.extui %sign3A_60 : i1 to i32
      %sign3A_62 = arith.constant 0 : i32
      %sign3A_63 = arith.cmpi slt, %add3A_59, %sign3A_62 : i32
      %sign3A_64 = arith.extui %sign3A_63 : i1 to i32
      %sign3A_65 = arith.subi %sign3A_61, %sign3A_64 : i32
      %sign3A_66 = arith.constant 0 : i32
      %sign3A_67 = arith.cmpi sgt, %jit3A, %sign3A_66 : i32
      %sign3A_68 = arith.extui %sign3A_67 : i1 to i32
      %sign3A_69 = arith.constant 0 : i32
      %sign3A_70 = arith.cmpi slt, %jit3A, %sign3A_69 : i32
      %sign3A_71 = arith.extui %sign3A_70 : i1 to i32
      %sign3A_72 = arith.subi %sign3A_68, %sign3A_71 : i32
      %ne3A = arith.cmpi ne, %sign3A_65, %sign3A_72 : i32
      %rem3A = arith.remsi %add3A_59, %jit3A : i32
      %ne3A_73 = arith.constant 0 : i32
      %ne3A_74 = arith.cmpi ne, %rem3A, %ne3A_73 : i32
      %and3A = arith.andi %ne3A, %ne3A_74 : i1
      %sub3A_75 = arith.constant 1 : i32
      %sub3A_76 = arith.subi %div3A, %sub3A_75 : i32
      %select_n3A = arith.select %and3A, %sub3A_76, %div3A : i32
      %add3A_77 = arith.constant 1 : i32
      %add3A_78 = arith.addi %scan3A_53, %add3A_77 : i32
      %ne3A_79 = arith.cmpi ne, %select_n3A, %scan3A_54 : i32
      %convert_element_type3A = arith.extui %ne3A_79 : i1 to i32
      %cond3A = arith.constant 0 : i32
      %cond3A_80 = arith.cmpi ne, %convert_element_type3A, %cond3A : i32
      scf.if %cond3A_80 {
        "tpu.region"() ({
          %run_scoped3A = tpu.sem_alloc : memref<!tpu.dma_semaphore, #tpu.memory_space<semaphore_mem>>
          %dma_start3A_217 = arith.constant 0 : i32
          %dma_start3A_218 = tpu.memref_slice %arg4[%select_n3A, %dma_start3A_217] : memref<26x16384xi32, #tpu.memory_space<hbm>> -> memref<1x16384xi32, #tpu.memory_space<hbm>>
          %dma_start3A_219 = tpu.memref_squeeze %dma_start3A_218 : memref<1x16384xi32, #tpu.memory_space<hbm>> -> memref<16384xi32, #tpu.memory_space<hbm>>
          %dma_start3A_220 = arith.constant 0 : i32
          %dma_start3A_221 = tpu.memref_slice %arg4[%select_n3A, %dma_start3A_220] : memref<26x16384xi32, #tpu.memory_space<hbm>> -> memref<1x16384xi32, #tpu.memory_space<hbm>>
          %dma_start3A_222 = tpu.memref_squeeze %dma_start3A_221 : memref<1x16384xi32, #tpu.memory_space<hbm>> -> memref<16384xi32, #tpu.memory_space<hbm>>
          tpu.enqueue_dma source(%dma_start3A_222 : memref<16384xi32, #tpu.memory_space<hbm>>) target(%arg7 : memref<16384xi32, #tpu.memory_space<vmem>>) target_semaphore(%run_scoped3A : memref<!tpu.dma_semaphore, #tpu.memory_space<semaphore_mem>>)
          %dma_wait3A_223 = arith.constant 0 : i32
          %dma_wait3A_224 = tpu.memref_slice %arg4[%select_n3A, %dma_wait3A_223] : memref<26x16384xi32, #tpu.memory_space<hbm>> -> memref<1x16384xi32, #tpu.memory_space<hbm>>
          %dma_wait3A_225 = tpu.memref_squeeze %dma_wait3A_224 : memref<1x16384xi32, #tpu.memory_space<hbm>> -> memref<16384xi32, #tpu.memory_space<hbm>>
          %dma_wait3A_226 = arith.constant 0 : i32
          %dma_wait3A_227 = tpu.memref_slice %arg4[%select_n3A, %dma_wait3A_226] : memref<26x16384xi32, #tpu.memory_space<hbm>> -> memref<1x16384xi32, #tpu.memory_space<hbm>>
          %dma_wait3A_228 = tpu.memref_squeeze %dma_wait3A_227 : memref<1x16384xi32, #tpu.memory_space<hbm>> -> memref<16384xi32, #tpu.memory_space<hbm>>
          tpu.wait_dma2 semaphore(%run_scoped3A : memref<!tpu.dma_semaphore, #tpu.memory_space<semaphore_mem>>) src(%dma_wait3A_228 : memref<16384xi32, #tpu.memory_space<hbm>>) dst(%arg7 : memref<16384xi32, #tpu.memory_space<vmem>>)
          tpu.yield
        }) : () -> ()
      } else {
      }
      %dma_wait3A_81 = arith.constant 0 : i32
      %dma_wait3A_82 = arith.constant 0 : i32
      %dma_wait3A_83 = tpu.memref_slice %arg2[%dma_wait3A_81, %dma_wait3A_82] : memref<416x100000xf32, #tpu.memory_space<hbm>> -> memref<1x100000xf32, #tpu.memory_space<hbm>>
      %dma_wait3A_84 = tpu.memref_squeeze %dma_wait3A_83 : memref<1x100000xf32, #tpu.memory_space<hbm>> -> memref<100000xf32, #tpu.memory_space<hbm>>
      %dma_wait3A_85 = arith.constant 0 : i32
      %dma_wait3A_86 = tpu.memref_slice %arg2[%dma_wait3A_81, %dma_wait3A_85] : memref<416x100000xf32, #tpu.memory_space<hbm>> -> memref<1x100000xf32, #tpu.memory_space<hbm>>
      %dma_wait3A_87 = tpu.memref_squeeze %dma_wait3A_86 : memref<1x100000xf32, #tpu.memory_space<hbm>> -> memref<100000xf32, #tpu.memory_space<hbm>>
      tpu.wait_dma2 semaphore(%arg9 : memref<!tpu.dma_semaphore, #tpu.memory_space<semaphore_mem>>) src(%dma_wait3A_87 : memref<100000xf32, #tpu.memory_space<hbm>>) dst(%arg6 : memref<100000xf32, #tpu.memory_space<vmem>>)
      %mul3A_88 = arith.constant 10 : i32
      %mul3A_89 = arith.muli %add3A, %mul3A_88 : i32
      %add3A_90 = arith.addi %mul3A_89, %scan3A_53 : i32
      %gt3A = arith.constant 0 : i32
      %gt3A_91 = arith.cmpi sgt, %scan3A_53, %gt3A : i32
      %convert_element_type3A_92 = arith.extui %gt3A_91 : i1 to i32
      %cond3A_93 = arith.constant 0 : i32
      %cond3A_94 = arith.cmpi ne, %convert_element_type3A_92, %cond3A_93 : i32
      scf.if %cond3A_94 {
        %dma_wait3A_217 = arith.constant 0 : i32
        %dma_wait3A_218 = arith.constant 0 : i32
        %dma_wait3A_219 = arith.constant 0 : i32
        %dma_wait3A_220 = tpu.memref_slice %arg8[%dma_wait3A_217, %dma_wait3A_219] : memref<2x4096xf32, #tpu.memory_space<vmem>> -> memref<1x4096xf32, #tpu.memory_space<vmem>>
        %dma_wait3A_221 = tpu.memref_squeeze %dma_wait3A_220 : memref<1x4096xf32, #tpu.memory_space<vmem>> -> memref<4096xf32, #tpu.memory_space<vmem>>
        %dma_wait3A_222 = arith.constant 0 : i32
        %dma_wait3A_223 = tpu.memref_slice %arg5[%dma_wait3A_218, %dma_wait3A_222] : memref<320x16384xf32, #tpu.memory_space<hbm>> -> memref<1x16384xf32, #tpu.memory_space<hbm>>
        %dma_wait3A_224 = tpu.memref_squeeze %dma_wait3A_223 : memref<1x16384xf32, #tpu.memory_space<hbm>> -> memref<16384xf32, #tpu.memory_space<hbm>>
        %dma_wait3A_225 = arith.constant 0 : i32
        %dma_wait3A_226 = tpu.memref_slice %dma_wait3A_224[%dma_wait3A_225] : memref<16384xf32, #tpu.memory_space<hbm>> -> memref<4096xf32, #tpu.memory_space<hbm>>
        %dma_wait3A_227 = arith.constant 0 : i32
        %dma_wait3A_228 = tpu.memref_slice %arg5[%dma_wait3A_218, %dma_wait3A_227] : memref<320x16384xf32, #tpu.memory_space<hbm>> -> memref<1x16384xf32, #tpu.memory_space<hbm>>
        %dma_wait3A_229 = tpu.memref_squeeze %dma_wait3A_228 : memref<1x16384xf32, #tpu.memory_space<hbm>> -> memref<16384xf32, #tpu.memory_space<hbm>>
        %dma_wait3A_230 = arith.constant 0 : i32
        %dma_wait3A_231 = tpu.memref_slice %dma_wait3A_229[%dma_wait3A_230] : memref<16384xf32, #tpu.memory_space<hbm>> -> memref<4096xf32, #tpu.memory_space<hbm>>
        %dma_wait3A_232 = arith.constant 0 : i32
        %dma_wait3A_233 = tpu.memref_slice %arg8[%dma_wait3A_217, %dma_wait3A_232] : memref<2x4096xf32, #tpu.memory_space<vmem>> -> memref<1x4096xf32, #tpu.memory_space<vmem>>
        %dma_wait3A_234 = tpu.memref_squeeze %dma_wait3A_233 : memref<1x4096xf32, #tpu.memory_space<vmem>> -> memref<4096xf32, #tpu.memory_space<vmem>>
        tpu.wait_dma2 semaphore(%arg10 : memref<!tpu.dma_semaphore, #tpu.memory_space<semaphore_mem>>) src(%dma_wait3A_234 : memref<4096xf32, #tpu.memory_space<vmem>>) dst(%dma_wait3A_231 : memref<4096xf32, #tpu.memory_space<hbm>>)
      } else {
      }
      %parallel_loop3A = arith.constant 0 : i32
      %parallel_loop3A_95 = arith.constant 256 : i32
      %parallel_loop3A_96 = arith.constant 1 : i32
      scf.for %parallel_loop3A_217 = %parallel_loop3A to %parallel_loop3A_95 step %parallel_loop3A_96  : i32 {
        %parallel_loop3A_218 = arith.constant 16 : i32
        %parallel_loop3A_219 = arith.muli %parallel_loop3A_217, %parallel_loop3A_218 : i32
        %parallel_loop3A_220 = tpu.assume_multiple %parallel_loop3A_219, 16 : i32
        %parallel_loop3A_221 = arith.constant 0 : i32
        %parallel_loop3A_222 = arith.addi %parallel_loop3A_221, %parallel_loop3A_220 : i32
        %parallel_loop3A_223 = arith.index_cast %parallel_loop3A_222 : i32 to index
        %parallel_loop3A_224 = tpu.vector_load %arg7[%parallel_loop3A_223] {strides = array<i32>} : memref<16384xi32, #tpu.memory_space<vmem>>, vector<16xi32>,
        %parallel_loop3A_225 = tpu.vector_load_idx %arg6[%parallel_loop3A_224] : memref<100000xf32, #tpu.memory_space<vmem>>[vector<16xi32>], vector<16xf32>,
        %parallel_loop3A_226 = arith.constant 0 : i32
        %parallel_loop3A_227 = arith.index_cast %parallel_loop3A_226 : i32 to index
        %parallel_loop3A_228 = arith.index_cast %parallel_loop3A_220 : i32 to index
        %parallel_loop3A_229 = tpu.vector_load %arg8[%parallel_loop3A_227, %parallel_loop3A_228] {strides = array<i32>} : memref<2x4096xf32, #tpu.memory_space<vmem>>, vector<16xf32>,
        tpu.vector_store %arg8[%parallel_loop3A_227, %parallel_loop3A_228], %parallel_loop3A_225 {strides = array<i32>} : memref<2x4096xf32, #tpu.memory_space<vmem>>, vector<16xf32>,
      } {sc.loop_unroll_factor = 4 : i64, sc.parallel_access}
      %dma_start3A_97 = arith.constant 0 : i32
      %dma_start3A_98 = arith.constant 0 : i32
      %dma_start3A_99 = tpu.memref_slice %arg8[%dma_start3A_97, %dma_start3A_98] : memref<2x4096xf32, #tpu.memory_space<vmem>> -> memref<1x4096xf32, #tpu.memory_space<vmem>>
      %dma_start3A_100 = tpu.memref_squeeze %dma_start3A_99 : memref<1x4096xf32, #tpu.memory_space<vmem>> -> memref<4096xf32, #tpu.memory_space<vmem>>
      %dma_start3A_101 = arith.constant 0 : i32
      %dma_start3A_102 = tpu.memref_slice %arg5[%add3A_90, %dma_start3A_101] : memref<320x16384xf32, #tpu.memory_space<hbm>> -> memref<1x16384xf32, #tpu.memory_space<hbm>>
      %dma_start3A_103 = tpu.memref_squeeze %dma_start3A_102 : memref<1x16384xf32, #tpu.memory_space<hbm>> -> memref<16384xf32, #tpu.memory_space<hbm>>
      %dma_start3A_104 = arith.constant 0 : i32
      %dma_start3A_105 = tpu.memref_slice %dma_start3A_103[%dma_start3A_104] : memref<16384xf32, #tpu.memory_space<hbm>> -> memref<4096xf32, #tpu.memory_space<hbm>>
      %dma_start3A_106 = arith.constant 0 : i32
      %dma_start3A_107 = tpu.memref_slice %arg5[%add3A_90, %dma_start3A_106] : memref<320x16384xf32, #tpu.memory_space<hbm>> -> memref<1x16384xf32, #tpu.memory_space<hbm>>
      %dma_start3A_108 = tpu.memref_squeeze %dma_start3A_107 : memref<1x16384xf32, #tpu.memory_space<hbm>> -> memref<16384xf32, #tpu.memory_space<hbm>>
      %dma_start3A_109 = arith.constant 0 : i32
      %dma_start3A_110 = tpu.memref_slice %dma_start3A_108[%dma_start3A_109] : memref<16384xf32, #tpu.memory_space<hbm>> -> memref<4096xf32, #tpu.memory_space<hbm>>
      %dma_start3A_111 = arith.constant 0 : i32
      %dma_start3A_112 = tpu.memref_slice %arg8[%dma_start3A_97, %dma_start3A_111] : memref<2x4096xf32, #tpu.memory_space<vmem>> -> memref<1x4096xf32, #tpu.memory_space<vmem>>
      %dma_start3A_113 = tpu.memref_squeeze %dma_start3A_112 : memref<1x4096xf32, #tpu.memory_space<vmem>> -> memref<4096xf32, #tpu.memory_space<vmem>>
      tpu.enqueue_dma source(%dma_start3A_113 : memref<4096xf32, #tpu.memory_space<vmem>>) target(%dma_start3A_110 : memref<4096xf32, #tpu.memory_space<hbm>>) target_semaphore(%arg10 : memref<!tpu.dma_semaphore, #tpu.memory_space<semaphore_mem>>)
      %convert_element_type3A_114 = arith.extui %gt3A_91 : i1 to i32
      %cond3A_115 = arith.constant 0 : i32
      %cond3A_116 = arith.cmpi ne, %convert_element_type3A_114, %cond3A_115 : i32
      scf.if %cond3A_116 {
        %dma_wait3A_217 = arith.constant 0 : i32
        %dma_wait3A_218 = arith.constant 0 : i32
        %dma_wait3A_219 = arith.constant 0 : i32
        %dma_wait3A_220 = tpu.memref_slice %arg8[%dma_wait3A_217, %dma_wait3A_219] : memref<2x4096xf32, #tpu.memory_space<vmem>> -> memref<1x4096xf32, #tpu.memory_space<vmem>>
        %dma_wait3A_221 = tpu.memref_squeeze %dma_wait3A_220 : memref<1x4096xf32, #tpu.memory_space<vmem>> -> memref<4096xf32, #tpu.memory_space<vmem>>
        %dma_wait3A_222 = arith.constant 0 : i32
        %dma_wait3A_223 = tpu.memref_slice %arg5[%dma_wait3A_218, %dma_wait3A_222] : memref<320x16384xf32, #tpu.memory_space<hbm>> -> memref<1x16384xf32, #tpu.memory_space<hbm>>
        %dma_wait3A_224 = tpu.memref_squeeze %dma_wait3A_223 : memref<1x16384xf32, #tpu.memory_space<hbm>> -> memref<16384xf32, #tpu.memory_space<hbm>>
        %dma_wait3A_225 = arith.constant 0 : i32
        %dma_wait3A_226 = tpu.memref_slice %dma_wait3A_224[%dma_wait3A_225] : memref<16384xf32, #tpu.memory_space<hbm>> -> memref<4096xf32, #tpu.memory_space<hbm>>
        %dma_wait3A_227 = arith.constant 0 : i32
        %dma_wait3A_228 = tpu.memref_slice %arg5[%dma_wait3A_218, %dma_wait3A_227] : memref<320x16384xf32, #tpu.memory_space<hbm>> -> memref<1x16384xf32, #tpu.memory_space<hbm>>
        %dma_wait3A_229 = tpu.memref_squeeze %dma_wait3A_228 : memref<1x16384xf32, #tpu.memory_space<hbm>> -> memref<16384xf32, #tpu.memory_space<hbm>>
        %dma_wait3A_230 = arith.constant 0 : i32
        %dma_wait3A_231 = tpu.memref_slice %dma_wait3A_229[%dma_wait3A_230] : memref<16384xf32, #tpu.memory_space<hbm>> -> memref<4096xf32, #tpu.memory_space<hbm>>
        %dma_wait3A_232 = arith.constant 0 : i32
        %dma_wait3A_233 = tpu.memref_slice %arg8[%dma_wait3A_217, %dma_wait3A_232] : memref<2x4096xf32, #tpu.memory_space<vmem>> -> memref<1x4096xf32, #tpu.memory_space<vmem>>
        %dma_wait3A_234 = tpu.memref_squeeze %dma_wait3A_233 : memref<1x4096xf32, #tpu.memory_space<vmem>> -> memref<4096xf32, #tpu.memory_space<vmem>>
        tpu.wait_dma2 semaphore(%arg11 : memref<!tpu.dma_semaphore, #tpu.memory_space<semaphore_mem>>) src(%dma_wait3A_234 : memref<4096xf32, #tpu.memory_space<vmem>>) dst(%dma_wait3A_231 : memref<4096xf32, #tpu.memory_space<hbm>>)
      } else {
      }
      %parallel_loop3A_117 = arith.constant 0 : i32
      %parallel_loop3A_118 = arith.constant 256 : i32
      %parallel_loop3A_119 = arith.constant 1 : i32
      scf.for %parallel_loop3A_217 = %parallel_loop3A_117 to %parallel_loop3A_118 step %parallel_loop3A_119  : i32 {
        %parallel_loop3A_218 = arith.constant 16 : i32
        %parallel_loop3A_219 = arith.muli %parallel_loop3A_217, %parallel_loop3A_218 : i32
        %parallel_loop3A_220 = tpu.assume_multiple %parallel_loop3A_219, 16 : i32
        %parallel_loop3A_221 = arith.constant 4096 : i32
        %parallel_loop3A_222 = arith.addi %parallel_loop3A_221, %parallel_loop3A_220 : i32
        %parallel_loop3A_223 = arith.index_cast %parallel_loop3A_222 : i32 to index
        %parallel_loop3A_224 = tpu.vector_load %arg7[%parallel_loop3A_223] {strides = array<i32>} : memref<16384xi32, #tpu.memory_space<vmem>>, vector<16xi32>,
        %parallel_loop3A_225 = tpu.vector_load_idx %arg6[%parallel_loop3A_224] : memref<100000xf32, #tpu.memory_space<vmem>>[vector<16xi32>], vector<16xf32>,
        %parallel_loop3A_226 = arith.constant 1 : i32
        %parallel_loop3A_227 = arith.index_cast %parallel_loop3A_226 : i32 to index
        %parallel_loop3A_228 = arith.index_cast %parallel_loop3A_220 : i32 to index
        %parallel_loop3A_229 = tpu.vector_load %arg8[%parallel_loop3A_227, %parallel_loop3A_228] {strides = array<i32>} : memref<2x4096xf32, #tpu.memory_space<vmem>>, vector<16xf32>,
        tpu.vector_store %arg8[%parallel_loop3A_227, %parallel_loop3A_228], %parallel_loop3A_225 {strides = array<i32>} : memref<2x4096xf32, #tpu.memory_space<vmem>>, vector<16xf32>,
      } {sc.loop_unroll_factor = 4 : i64, sc.parallel_access}
      %dma_start3A_120 = arith.constant 1 : i32
      %dma_start3A_121 = arith.constant 0 : i32
      %dma_start3A_122 = tpu.memref_slice %arg8[%dma_start3A_120, %dma_start3A_121] : memref<2x4096xf32, #tpu.memory_space<vmem>> -> memref<1x4096xf32, #tpu.memory_space<vmem>>
      %dma_start3A_123 = tpu.memref_squeeze %dma_start3A_122 : memref<1x4096xf32, #tpu.memory_space<vmem>> -> memref<4096xf32, #tpu.memory_space<vmem>>
      %dma_start3A_124 = arith.constant 0 : i32
      %dma_start3A_125 = tpu.memref_slice %arg5[%add3A_90, %dma_start3A_124] : memref<320x16384xf32, #tpu.memory_space<hbm>> -> memref<1x16384xf32, #tpu.memory_space<hbm>>
      %dma_start3A_126 = tpu.memref_squeeze %dma_start3A_125 : memref<1x16384xf32, #tpu.memory_space<hbm>> -> memref<16384xf32, #tpu.memory_space<hbm>>
      %dma_start3A_127 = arith.constant 4096 : i32
      %dma_start3A_128 = tpu.memref_slice %dma_start3A_126[%dma_start3A_127] : memref<16384xf32, #tpu.memory_space<hbm>> -> memref<4096xf32, #tpu.memory_space<hbm>>
      %dma_start3A_129 = arith.constant 0 : i32
      %dma_start3A_130 = tpu.memref_slice %arg5[%add3A_90, %dma_start3A_129] : memref<320x16384xf32, #tpu.memory_space<hbm>> -> memref<1x16384xf32, #tpu.memory_space<hbm>>
      %dma_start3A_131 = tpu.memref_squeeze %dma_start3A_130 : memref<1x16384xf32, #tpu.memory_space<hbm>> -> memref<16384xf32, #tpu.memory_space<hbm>>
      %dma_start3A_132 = arith.constant 4096 : i32
      %dma_start3A_133 = tpu.memref_slice %dma_start3A_131[%dma_start3A_132] : memref<16384xf32, #tpu.memory_space<hbm>> -> memref<4096xf32, #tpu.memory_space<hbm>>
      %dma_start3A_134 = arith.constant 0 : i32
      %dma_start3A_135 = tpu.memref_slice %arg8[%dma_start3A_120, %dma_start3A_134] : memref<2x4096xf32, #tpu.memory_space<vmem>> -> memref<1x4096xf32, #tpu.memory_space<vmem>>
      %dma_start3A_136 = tpu.memref_squeeze %dma_start3A_135 : memref<1x4096xf32, #tpu.memory_space<vmem>> -> memref<4096xf32, #tpu.memory_space<vmem>>
      tpu.enqueue_dma source(%dma_start3A_136 : memref<4096xf32, #tpu.memory_space<vmem>>) target(%dma_start3A_133 : memref<4096xf32, #tpu.memory_space<hbm>>) target_semaphore(%arg11 : memref<!tpu.dma_semaphore, #tpu.memory_space<semaphore_mem>>)
      %dma_wait3A_137 = arith.constant 0 : i32
      %dma_wait3A_138 = arith.constant 0 : i32
      %dma_wait3A_139 = arith.constant 0 : i32
      %dma_wait3A_140 = tpu.memref_slice %arg8[%dma_wait3A_137, %dma_wait3A_139] : memref<2x4096xf32, #tpu.memory_space<vmem>> -> memref<1x4096xf32, #tpu.memory_space<vmem>>
      %dma_wait3A_141 = tpu.memref_squeeze %dma_wait3A_140 : memref<1x4096xf32, #tpu.memory_space<vmem>> -> memref<4096xf32, #tpu.memory_space<vmem>>
      %dma_wait3A_142 = arith.constant 0 : i32
      %dma_wait3A_143 = tpu.memref_slice %arg5[%dma_wait3A_138, %dma_wait3A_142] : memref<320x16384xf32, #tpu.memory_space<hbm>> -> memref<1x16384xf32, #tpu.memory_space<hbm>>
      %dma_wait3A_144 = tpu.memref_squeeze %dma_wait3A_143 : memref<1x16384xf32, #tpu.memory_space<hbm>> -> memref<16384xf32, #tpu.memory_space<hbm>>
      %dma_wait3A_145 = arith.constant 0 : i32
      %dma_wait3A_146 = tpu.memref_slice %dma_wait3A_144[%dma_wait3A_145] : memref<16384xf32, #tpu.memory_space<hbm>> -> memref<4096xf32, #tpu.memory_space<hbm>>
      %dma_wait3A_147 = arith.constant 0 : i32
      %dma_wait3A_148 = tpu.memref_slice %arg5[%dma_wait3A_138, %dma_wait3A_147] : memref<320x16384xf32, #tpu.memory_space<hbm>> -> memref<1x16384xf32, #tpu.memory_space<hbm>>
      %dma_wait3A_149 = tpu.memref_squeeze %dma_wait3A_148 : memref<1x16384xf32, #tpu.memory_space<hbm>> -> memref<16384xf32, #tpu.memory_space<hbm>>
      %dma_wait3A_150 = arith.constant 0 : i32
      %dma_wait3A_151 = tpu.memref_slice %dma_wait3A_149[%dma_wait3A_150] : memref<16384xf32, #tpu.memory_space<hbm>> -> memref<4096xf32, #tpu.memory_space<hbm>>
      %dma_wait3A_152 = arith.constant 0 : i32
      %dma_wait3A_153 = tpu.memref_slice %arg8[%dma_wait3A_137, %dma_wait3A_152] : memref<2x4096xf32, #tpu.memory_space<vmem>> -> memref<1x4096xf32, #tpu.memory_space<vmem>>
      %dma_wait3A_154 = tpu.memref_squeeze %dma_wait3A_153 : memref<1x4096xf32, #tpu.memory_space<vmem>> -> memref<4096xf32, #tpu.memory_space<vmem>>
      tpu.wait_dma2 semaphore(%arg10 : memref<!tpu.dma_semaphore, #tpu.memory_space<semaphore_mem>>) src(%dma_wait3A_154 : memref<4096xf32, #tpu.memory_space<vmem>>) dst(%dma_wait3A_151 : memref<4096xf32, #tpu.memory_space<hbm>>)
      %parallel_loop3A_155 = arith.constant 0 : i32
      %parallel_loop3A_156 = arith.constant 256 : i32
      %parallel_loop3A_157 = arith.constant 1 : i32
      scf.for %parallel_loop3A_217 = %parallel_loop3A_155 to %parallel_loop3A_156 step %parallel_loop3A_157  : i32 {
        %parallel_loop3A_218 = arith.constant 16 : i32
        %parallel_loop3A_219 = arith.muli %parallel_loop3A_217, %parallel_loop3A_218 : i32
        %parallel_loop3A_220 = tpu.assume_multiple %parallel_loop3A_219, 16 : i32
        %parallel_loop3A_221 = arith.constant 8192 : i32
        %parallel_loop3A_222 = arith.addi %parallel_loop3A_221, %parallel_loop3A_220 : i32
        %parallel_loop3A_223 = arith.index_cast %parallel_loop3A_222 : i32 to index
        %parallel_loop3A_224 = tpu.vector_load %arg7[%parallel_loop3A_223] {strides = array<i32>} : memref<16384xi32, #tpu.memory_space<vmem>>, vector<16xi32>,
        %parallel_loop3A_225 = tpu.vector_load_idx %arg6[%parallel_loop3A_224] : memref<100000xf32, #tpu.memory_space<vmem>>[vector<16xi32>], vector<16xf32>,
        %parallel_loop3A_226 = arith.constant 0 : i32
        %parallel_loop3A_227 = arith.index_cast %parallel_loop3A_226 : i32 to index
        %parallel_loop3A_228 = arith.index_cast %parallel_loop3A_220 : i32 to index
        %parallel_loop3A_229 = tpu.vector_load %arg8[%parallel_loop3A_227, %parallel_loop3A_228] {strides = array<i32>} : memref<2x4096xf32, #tpu.memory_space<vmem>>, vector<16xf32>,
        tpu.vector_store %arg8[%parallel_loop3A_227, %parallel_loop3A_228], %parallel_loop3A_225 {strides = array<i32>} : memref<2x4096xf32, #tpu.memory_space<vmem>>, vector<16xf32>,
      } {sc.loop_unroll_factor = 4 : i64, sc.parallel_access}
      %dma_start3A_158 = arith.constant 0 : i32
      %dma_start3A_159 = arith.constant 0 : i32
      %dma_start3A_160 = tpu.memref_slice %arg8[%dma_start3A_158, %dma_start3A_159] : memref<2x4096xf32, #tpu.memory_space<vmem>> -> memref<1x4096xf32, #tpu.memory_space<vmem>>
      %dma_start3A_161 = tpu.memref_squeeze %dma_start3A_160 : memref<1x4096xf32, #tpu.memory_space<vmem>> -> memref<4096xf32, #tpu.memory_space<vmem>>
      %dma_start3A_162 = arith.constant 0 : i32
      %dma_start3A_163 = tpu.memref_slice %arg5[%add3A_90, %dma_start3A_162] : memref<320x16384xf32, #tpu.memory_space<hbm>> -> memref<1x16384xf32, #tpu.memory_space<hbm>>
      %dma_start3A_164 = tpu.memref_squeeze %dma_start3A_163 : memref<1x16384xf32, #tpu.memory_space<hbm>> -> memref<16384xf32, #tpu.memory_space<hbm>>
      %dma_start3A_165 = arith.constant 8192 : i32
      %dma_start3A_166 = tpu.memref_slice %dma_start3A_164[%dma_start3A_165] : memref<16384xf32, #tpu.memory_space<hbm>> -> memref<4096xf32, #tpu.memory_space<hbm>>
      %dma_start3A_167 = arith.constant 0 : i32
      %dma_start3A_168 = tpu.memref_slice %arg5[%add3A_90, %dma_start3A_167] : memref<320x16384xf32, #tpu.memory_space<hbm>> -> memref<1x16384xf32, #tpu.memory_space<hbm>>
      %dma_start3A_169 = tpu.memref_squeeze %dma_start3A_168 : memref<1x16384xf32, #tpu.memory_space<hbm>> -> memref<16384xf32, #tpu.memory_space<hbm>>
      %dma_start3A_170 = arith.constant 8192 : i32
      %dma_start3A_171 = tpu.memref_slice %dma_start3A_169[%dma_start3A_170] : memref<16384xf32, #tpu.memory_space<hbm>> -> memref<4096xf32, #tpu.memory_space<hbm>>
      %dma_start3A_172 = arith.constant 0 : i32
      %dma_start3A_173 = tpu.memref_slice %arg8[%dma_start3A_158, %dma_start3A_172] : memref<2x4096xf32, #tpu.memory_space<vmem>> -> memref<1x4096xf32, #tpu.memory_space<vmem>>
      %dma_start3A_174 = tpu.memref_squeeze %dma_start3A_173 : memref<1x4096xf32, #tpu.memory_space<vmem>> -> memref<4096xf32, #tpu.memory_space<vmem>>
      tpu.enqueue_dma source(%dma_start3A_174 : memref<4096xf32, #tpu.memory_space<vmem>>) target(%dma_start3A_171 : memref<4096xf32, #tpu.memory_space<hbm>>) target_semaphore(%arg10 : memref<!tpu.dma_semaphore, #tpu.memory_space<semaphore_mem>>)
      %dma_wait3A_175 = arith.constant 0 : i32
      %dma_wait3A_176 = arith.constant 0 : i32
      %dma_wait3A_177 = arith.constant 0 : i32
      %dma_wait3A_178 = tpu.memref_slice %arg8[%dma_wait3A_175, %dma_wait3A_177] : memref<2x4096xf32, #tpu.memory_space<vmem>> -> memref<1x4096xf32, #tpu.memory_space<vmem>>
      %dma_wait3A_179 = tpu.memref_squeeze %dma_wait3A_178 : memref<1x4096xf32, #tpu.memory_space<vmem>> -> memref<4096xf32, #tpu.memory_space<vmem>>
      %dma_wait3A_180 = arith.constant 0 : i32
      %dma_wait3A_181 = tpu.memref_slice %arg5[%dma_wait3A_176, %dma_wait3A_180] : memref<320x16384xf32, #tpu.memory_space<hbm>> -> memref<1x16384xf32, #tpu.memory_space<hbm>>
      %dma_wait3A_182 = tpu.memref_squeeze %dma_wait3A_181 : memref<1x16384xf32, #tpu.memory_space<hbm>> -> memref<16384xf32, #tpu.memory_space<hbm>>
      %dma_wait3A_183 = arith.constant 0 : i32
      %dma_wait3A_184 = tpu.memref_slice %dma_wait3A_182[%dma_wait3A_183] : memref<16384xf32, #tpu.memory_space<hbm>> -> memref<4096xf32, #tpu.memory_space<hbm>>
      %dma_wait3A_185 = arith.constant 0 : i32
      %dma_wait3A_186 = tpu.memref_slice %arg5[%dma_wait3A_176, %dma_wait3A_185] : memref<320x16384xf32, #tpu.memory_space<hbm>> -> memref<1x16384xf32, #tpu.memory_space<hbm>>
      %dma_wait3A_187 = tpu.memref_squeeze %dma_wait3A_186 : memref<1x16384xf32, #tpu.memory_space<hbm>> -> memref<16384xf32, #tpu.memory_space<hbm>>
      %dma_wait3A_188 = arith.constant 0 : i32
      %dma_wait3A_189 = tpu.memref_slice %dma_wait3A_187[%dma_wait3A_188] : memref<16384xf32, #tpu.memory_space<hbm>> -> memref<4096xf32, #tpu.memory_space<hbm>>
      %dma_wait3A_190 = arith.constant 0 : i32
      %dma_wait3A_191 = tpu.memref_slice %arg8[%dma_wait3A_175, %dma_wait3A_190] : memref<2x4096xf32, #tpu.memory_space<vmem>> -> memref<1x4096xf32, #tpu.memory_space<vmem>>
      %dma_wait3A_192 = tpu.memref_squeeze %dma_wait3A_191 : memref<1x4096xf32, #tpu.memory_space<vmem>> -> memref<4096xf32, #tpu.memory_space<vmem>>
      tpu.wait_dma2 semaphore(%arg11 : memref<!tpu.dma_semaphore, #tpu.memory_space<semaphore_mem>>) src(%dma_wait3A_192 : memref<4096xf32, #tpu.memory_space<vmem>>) dst(%dma_wait3A_189 : memref<4096xf32, #tpu.memory_space<hbm>>)
      %parallel_loop3A_193 = arith.constant 0 : i32
      %parallel_loop3A_194 = arith.constant 256 : i32
      %parallel_loop3A_195 = arith.constant 1 : i32
      scf.for %parallel_loop3A_217 = %parallel_loop3A_193 to %parallel_loop3A_194 step %parallel_loop3A_195  : i32 {
        %parallel_loop3A_218 = arith.constant 16 : i32
        %parallel_loop3A_219 = arith.muli %parallel_loop3A_217, %parallel_loop3A_218 : i32
        %parallel_loop3A_220 = tpu.assume_multiple %parallel_loop3A_219, 16 : i32
        %parallel_loop3A_221 = arith.constant 12288 : i32
        %parallel_loop3A_222 = arith.addi %parallel_loop3A_221, %parallel_loop3A_220 : i32
        %parallel_loop3A_223 = arith.index_cast %parallel_loop3A_222 : i32 to index
        %parallel_loop3A_224 = tpu.vector_load %arg7[%parallel_loop3A_223] {strides = array<i32>} : memref<16384xi32, #tpu.memory_space<vmem>>, vector<16xi32>,
        %parallel_loop3A_225 = tpu.vector_load_idx %arg6[%parallel_loop3A_224] : memref<100000xf32, #tpu.memory_space<vmem>>[vector<16xi32>], vector<16xf32>,
        %parallel_loop3A_226 = arith.constant 1 : i32
        %parallel_loop3A_227 = arith.index_cast %parallel_loop3A_226 : i32 to index
        %parallel_loop3A_228 = arith.index_cast %parallel_loop3A_220 : i32 to index
        %parallel_loop3A_229 = tpu.vector_load %arg8[%parallel_loop3A_227, %parallel_loop3A_228] {strides = array<i32>} : memref<2x4096xf32, #tpu.memory_space<vmem>>, vector<16xf32>,
        tpu.vector_store %arg8[%parallel_loop3A_227, %parallel_loop3A_228], %parallel_loop3A_225 {strides = array<i32>} : memref<2x4096xf32, #tpu.memory_space<vmem>>, vector<16xf32>,
      } {sc.loop_unroll_factor = 4 : i64, sc.parallel_access}
      %dma_start3A_196 = arith.constant 1 : i32
      %dma_start3A_197 = arith.constant 0 : i32
      %dma_start3A_198 = tpu.memref_slice %arg8[%dma_start3A_196, %dma_start3A_197] : memref<2x4096xf32, #tpu.memory_space<vmem>> -> memref<1x4096xf32, #tpu.memory_space<vmem>>
      %dma_start3A_199 = tpu.memref_squeeze %dma_start3A_198 : memref<1x4096xf32, #tpu.memory_space<vmem>> -> memref<4096xf32, #tpu.memory_space<vmem>>
      %dma_start3A_200 = arith.constant 0 : i32
      %dma_start3A_201 = tpu.memref_slice %arg5[%add3A_90, %dma_start3A_200] : memref<320x16384xf32, #tpu.memory_space<hbm>> -> memref<1x16384xf32, #tpu.memory_space<hbm>>
      %dma_start3A_202 = tpu.memref_squeeze %dma_start3A_201 : memref<1x16384xf32, #tpu.memory_space<hbm>> -> memref<16384xf32, #tpu.memory_space<hbm>>
      %dma_start3A_203 = arith.constant 12288 : i32
      %dma_start3A_204 = tpu.memref_slice %dma_start3A_202[%dma_start3A_203] : memref<16384xf32, #tpu.memory_space<hbm>> -> memref<4096xf32, #tpu.memory_space<hbm>>
      %dma_start3A_205 = arith.constant 0 : i32
      %dma_start3A_206 = tpu.memref_slice %arg5[%add3A_90, %dma_start3A_205] : memref<320x16384xf32, #tpu.memory_space<hbm>> -> memref<1x16384xf32, #tpu.memory_space<hbm>>
      %dma_start3A_207 = tpu.memref_squeeze %dma_start3A_206 : memref<1x16384xf32, #tpu.memory_space<hbm>> -> memref<16384xf32, #tpu.memory_space<hbm>>
      %dma_start3A_208 = arith.constant 12288 : i32
      %dma_start3A_209 = tpu.memref_slice %dma_start3A_207[%dma_start3A_208] : memref<16384xf32, #tpu.memory_space<hbm>> -> memref<4096xf32, #tpu.memory_space<hbm>>
      %dma_start3A_210 = arith.constant 0 : i32
      %dma_start3A_211 = tpu.memref_slice %arg8[%dma_start3A_196, %dma_start3A_210] : memref<2x4096xf32, #tpu.memory_space<vmem>> -> memref<1x4096xf32, #tpu.memory_space<vmem>>
      %dma_start3A_212 = tpu.memref_squeeze %dma_start3A_211 : memref<1x4096xf32, #tpu.memory_space<vmem>> -> memref<4096xf32, #tpu.memory_space<vmem>>
      tpu.enqueue_dma source(%dma_start3A_212 : memref<4096xf32, #tpu.memory_space<vmem>>) target(%dma_start3A_209 : memref<4096xf32, #tpu.memory_space<hbm>>) target_semaphore(%arg11 : memref<!tpu.dma_semaphore, #tpu.memory_space<semaphore_mem>>)
      %lt3A = arith.constant 10 : i32
      %lt3A_213 = arith.cmpi slt, %add3A_78, %lt3A : i32
      %convert_element_type3A_214 = arith.extui %lt3A_213 : i1 to i32
      %cond3A_215 = arith.constant 0 : i32
      %cond3A_216 = arith.cmpi ne, %convert_element_type3A_214, %cond3A_215 : i32
      scf.if %cond3A_216 {
        %add3A_217 = arith.constant 1 : i32
        %add3A_218 = arith.addi %add3A_59, %add3A_217 : i32
        %dma_start3A_219 = arith.constant 0 : i32
        %dma_start3A_220 = tpu.memref_slice %arg2[%add3A_218, %dma_start3A_219] : memref<416x100000xf32, #tpu.memory_space<hbm>> -> memref<1x100000xf32, #tpu.memory_space<hbm>>
        %dma_start3A_221 = tpu.memref_squeeze %dma_start3A_220 : memref<1x100000xf32, #tpu.memory_space<hbm>> -> memref<100000xf32, #tpu.memory_space<hbm>>
        %dma_start3A_222 = arith.constant 0 : i32
        %dma_start3A_223 = tpu.memref_slice %arg2[%add3A_218, %dma_start3A_222] : memref<416x100000xf32, #tpu.memory_space<hbm>> -> memref<1x100000xf32, #tpu.memory_space<hbm>>
        %dma_start3A_224 = tpu.memref_squeeze %dma_start3A_223 : memref<1x100000xf32, #tpu.memory_space<hbm>> -> memref<100000xf32, #tpu.memory_space<hbm>>
        tpu.enqueue_dma source(%dma_start3A_224 : memref<100000xf32, #tpu.memory_space<hbm>>) target(%arg6 : memref<100000xf32, #tpu.memory_space<vmem>>) target_semaphore(%arg9 : memref<!tpu.dma_semaphore, #tpu.memory_space<semaphore_mem>>)
      } else {
      }
      scf.yield %select_n3A : i32
    }
    %scan3A_17 = arith.constant 10 : i32
    %dma_wait3A = arith.constant 0 : i32
    %dma_wait3A_18 = arith.constant 0 : i32
    %dma_wait3A_19 = arith.constant 0 : i32
    %dma_wait3A_20 = tpu.memref_slice %arg8[%dma_wait3A, %dma_wait3A_19] : memref<2x4096xf32, #tpu.memory_space<vmem>> -> memref<1x4096xf32, #tpu.memory_space<vmem>>
    %dma_wait3A_21 = tpu.memref_squeeze %dma_wait3A_20 : memref<1x4096xf32, #tpu.memory_space<vmem>> -> memref<4096xf32, #tpu.memory_space<vmem>>
    %dma_wait3A_22 = arith.constant 0 : i32
    %dma_wait3A_23 = tpu.memref_slice %arg5[%dma_wait3A_18, %dma_wait3A_22] : memref<320x16384xf32, #tpu.memory_space<hbm>> -> memref<1x16384xf32, #tpu.memory_space<hbm>>
    %dma_wait3A_24 = tpu.memref_squeeze %dma_wait3A_23 : memref<1x16384xf32, #tpu.memory_space<hbm>> -> memref<16384xf32, #tpu.memory_space<hbm>>
    %dma_wait3A_25 = arith.constant 0 : i32
    %dma_wait3A_26 = tpu.memref_slice %dma_wait3A_24[%dma_wait3A_25] : memref<16384xf32, #tpu.memory_space<hbm>> -> memref<4096xf32, #tpu.memory_space<hbm>>
    %dma_wait3A_27 = arith.constant 0 : i32
    %dma_wait3A_28 = tpu.memref_slice %arg5[%dma_wait3A_18, %dma_wait3A_27] : memref<320x16384xf32, #tpu.memory_space<hbm>> -> memref<1x16384xf32, #tpu.memory_space<hbm>>
    %dma_wait3A_29 = tpu.memref_squeeze %dma_wait3A_28 : memref<1x16384xf32, #tpu.memory_space<hbm>> -> memref<16384xf32, #tpu.memory_space<hbm>>
    %dma_wait3A_30 = arith.constant 0 : i32
    %dma_wait3A_31 = tpu.memref_slice %dma_wait3A_29[%dma_wait3A_30] : memref<16384xf32, #tpu.memory_space<hbm>> -> memref<4096xf32, #tpu.memory_space<hbm>>
    %dma_wait3A_32 = arith.constant 0 : i32
    %dma_wait3A_33 = tpu.memref_slice %arg8[%dma_wait3A, %dma_wait3A_32] : memref<2x4096xf32, #tpu.memory_space<vmem>> -> memref<1x4096xf32, #tpu.memory_space<vmem>>
    %dma_wait3A_34 = tpu.memref_squeeze %dma_wait3A_33 : memref<1x4096xf32, #tpu.memory_space<vmem>> -> memref<4096xf32, #tpu.memory_space<vmem>>
    tpu.wait_dma2 semaphore(%arg10 : memref<!tpu.dma_semaphore, #tpu.memory_space<semaphore_mem>>) src(%dma_wait3A_34 : memref<4096xf32, #tpu.memory_space<vmem>>) dst(%dma_wait3A_31 : memref<4096xf32, #tpu.memory_space<hbm>>)
    %dma_wait3A_35 = arith.constant 0 : i32
    %dma_wait3A_36 = arith.constant 0 : i32
    %dma_wait3A_37 = arith.constant 0 : i32
    %dma_wait3A_38 = tpu.memref_slice %arg8[%dma_wait3A_35, %dma_wait3A_37] : memref<2x4096xf32, #tpu.memory_space<vmem>> -> memref<1x4096xf32, #tpu.memory_space<vmem>>
    %dma_wait3A_39 = tpu.memref_squeeze %dma_wait3A_38 : memref<1x4096xf32, #tpu.memory_space<vmem>> -> memref<4096xf32, #tpu.memory_space<vmem>>
    %dma_wait3A_40 = arith.constant 0 : i32
    %dma_wait3A_41 = tpu.memref_slice %arg5[%dma_wait3A_36, %dma_wait3A_40] : memref<320x16384xf32, #tpu.memory_space<hbm>> -> memref<1x16384xf32, #tpu.memory_space<hbm>>
    %dma_wait3A_42 = tpu.memref_squeeze %dma_wait3A_41 : memref<1x16384xf32, #tpu.memory_space<hbm>> -> memref<16384xf32, #tpu.memory_space<hbm>>
    %dma_wait3A_43 = arith.constant 0 : i32
    %dma_wait3A_44 = tpu.memref_slice %dma_wait3A_42[%dma_wait3A_43] : memref<16384xf32, #tpu.memory_space<hbm>> -> memref<4096xf32, #tpu.memory_space<hbm>>
    %dma_wait3A_45 = arith.constant 0 : i32
    %dma_wait3A_46 = tpu.memref_slice %arg5[%dma_wait3A_36, %dma_wait3A_45] : memref<320x16384xf32, #tpu.memory_space<hbm>> -> memref<1x16384xf32, #tpu.memory_space<hbm>>
    %dma_wait3A_47 = tpu.memref_squeeze %dma_wait3A_46 : memref<1x16384xf32, #tpu.memory_space<hbm>> -> memref<16384xf32, #tpu.memory_space<hbm>>
    %dma_wait3A_48 = arith.constant 0 : i32
    %dma_wait3A_49 = tpu.memref_slice %dma_wait3A_47[%dma_wait3A_48] : memref<16384xf32, #tpu.memory_space<hbm>> -> memref<4096xf32, #tpu.memory_space<hbm>>
    %dma_wait3A_50 = arith.constant 0 : i32
    %dma_wait3A_51 = tpu.memref_slice %arg8[%dma_wait3A_35, %dma_wait3A_50] : memref<2x4096xf32, #tpu.memory_space<vmem>> -> memref<1x4096xf32, #tpu.memory_space<vmem>>
    %dma_wait3A_52 = tpu.memref_squeeze %dma_wait3A_51 : memref<1x4096xf32, #tpu.memory_space<vmem>> -> memref<4096xf32, #tpu.memory_space<vmem>>
    tpu.wait_dma2 semaphore(%arg11 : memref<!tpu.dma_semaphore, #tpu.memory_space<semaphore_mem>>) src(%dma_wait3A_52 : memref<4096xf32, #tpu.memory_space<vmem>>) dst(%dma_wait3A_49 : memref<4096xf32, #tpu.memory_space<hbm>>)
    return
  }
}

module attributes {stable_mosaic.version = 14 : i64} {
  func.func @_tc1_body(%arg0: i32, %arg1: memref<320x2048xf32, #tpu.memory_space<vmem>>, %arg2: memref<320x256xf32, #tpu.memory_space<vmem>>, %arg3: memref<320x16xf32, #tpu.memory_space<vmem>>, %arg4: memref<320x1xf32, #tpu.memory_space<vmem>>, %arg5: memref<2048x256xf32, #tpu.memory_space<vmem>>, %arg6: memref<2048x16xf32, #tpu.memory_space<vmem>>, %arg7: memref<1x2048xf32, #tpu.memory_space<vmem>>) attributes {dimension_semantics = [#tpu.dimension_semantics<arbitrary>], iteration_bounds = array<i64: 8>, scalar_prefetch = 0 : i64, scratch_operands = 0 : i64, tpu.core_type = #tpu.core_type<tc>, window_params = [{transform_indices = @transform_0, window_bounds = array<i64: 320, 2048>}, {pipeline_mode = #tpu.pipeline_mode<synchronous>, transform_indices = @transform_1, window_bounds = array<i64: 320, 256>}, {pipeline_mode = #tpu.pipeline_mode<synchronous>, transform_indices = @transform_2, window_bounds = array<i64: 320, 16>}, {pipeline_mode = #tpu.pipeline_mode<synchronous>, transform_indices = @transform_3, window_bounds = array<i64: 320, 1>}, {transform_indices = @transform_4, window_bounds = array<i64: 2048, 256>}, {transform_indices = @transform_5, window_bounds = array<i64: 2048, 16>}, {transform_indices = @transform_6, window_bounds = array<i64: 1, 2048>}]} {
    %get3A = arith.constant 0 : index
    %get3A_0 = arith.constant 0 : index
    %get3A_1 = vector.load %arg1[%get3A, %get3A_0] : memref<320x2048xf32, #tpu.memory_space<vmem>>, vector<320x2048xf32>
    %get3A_2 = arith.constant 0 : index
    %get3A_3 = arith.constant 0 : index
    %get3A_4 = vector.load %arg2[%get3A_2, %get3A_3] : memref<320x256xf32, #tpu.memory_space<vmem>>, vector<320x256xf32>
    %dot_general3A = arith.constant dense<0.000000e+00> : vector<2048x256xf32>
    %dot_general3A_5 = tpu.matmul %get3A_1, %get3A_4, %dot_general3A {dimension_numbers = #tpu.dot_dimension_numbers<[0], [0], [1], [1], [0, 1, 1, 1], [], []>, transpose_lhs_hint = false} : vector<320x2048xf32>, vector<320x256xf32>, vector<2048x256xf32> -> vector<2048x256xf32>
    %swap3A = arith.constant 0 : index
    %swap3A_6 = arith.constant 0 : index
    %swap3A_7 = vector.load %arg5[%swap3A, %swap3A_6] : memref<2048x256xf32, #tpu.memory_space<vmem>>, vector<2048x256xf32>
    tpu.vector_store %arg5[%swap3A, %swap3A_6], %dot_general3A_5 {strides = array<i32>} : memref<2048x256xf32, #tpu.memory_space<vmem>>, vector<2048x256xf32>,
    %get3A_8 = arith.constant 0 : index
    %get3A_9 = arith.constant 0 : index
    %get3A_10 = vector.load %arg3[%get3A_8, %get3A_9] : memref<320x16xf32, #tpu.memory_space<vmem>>, vector<320x16xf32>
    %dot_general3A_11 = arith.constant dense<0.000000e+00> : vector<2048x16xf32>
    %dot_general3A_12 = tpu.matmul %get3A_1, %get3A_10, %dot_general3A_11 {dimension_numbers = #tpu.dot_dimension_numbers<[0], [0], [1], [1], [0, 1, 1, 1], [], []>, transpose_lhs_hint = false} : vector<320x2048xf32>, vector<320x16xf32>, vector<2048x16xf32> -> vector<2048x16xf32>
    %swap3A_13 = arith.constant 0 : index
    %swap3A_14 = arith.constant 0 : index
    %swap3A_15 = vector.load %arg6[%swap3A_13, %swap3A_14] : memref<2048x16xf32, #tpu.memory_space<vmem>>, vector<2048x16xf32>
    tpu.vector_store %arg6[%swap3A_13, %swap3A_14], %dot_general3A_12 {strides = array<i32>} : memref<2048x16xf32, #tpu.memory_space<vmem>>, vector<2048x16xf32>,
    %get3A_16 = arith.constant 0 : index
    %get3A_17 = arith.constant 0 : index
    %get3A_18 = vector.load %arg4[%get3A_16, %get3A_17] : memref<320x1xf32, #tpu.memory_space<vmem>>, vector<320x1xf32>
    %mul3A = arith.mulf %get3A_1, %get3A_1 : vector<320x2048xf32>
    %dot_general3A_19 = arith.constant dense<0.000000e+00> : vector<1x2048xf32>
    %dot_general3A_20 = tpu.matmul %get3A_18, %mul3A, %dot_general3A_19 {dimension_numbers = #tpu.dot_dimension_numbers<[0], [0], [1], [1], [0, 1, 1, 1], [], []>, transpose_lhs_hint = false} : vector<320x1xf32>, vector<320x2048xf32>, vector<1x2048xf32> -> vector<1x2048xf32>
    %swap3A_21 = arith.constant 0 : index
    %swap3A_22 = arith.constant 0 : index
    %swap3A_23 = vector.load %arg7[%swap3A_21, %swap3A_22] : memref<1x2048xf32, #tpu.memory_space<vmem>>, vector<1x2048xf32>
    tpu.vector_store %arg7[%swap3A_21, %swap3A_22], %dot_general3A_20 {strides = array<i32>} : memref<1x2048xf32, #tpu.memory_space<vmem>>, vector<1x2048xf32>,
    return
  }
  func.func @transform_0(%arg0: i32) -> (i32, i32) {
    %c0_i32 = arith.constant 0 : i32
    %c0_i32_0 = arith.constant 0 : i32
    return %c0_i32, %arg0 : i32, i32
  }
  func.func @transform_1(%arg0: i32) -> (i32, i32) {
    %c0_i32 = arith.constant 0 : i32
    %c0_i32_0 = arith.constant 0 : i32
    %c0_i32_1 = arith.constant 0 : i32
    return %c0_i32, %c0_i32_0 : i32, i32
  }
  func.func @transform_2(%arg0: i32) -> (i32, i32) {
    %c0_i32 = arith.constant 0 : i32
    %c0_i32_0 = arith.constant 0 : i32
    %c0_i32_1 = arith.constant 0 : i32
    return %c0_i32, %c0_i32_0 : i32, i32
  }
  func.func @transform_3(%arg0: i32) -> (i32, i32) {
    %c0_i32 = arith.constant 0 : i32
    %c0_i32_0 = arith.constant 0 : i32
    %c0_i32_1 = arith.constant 0 : i32
    return %c0_i32, %c0_i32_0 : i32, i32
  }
  func.func @transform_4(%arg0: i32) -> (i32, i32) {
    %c0_i32 = arith.constant 0 : i32
    %c0_i32_0 = arith.constant 0 : i32
    return %arg0, %c0_i32 : i32, i32
  }
  func.func @transform_5(%arg0: i32) -> (i32, i32) {
    %c0_i32 = arith.constant 0 : i32
    %c0_i32_0 = arith.constant 0 : i32
    return %arg0, %c0_i32 : i32, i32
  }
  func.func @transform_6(%arg0: i32) -> (i32, i32) {
    %c0_i32 = arith.constant 0 : i32
    %c0_i32_0 = arith.constant 0 : i32
    return %c0_i32, %arg0 : i32, i32
  }
}

module attributes {stable_mosaic.version = 14 : i64} {
  func.func @_tc2_body(%arg0: i32, %arg1: memref<2048x13xf32, #tpu.memory_space<vmem>>, %arg2: memref<96x2048xf32, #tpu.memory_space<vmem>>, %arg3: memref<26x2048xf32, #tpu.memory_space<vmem>>, %arg4: memref<2048x256xf32, #tpu.memory_space<vmem>>, %arg5: memref<2048x16xf32, #tpu.memory_space<vmem>>, %arg6: memref<1x2048xf32, #tpu.memory_space<vmem>>, %arg7: memref<13x1xf32, #tpu.memory_space<vmem>>, %arg8: memref<13x256xf32, #tpu.memory_space<vmem>>, %arg9: memref<96x256xf32, #tpu.memory_space<vmem>>, %arg10: memref<1x256xf32, #tpu.memory_space<vmem>>, %arg11: memref<256x128xf32, #tpu.memory_space<vmem>>, %arg12: memref<1x128xf32, #tpu.memory_space<vmem>>, %arg13: memref<128x1xf32, #tpu.memory_space<vmem>>, %arg14: memref<96x16xf32, #tpu.memory_space<vmem>>, %arg15: memref<96x1xf32, #tpu.memory_space<vmem>>, %arg16: memref<26x1xf32, #tpu.memory_space<vmem>>, %arg17: memref<16x1xf32, #tpu.memory_space<vmem>>, %arg18: memref<3xf32, #tpu.memory_space<smem>>, %arg19: memref<1x2048xf32, #tpu.memory_space<vmem>>) attributes {dimension_semantics = [#tpu.dimension_semantics<arbitrary>], iteration_bounds = array<i64: 8>, scalar_prefetch = 0 : i64, scratch_operands = 0 : i64, tpu.core_type = #tpu.core_type<tc>, window_params = [{transform_indices = @transform_0, window_bounds = array<i64: 2048, 13>}, {transform_indices = @transform_1, window_bounds = array<i64: 96, 2048>}, {transform_indices = @transform_2, window_bounds = array<i64: 26, 2048>}, {transform_indices = @transform_3, window_bounds = array<i64: 2048, 256>}, {transform_indices = @transform_4, window_bounds = array<i64: 2048, 16>}, {transform_indices = @transform_5, window_bounds = array<i64: 1, 2048>}, {pipeline_mode = #tpu.pipeline_mode<synchronous>, transform_indices = @transform_6, window_bounds = array<i64: 13, 1>}, {pipeline_mode = #tpu.pipeline_mode<synchronous>, transform_indices = @transform_7, window_bounds = array<i64: 13, 256>}, {pipeline_mode = #tpu.pipeline_mode<synchronous>, transform_indices = @transform_8, window_bounds = array<i64: 96, 256>}, {pipeline_mode = #tpu.pipeline_mode<synchronous>, transform_indices = @transform_9, window_bounds = array<i64: 1, 256>}, {pipeline_mode = #tpu.pipeline_mode<synchronous>, transform_indices = @transform_10, window_bounds = array<i64: 256, 128>}, {pipeline_mode = #tpu.pipeline_mode<synchronous>, transform_indices = @transform_11, window_bounds = array<i64: 1, 128>}, {pipeline_mode = #tpu.pipeline_mode<synchronous>, transform_indices = @transform_12, window_bounds = array<i64: 128, 1>}, {pipeline_mode = #tpu.pipeline_mode<synchronous>, transform_indices = @transform_13, window_bounds = array<i64: 96, 16>}, {pipeline_mode = #tpu.pipeline_mode<synchronous>, transform_indices = @transform_14, window_bounds = array<i64: 96, 1>}, {pipeline_mode = #tpu.pipeline_mode<synchronous>, transform_indices = @transform_15, window_bounds = array<i64: 26, 1>}, {pipeline_mode = #tpu.pipeline_mode<synchronous>, transform_indices = @transform_16, window_bounds = array<i64: 16, 1>}, {transform_indices = @transform_17, window_bounds = array<i64: 3>}, {transform_indices = @transform_18, window_bounds = array<i64: 1, 2048>}]} {
    %get3A = arith.constant 0 : index
    %get3A_0 = arith.constant 0 : index
    %get3A_1 = vector.load %arg1[%get3A, %get3A_0] : memref<2048x13xf32, #tpu.memory_space<vmem>>, vector<2048x13xf32>
    %get3A_2 = arith.constant 0 : index
    %get3A_3 = arith.constant 0 : index
    %get3A_4 = vector.load %arg2[%get3A_2, %get3A_3] : memref<96x2048xf32, #tpu.memory_space<vmem>>, vector<96x2048xf32>
    %get3A_5 = arith.constant 0 : index
    %get3A_6 = arith.constant 0 : index
    %get3A_7 = vector.load %arg3[%get3A_5, %get3A_6] : memref<26x2048xf32, #tpu.memory_space<vmem>>, vector<26x2048xf32>
    %get3A_8 = arith.constant 0 : index
    %get3A_9 = memref.load %arg18[%get3A_8] : memref<3xf32, #tpu.memory_space<smem>>
    %get3A_10 = arith.constant 1 : index
    %get3A_11 = memref.load %arg18[%get3A_10] : memref<3xf32, #tpu.memory_space<smem>>
    %get3A_12 = arith.constant 2 : index
    %get3A_13 = memref.load %arg18[%get3A_12] : memref<3xf32, #tpu.memory_space<smem>>
    %get3A_14 = arith.constant 0 : index
    %get3A_15 = arith.constant 0 : index
    %get3A_16 = vector.load %arg7[%get3A_14, %get3A_15] : memref<13x1xf32, #tpu.memory_space<vmem>>, vector<13x1xf32>
    %dot_general3A = arith.constant dense<0.000000e+00> : vector<1x2048xf32>
    %dot_general3A_17 = tpu.matmul %get3A_16, %get3A_1, %dot_general3A {dimension_numbers = #tpu.dot_dimension_numbers<[0], [1], [1], [0], [0, 1, 1, 0], [], []>, transpose_lhs_hint = false} : vector<13x1xf32>, vector<2048x13xf32>, vector<1x2048xf32> -> vector<1x2048xf32>
    %get3A_18 = arith.constant 0 : index
    %get3A_19 = arith.constant 0 : index
    %get3A_20 = vector.load %arg16[%get3A_18, %get3A_19] : memref<26x1xf32, #tpu.memory_space<vmem>>, vector<26x1xf32>
    %dot_general3A_21 = arith.constant dense<0.000000e+00> : vector<1x2048xf32>
    %dot_general3A_22 = tpu.matmul %get3A_20, %get3A_7, %dot_general3A_21 {dimension_numbers = #tpu.dot_dimension_numbers<[0], [0], [1], [1], [0, 1, 1, 1], [], []>, transpose_lhs_hint = false} : vector<26x1xf32>, vector<26x2048xf32>, vector<1x2048xf32> -> vector<1x2048xf32>
    %add3A = arith.addf %dot_general3A_17, %dot_general3A_22 : vector<1x2048xf32>
    %add3A_23 = vector.broadcast %get3A_9 : f32 to vector<1x2048xf32>
    %add3A_24 = arith.addf %add3A, %add3A_23 : vector<1x2048xf32>
    %get3A_25 = arith.constant 0 : index
    %get3A_26 = arith.constant 0 : index
    %get3A_27 = vector.load %arg5[%get3A_25, %get3A_26] : memref<2048x16xf32, #tpu.memory_space<vmem>>, vector<2048x16xf32>
    %get3A_28 = arith.constant 0 : index
    %get3A_29 = arith.constant 0 : index
    %get3A_30 = vector.load %arg14[%get3A_28, %get3A_29] : memref<96x16xf32, #tpu.memory_space<vmem>>, vector<96x16xf32>
    %dot_general3A_31 = arith.constant dense<0.000000e+00> : vector<2048x16xf32>
    %dot_general3A_32 = tpu.matmul %get3A_4, %get3A_30, %dot_general3A_31 {dimension_numbers = #tpu.dot_dimension_numbers<[0], [0], [1], [1], [0, 1, 1, 1], [], []>, transpose_lhs_hint = false} : vector<96x2048xf32>, vector<96x16xf32>, vector<2048x16xf32> -> vector<2048x16xf32>
    %add3A_33 = arith.addf %get3A_27, %dot_general3A_32 : vector<2048x16xf32>
    %get3A_34 = arith.constant 0 : index
    %get3A_35 = arith.constant 0 : index
    %get3A_36 = vector.load %arg17[%get3A_34, %get3A_35] : memref<16x1xf32, #tpu.memory_space<vmem>>, vector<16x1xf32>
    %mul3A = arith.mulf %add3A_33, %add3A_33 : vector<2048x16xf32>
    %dot_general3A_37 = arith.constant dense<0.000000e+00> : vector<1x2048xf32>
    %dot_general3A_38 = tpu.matmul %get3A_36, %mul3A, %dot_general3A_37 {dimension_numbers = #tpu.dot_dimension_numbers<[0], [1], [1], [0], [0, 1, 1, 0], [], []>, transpose_lhs_hint = false} : vector<16x1xf32>, vector<2048x16xf32>, vector<1x2048xf32> -> vector<1x2048xf32>
    %get3A_39 = arith.constant 0 : index
    %get3A_40 = arith.constant 0 : index
    %get3A_41 = vector.load %arg6[%get3A_39, %get3A_40] : memref<1x2048xf32, #tpu.memory_space<vmem>>, vector<1x2048xf32>
    %get3A_42 = arith.constant 0 : index
    %get3A_43 = arith.constant 0 : index
    %get3A_44 = vector.load %arg15[%get3A_42, %get3A_43] : memref<96x1xf32, #tpu.memory_space<vmem>>, vector<96x1xf32>
    %mul3A_45 = arith.mulf %get3A_4, %get3A_4 : vector<96x2048xf32>
    %dot_general3A_46 = arith.constant dense<0.000000e+00> : vector<1x2048xf32>
    %dot_general3A_47 = tpu.matmul %get3A_44, %mul3A_45, %dot_general3A_46 {dimension_numbers = #tpu.dot_dimension_numbers<[0], [0], [1], [1], [0, 1, 1, 1], [], []>, transpose_lhs_hint = false} : vector<96x1xf32>, vector<96x2048xf32>, vector<1x2048xf32> -> vector<1x2048xf32>
    %add3A_48 = arith.addf %get3A_41, %dot_general3A_47 : vector<1x2048xf32>
    %sub3A = arith.subf %dot_general3A_38, %add3A_48 : vector<1x2048xf32>
    %mul3A_49 = arith.constant 5.000000e-01 : f32
    %mul3A_50 = vector.broadcast %mul3A_49 : f32 to vector<1x2048xf32>
    %mul3A_51 = arith.mulf %mul3A_50, %sub3A : vector<1x2048xf32>
    %add3A_52 = arith.addf %add3A_24, %mul3A_51 : vector<1x2048xf32>
    %get3A_53 = arith.constant 0 : index
    %get3A_54 = arith.constant 0 : index
    %get3A_55 = vector.load %arg4[%get3A_53, %get3A_54] : memref<2048x256xf32, #tpu.memory_space<vmem>>, vector<2048x256xf32>
    %get3A_56 = arith.constant 0 : index
    %get3A_57 = arith.constant 0 : index
    %get3A_58 = vector.load %arg8[%get3A_56, %get3A_57] : memref<13x256xf32, #tpu.memory_space<vmem>>, vector<13x256xf32>
    %dot_general3A_59 = arith.constant dense<0.000000e+00> : vector<2048x256xf32>
    %dot_general3A_60 = tpu.matmul %get3A_1, %get3A_58, %dot_general3A_59 {dimension_numbers = #tpu.dot_dimension_numbers<[1], [0], [0], [1], [0, 0, 1, 1], [], []>, transpose_lhs_hint = false} : vector<2048x13xf32>, vector<13x256xf32>, vector<2048x256xf32> -> vector<2048x256xf32>
    %add3A_61 = arith.addf %get3A_55, %dot_general3A_60 : vector<2048x256xf32>
    %get3A_62 = arith.constant 0 : index
    %get3A_63 = arith.constant 0 : index
    %get3A_64 = vector.load %arg9[%get3A_62, %get3A_63] : memref<96x256xf32, #tpu.memory_space<vmem>>, vector<96x256xf32>
    %dot_general3A_65 = arith.constant dense<0.000000e+00> : vector<2048x256xf32>
    %dot_general3A_66 = tpu.matmul %get3A_4, %get3A_64, %dot_general3A_65 {dimension_numbers = #tpu.dot_dimension_numbers<[0], [0], [1], [1], [0, 1, 1, 1], [], []>, transpose_lhs_hint = false} : vector<96x2048xf32>, vector<96x256xf32>, vector<2048x256xf32> -> vector<2048x256xf32>
    %add3A_67 = arith.addf %add3A_61, %dot_general3A_66 : vector<2048x256xf32>
    %get3A_68 = arith.constant 0 : index
    %get3A_69 = arith.constant 0 : index
    %get3A_70 = vector.load %arg10[%get3A_68, %get3A_69] : memref<1x256xf32, #tpu.memory_space<vmem>>, vector<1x256xf32>
    %add3A_71 = vector.broadcast %get3A_70 : vector<1x256xf32> to vector<2048x256xf32>
    %add3A_72 = arith.addf %add3A_67, %add3A_71 : vector<2048x256xf32>
    %max3A = arith.constant 0.000000e+00 : f32
    %max3A_73 = vector.broadcast %max3A : f32 to vector<2048x256xf32>
    %max3A_74 = arith.maximumf %add3A_72, %max3A_73 : vector<2048x256xf32>
    %get3A_75 = arith.constant 0 : index
    %get3A_76 = arith.constant 0 : index
    %get3A_77 = vector.load %arg11[%get3A_75, %get3A_76] : memref<256x128xf32, #tpu.memory_space<vmem>>, vector<256x128xf32>
    %dot_general3A_78 = arith.constant dense<0.000000e+00> : vector<2048x128xf32>
    %dot_general3A_79 = tpu.matmul %max3A_74, %get3A_77, %dot_general3A_78 {dimension_numbers = #tpu.dot_dimension_numbers<[1], [0], [0], [1], [0, 0, 1, 1], [], []>, transpose_lhs_hint = false} : vector<2048x256xf32>, vector<256x128xf32>, vector<2048x128xf32> -> vector<2048x128xf32>
    %get3A_80 = arith.constant 0 : index
    %get3A_81 = arith.constant 0 : index
    %get3A_82 = vector.load %arg12[%get3A_80, %get3A_81] : memref<1x128xf32, #tpu.memory_space<vmem>>, vector<1x128xf32>
    %add3A_83 = vector.broadcast %get3A_82 : vector<1x128xf32> to vector<2048x128xf32>
    %add3A_84 = arith.addf %dot_general3A_79, %add3A_83 : vector<2048x128xf32>
    %max3A_85 = arith.constant 0.000000e+00 : f32
    %max3A_86 = vector.broadcast %max3A_85 : f32 to vector<2048x128xf32>
    %max3A_87 = arith.maximumf %add3A_84, %max3A_86 : vector<2048x128xf32>
    %get3A_88 = arith.constant 0 : index
    %get3A_89 = arith.constant 0 : index
    %get3A_90 = vector.load %arg13[%get3A_88, %get3A_89] : memref<128x1xf32, #tpu.memory_space<vmem>>, vector<128x1xf32>
    %dot_general3A_91 = arith.constant dense<0.000000e+00> : vector<1x2048xf32>
    %dot_general3A_92 = tpu.matmul %get3A_90, %max3A_87, %dot_general3A_91 {dimension_numbers = #tpu.dot_dimension_numbers<[0], [1], [1], [0], [0, 1, 1, 0], [], []>, transpose_lhs_hint = false} : vector<128x1xf32>, vector<2048x128xf32>, vector<1x2048xf32> -> vector<1x2048xf32>
    %mul3A_93 = vector.broadcast %get3A_13 : f32 to vector<1x2048xf32>
    %mul3A_94 = arith.mulf %add3A_52, %mul3A_93 : vector<1x2048xf32>
    %add3A_95 = arith.addf %dot_general3A_92, %mul3A_94 : vector<1x2048xf32>
    %add3A_96 = vector.broadcast %get3A_11 : f32 to vector<1x2048xf32>
    %add3A_97 = arith.addf %add3A_95, %add3A_96 : vector<1x2048xf32>
    %swap3A = arith.constant 0 : index
    %swap3A_98 = arith.constant 0 : index
    %swap3A_99 = vector.load %arg19[%swap3A, %swap3A_98] : memref<1x2048xf32, #tpu.memory_space<vmem>>, vector<1x2048xf32>
    tpu.vector_store %arg19[%swap3A, %swap3A_98], %add3A_97 {strides = array<i32>} : memref<1x2048xf32, #tpu.memory_space<vmem>>, vector<1x2048xf32>,
    return
  }
  func.func @transform_0(%arg0: i32) -> (i32, i32) {
    %c0_i32 = arith.constant 0 : i32
    %c0_i32_0 = arith.constant 0 : i32
    return %arg0, %c0_i32 : i32, i32
  }
  func.func @transform_1(%arg0: i32) -> (i32, i32) {
    %c0_i32 = arith.constant 0 : i32
    %c0_i32_0 = arith.constant 0 : i32
    return %c0_i32, %arg0 : i32, i32
  }
  func.func @transform_2(%arg0: i32) -> (i32, i32) {
    %c0_i32 = arith.constant 0 : i32
    %c0_i32_0 = arith.constant 0 : i32
    return %c0_i32, %arg0 : i32, i32
  }
  func.func @transform_3(%arg0: i32) -> (i32, i32) {
    %c0_i32 = arith.constant 0 : i32
    %c0_i32_0 = arith.constant 0 : i32
    return %arg0, %c0_i32 : i32, i32
  }
  func.func @transform_4(%arg0: i32) -> (i32, i32) {
    %c0_i32 = arith.constant 0 : i32
    %c0_i32_0 = arith.constant 0 : i32
    return %arg0, %c0_i32 : i32, i32
  }
  func.func @transform_5(%arg0: i32) -> (i32, i32) {
    %c0_i32 = arith.constant 0 : i32
    %c0_i32_0 = arith.constant 0 : i32
    return %c0_i32, %arg0 : i32, i32
  }
  func.func @transform_6(%arg0: i32) -> (i32, i32) {
    %c0_i32 = arith.constant 0 : i32
    %c0_i32_0 = arith.constant 0 : i32
    %c0_i32_1 = arith.constant 0 : i32
    return %c0_i32, %c0_i32_0 : i32, i32
  }
  func.func @transform_7(%arg0: i32) -> (i32, i32) {
    %c0_i32 = arith.constant 0 : i32
    %c0_i32_0 = arith.constant 0 : i32
    %c0_i32_1 = arith.constant 0 : i32
    return %c0_i32, %c0_i32_0 : i32, i32
  }
  func.func @transform_8(%arg0: i32) -> (i32, i32) {
    %c0_i32 = arith.constant 0 : i32
    %c0_i32_0 = arith.constant 0 : i32
    %c0_i32_1 = arith.constant 0 : i32
    return %c0_i32, %c0_i32_0 : i32, i32
  }
  func.func @transform_9(%arg0: i32) -> (i32, i32) {
    %c0_i32 = arith.constant 0 : i32
    %c0_i32_0 = arith.constant 0 : i32
    %c0_i32_1 = arith.constant 0 : i32
    return %c0_i32, %c0_i32_0 : i32, i32
  }
  func.func @transform_10(%arg0: i32) -> (i32, i32) {
    %c0_i32 = arith.constant 0 : i32
    %c0_i32_0 = arith.constant 0 : i32
    %c0_i32_1 = arith.constant 0 : i32
    return %c0_i32, %c0_i32_0 : i32, i32
  }
  func.func @transform_11(%arg0: i32) -> (i32, i32) {
    %c0_i32 = arith.constant 0 : i32
    %c0_i32_0 = arith.constant 0 : i32
    %c0_i32_1 = arith.constant 0 : i32
    return %c0_i32, %c0_i32_0 : i32, i32
  }
  func.func @transform_12(%arg0: i32) -> (i32, i32) {
    %c0_i32 = arith.constant 0 : i32
    %c0_i32_0 = arith.constant 0 : i32
    %c0_i32_1 = arith.constant 0 : i32
    return %c0_i32, %c0_i32_0 : i32, i32
  }
  func.func @transform_13(%arg0: i32) -> (i32, i32) {
    %c0_i32 = arith.constant 0 : i32
    %c0_i32_0 = arith.constant 0 : i32
    %c0_i32_1 = arith.constant 0 : i32
    return %c0_i32, %c0_i32_0 : i32, i32
  }
  func.func @transform_14(%arg0: i32) -> (i32, i32) {
    %c0_i32 = arith.constant 0 : i32
    %c0_i32_0 = arith.constant 0 : i32
    %c0_i32_1 = arith.constant 0 : i32
    return %c0_i32, %c0_i32_0 : i32, i32
  }
  func.func @transform_15(%arg0: i32) -> (i32, i32) {
    %c0_i32 = arith.constant 0 : i32
    %c0_i32_0 = arith.constant 0 : i32
    %c0_i32_1 = arith.constant 0 : i32
    return %c0_i32, %c0_i32_0 : i32, i32
  }
  func.func @transform_16(%arg0: i32) -> (i32, i32) {
    %c0_i32 = arith.constant 0 : i32
    %c0_i32_0 = arith.constant 0 : i32
    %c0_i32_1 = arith.constant 0 : i32
    return %c0_i32, %c0_i32_0 : i32, i32
  }
  func.func @transform_17(%arg0: i32) -> i32 {
    %c0_i32 = arith.constant 0 : i32
    %c0_i32_0 = arith.constant 0 : i32
    return %c0_i32 : i32
  }
  func.func @transform_18(%arg0: i32) -> (i32, i32) {
    %c0_i32 = arith.constant 0 : i32
    %c0_i32_0 = arith.constant 0 : i32
    return %c0_i32, %arg0 : i32, i32
  }
}

</mosaic_0001>

<sc_bundles>
// kernel: kernel.6.cloned.1.call-start
scs
__scs_entry_jumppad:
0x0: {  	(pc) =	sbr.rel $0x88, $3  }
0x1: {  	(tag) =	ssettag $0x0;
	lr =	simm.s32 $0x1  }
0x2: {  	[smem:$0x3F95] =	sst lr;
	_ =	strace $0xD0000000  }
0x3: {  	_ = 	snop  }
0x4: {  	_ = 	snop  }
0x5: {  	_ = 	snop  }
0x6: {  	_ = 	snop  }
0x7: {  	_ = 	snop  }
__scs_overlays_trampoline_lowered:
0x8: {  	[smem:$0x3FA4] =	sst s0  }
0x9: {  	[smem:$0x3FA5] =	sst s1  }
0xa: {  	[smem:$0x3FA6] =	sst s2  }
0xb: {  	[smem:$0x3FA7] =	sst s3  }
0xc: {  	[smem:$0x3FA8] =	sst s4  }
0xd: {  	[smem:$0x3FA9] =	sst s5  }
0xe: {  	[smem:$0x3FAA] =	sst s6  }
0xf: {  	[smem:$0x3FAB] =	sst s7  }
0x10: {  	[smem:$0x3FAC] =	sst s8  }
0x11: {  	[smem:$0x3FAD] =	sst s9;
	s0 =	simm.s32 @!p0 $0x0  }
0x12: {  	s1 =	sld [smem:$0x3F93];
	s0 =	simm.s32 @p0 $0x1  }
0x13: {  	[smem:$0x3FAE] =	sst s0;
	s0 =	simm.s32 @!p1 $0x0  }
0x14: {  	s2 =	sld [smem:$0x3F92];
	s0 =	simm.s32 @p1 $0x1  }
0x15: {  	[smem:$0x3FAF] =	sst s0;
	s0 =	simm.s32 @!p2 $0x0  }
0x16: {  	s3 =	sld [smem:$0x3FDB];
	s0 =	simm.s32 @p2 $0x1  }
0x17: {  	s4 =	simm.s32 $0x1BF5;
	[smem:$0x3FB1] =	sst s0  }
0x18: {  	s0 =	sld [smem:$0x3F94];
	_ =	swait.ge [sflag:s4], $0x0  }
0x19: {  	s7 =	sld [smem:$0x3F95]  }
0x1a: {  	s8 =	sadd.s32 $0xFFFFE003, lr  }
0x1b: {  	s9 =	sadd.s32 $0xFFFFFEF7, lr;
	s5 =	simm.s32 $0xFFFFFFFF;
	p2 =	slt.u32 s8, $0xFFFFF086  }
0x1c: {  	p1 =	slt.u32 s9, $0xF7A;
	s5 =	simm.s32 @!p2 $0x0  }
0x1d: {  	s5 =	simm.s32 @p1 $0x1;
	p0 =	seq.s32 s7, s2  }
0x1e: {  	s7 =	smul.u32 @!p0 $0xF7A, s2;
	p2 =	seq.s32 @!p0 s5, $0x0  }
0x1f: {  	s9 =	smul.u32 $0xF7A, s1;
	s8 =	simm.s32 @!p0 $0x1BF5;
	p2 =	por !p2, p0  }
0x20: {  	[sflag:s8] =	ssyncset.s32 @!p0 $0xFFFFF086;
	s6 =	sadd.s32 @!p0 s3, s7;
	s7 =	simm.s32 @!p0 $0x108  }
0x21: {  	s3 =	sadd.s32 s3, s9;
	s6 =	sadd.s32 @!p0 $0x88, s6;
	s7 =	simm.s32 @p2 $0x1082  }
0x22: {  	[simem:s7], [sflag:s8] =	dma.local @!p0 [hbm:s6], $0xF7A  }
0x23: {  	s9 =	sor.u32 $0xD0000000, s2;
	s6 =	simm.s32 $0x108;
	_ =	swait.ge @!p0 [sflag:s8], $0x0  }
0x24: {  	s3 =	sadd.s32 $0x88, s3;
	s6 =	simm.s32 @!p1 $0x1082;
	[sflag:s4] =	ssyncset.s32 $0xFFFFF086  }
0x25: {  	[simem:s6], [sflag:s4] =	dma.local [hbm:s3], $0xF7A  }
0x26: {  	[smem:$0x3F95] =	sst s1;
	(tag) =	ssettag s2;
	_ =	strace s9  }
0x27: {  	s1 =	sld [smem:$0x3FA5]  }
0x28: {  	s2 =	sld [smem:$0x3FA6]  }
0x29: {  	s4 =	sld [smem:$0x3FA8]  }
0x2a: {  	p0 =	seq.s32 s5, $0x0;
	s5 =	sld [smem:$0x3FA9]  }
0x2b: {  	s6 =	sld [smem:$0x3FAA]  }
0x2c: {  	s7 =	sld [smem:$0x3FAB]  }
0x2d: {  	s3 =	simm.s32 $0x108;
	s8 =	sld [smem:$0x3FAC]  }
0x2e: {  	s3 =	simm.s32 @!p0 $0x1082;
	s9 =	sld [smem:$0x3FAD]  }
0x2f: {  	lr =	sadd.s32 s0, s3;
	s0 =	sld [smem:$0x3FA4]  }
0x30: {  	s3 =	sld [smem:$0x3FA7]  }
0x31: {  	[smem:$0x3FB0] =	sst s10  }
0x32: {  	s10 =	sld [smem:$0x3FAE];
	_ =	sdelay $0x3  }
0x33: {  	p0 =	seq.s32 s10, $0x1;
	s10 =	sld [smem:$0x3FB0];
	_ =	sdelay $0x3  }
0x34: {  	[smem:$0x3FB0] =	sst s10  }
0x35: {  	s10 =	sld [smem:$0x3FAF];
	_ =	sdelay $0x3  }
0x36: {  	p1 =	seq.s32 s10, $0x1;
	s10 =	sld [smem:$0x3FB0];
	_ =	sdelay $0x3  }
0x37: {  	[smem:$0x3FB0] =	sst s10  }
0x38: {  	s10 =	sld [smem:$0x3FB1]  }
0x39: {  	_ = 	snop;
	(pc) =	sbr.ind lr, $3  }
0x3a: {  	_ = 	snop  }
0x3b: {  	_ = 	snop  }
0x3c: {  	p2 =	seq.s32 s10, $0x1;
	s10 =	sld [smem:$0x3FB0]  }
0x3d: {  	_ =	shalt  }
0x3e: {  	_ =	shalt  }
0x3f: {  	_ =	shalt  }
0x40: {  	_ =	shalt  }
0x41: {  	_ =	shalt  }
0x42: {  	_ =	shalt  }
0x43: {  	_ =	shalt  }
0x44: {  	_ =	shalt  }
0x45: {  	_ =	shalt  }
0x46: {  	_ =	shalt  }
0x47: {  	_ =	shalt  }
0x48: {  	_ =	shalt  }
0x49: {  	_ =	shalt  }
0x4a: {  	_ =	shalt  }
0x4b: {  	_ =	shalt  }
0x4c: {  	_ =	shalt  }
0x4d: {  	_ =	shalt  }
0x4e: {  	_ =	shalt  }
0x4f: {  	_ =	shalt  }
0x50: {  	_ =	shalt  }
0x51: {  	_ =	shalt  }
0x52: {  	_ =	shalt  }
0x53: {  	_ =	shalt  }
0x54: {  	_ =	shalt  }
0x55: {  	_ =	shalt  }
0x56: {  	_ =	shalt  }
0x57: {  	_ =	shalt  }
0x58: {  	_ =	shalt  }
0x59: {  	_ =	shalt  }
0x5a: {  	_ =	shalt  }
0x5b: {  	_ =	shalt  }
0x5c: {  	_ =	shalt  }
0x5d: {  	_ =	shalt  }
0x5e: {  	_ =	shalt  }
0x5f: {  	_ =	shalt  }
0x60: {  	_ =	shalt  }
0x61: {  	_ =	shalt  }
0x62: {  	_ =	shalt  }
0x63: {  	_ =	shalt  }
0x64: {  	_ =	shalt  }
0x65: {  	_ =	shalt  }
0x66: {  	_ =	shalt  }
0x67: {  	_ =	shalt  }
0x68: {  	_ =	shalt  }
0x69: {  	_ =	shalt  }
0x6a: {  	_ =	shalt  }
0x6b: {  	_ =	shalt  }
0x6c: {  	_ =	shalt  }
0x6d: {  	_ =	shalt  }
0x6e: {  	_ =	shalt  }
0x6f: {  	_ =	shalt  }
0x70: {  	_ =	shalt  }
0x71: {  	_ =	shalt  }
0x72: {  	_ =	shalt  }
0x73: {  	_ =	shalt  }
0x74: {  	_ =	shalt  }
0x75: {  	_ =	shalt  }
0x76: {  	_ =	shalt  }
0x77: {  	_ =	shalt  }
0x78: {  	_ =	shalt  }
0x79: {  	_ =	shalt  }
0x7a: {  	_ =	shalt  }
0x7b: {  	_ =	shalt  }
0x7c: {  	_ =	shalt  }
0x7d: {  	_ =	shalt  }
0x7e: {  	_ =	shalt  }
0x7f: {  	_ =	shalt  }
0x80: {  	_ =	shalt  }
0x81: {  	_ =	shalt  }
0x82: {  	_ =	shalt  }
0x83: {  	_ =	shalt  }
0x84: {  	_ =	shalt  }
0x85: {  	_ =	shalt  }
0x86: {  	_ =	shalt  }
0x87: {  	_ =	shalt  }
.Lfunc_end0:
.L_simem_size_0:
called_computation_lowered:
.L_overlay_start_0:
0x88: {  	s2 =	sld [smem:$0x3FD9]  }
0x89: {  	s3 =	sld [smem:$0x3FFE];
	_ =	sdelay $0x1  }
0x8a: {  	s1 =	srdreg.scid  }
0x8b: {  	s0 =	sand.u32 $0x1, s1  }
0x8c: {  	s17 =	sshll.u32 s0, $0xA;
	s2 =	sadd.s32 s3, s2  }
0x8d: {  	s2 =	sadd.s32 s2, s17  }
0x8e: {  	[smem:$0x3FBC] =	sst s2  }
0x8f: {  	_ = 	snop  }
0x90: {  	s2 =	sld [smem:$0x3FC6];
	(tm) =	ssettm $0x1  }
0x91: {  	s18 =	sld [smem:$0x3FFB];
	_ =	sdelay $0x3  }
0x92: {  	_ =	strace s18  }
0x93: {  	s3 =	sld [smem:$0x3FFC];
	_ =	sdelay $0x3  }
0x94: {  	_ =	strace s3  }
0x95: {  	s3 =	sld [smem:$0x3FFD];
	_ =	sdelay $0x3  }
0x96: {  	_ =	strace s3  }
0x97: {  	_ =	strace $0x8FFFFFFF  }
0x98: {  	s19 =	sld [smem:$0x3FDB];
	_ =	sdelay $0x1  }
0x99: {  	s4 =	simm.s32 $_scs_section_size  }
0x9a: {  	s5 =	simm.s32 $_size__tile_overlayer_lowered;
	s6 =	simm.s32 $_tile_overlayer_lowered  }
0x9b: {  	s22 =	simm.s32 $0x1BFF;
	s21 =	sshll.u32 s6, $0x1;
	s3 =	sadd.s32 s4, s19  }
0x9c: {  	s7 =	simm.s32 $0x0;
	s20 =	sshll.u32 s5, $0x1;
	s5 =	sadd.s32 s21, s3  }
0x9d: {  	[timem:s7], [sflag:s22] =	dma.local [hbm:s5], s20  }
0x9e: {  	_ =	swait.ge [sflag:s22], s20  }
0x9f: {  	s4 =	ssub.s32 $0x0, s20;
	[sflag:s22] =	ssyncset.done $0x0  }
0xa0: {  	[sflag:s22] =	ssyncadd.s32 s4;
	_ =	sdelay $0x1  }
0xa1: {  	s23 =	simm.s32 $0x1B8B  }
0xa2: {  	_ =	swait.ge [sflag:s23], $0x1  }
0xa3: {  	[sflag:s23] =	ssyncset.done $0x0  }
0xa4: {  	s25 =	simm.s32 $0x1B8E;
	s24 =	sld [smem:$0x3FFE];
	[sflag:s23] =	ssyncadd.s32 $0xFFFFFFFF  }
0xa5: {  	s26 =	simm.s32 $execute0_lowered;
	[smem:$0x3FD2] =	sst s25  }
0xa6: {  	s5 =	sshll.u32 s26, $0x1;
	_ =	strace $0x80000046;
	[dreg:$0x1] =	wrdreg $0xFFFFFFFF  }
0xa7: {  	s28 =	simm.s32 $_size_execute0_lowered;
	s3 =	sadd.s32 s3, s5;
	[dreg:$0x0] =	wrdreg $0x0  }
0xa8: {  	s5 =	sshll.u32 s28, $0x1;
	[dreg:$0x2] =	wrdreg s3  }
0xa9: {  	[dreg:$0x3] =	wrdreg s5  }
0xaa: {  	[dreg:$0x4] =	wrdreg $0xC0  }
0xab: {  	_ =	task [dreg:s7], $0x5FFFF  }
0xac: {  	[dreg:$0x1] =	wrdreg $0xFFFFFFFF  }
0xad: {  	[dreg:$0x0] =	wrdreg $0x60  }
0xae: {  	[dreg:$0x2] =	wrdreg s2  }
0xaf: {  	[dreg:$0x3] =	wrdreg s24  }
0xb0: {  	[dreg:$0x4] =	wrdreg $0x9  }
0xb1: {  	_ =	task.clear_ibuf [dreg:s7], $0x5FFFF;
	_ =	strace $0x90000046  }
0xb2: {  	s29 =	simm.s32 $0x9;
	_ =	strace $0x80000048  }
0xb3: {  	_ =	swait.ge [sflag:s29], $0x1  }
0xb4: {  	[sflag:s29] =	ssyncadd.s32 $0xFFFFFFFF  }
0xb5: {  	_ =	strace $0x90000048  }
0xb6: {  	_ =	sfence  }
0xb7: {  	s30 =	sld [smem:$0x0];
	_ =	sdelay $0x2  }
0xb8: {  	s31 =	sshll.u32 s1, $0xD;
	s1 =	sshrl.u32 s1, $0x2  }
0xb9: {  	s3 =	sand.u32 $0x4000, s31;
	s1 =	sadd.s32 s1, s30  }
0xba: {  	s0 =	sor.u32 s3, s0;
	s1 =	sshll.u32 s1, $0x11  }
0xbb: {  	s0 =	sor.u32 s1, s0  }
0xbc: {  	s0 =	sadd.s32 $0x8F2B, s0  }
0xbd: {  	[sflag:s0] =	ssyncadd.remote.s32 $0x1  }
0xbe: {  	_ =	sfence.sel $0xFFFF  }
0xbf: {  	[dreg:$0x0] =	wrdreg $0xFFFFFFFF;
	(pc) =	sbr.abs _section_cstart, $3  }
0xc0: {  	[dreg:$0x1] =	wrdreg $0xFFFFFFFF  }
0xc1: {  	_ =	task.clear_ibuf [dreg:s7], $0x2FFFF;
	_ =	strace $0x9FFFFFFF  }
0xc2: {  	(tm) =	ssettm $0x7FFFFFFF  }
0xc3: {  	_ =	shalt  }
tec
execute0_lowered:
.L_overlay_start_1:
0x0: {  	(tag) =	ssettag $0x1  }
0x1: {  	s1 =	srdreg.scid;
	s0 =	stileid.u32  }
0x2: {  	s5 =	sand.u32 $0x1, s1;
	s28 =	sshll.u32 s0, $0x1  }
0x3: {  	s6 =	sor.u32 s5, s28  }
0x4: {  	s2 =	rddreg [dreg:$0x0];
	s3 =	smul.u32 $0xA, s6  }
0x5: {  	s7 =	rddreg [dreg:$0x1]  }
0x6: {  	s4 =	simm.s32 $0x0;
	s11 =	simm.s32 $0x1;
	s8 =	sshrl.u32 s3, $0x3  }
0x7: {  	s12 =	simm.s32 $0x2;
	s6 =	sshll.u32 s6, $0x8;
	s8 =	smul.u32 $0xC3800, s8  }
0x8: {  	s13 =	simm.s32 $0x3;
	s14 =	simm.s32 $0x0;
	s29 =	sand.u32 $0x300, s6  }
0x9: {  	[smem:$0x7FF] =	sst s4;
	s9 =	ssub.s32 $0x2, s5;
	s8 =	sor.u32 s29, s8  }
0xa: {  	_ =	strace $0x80000047;
	s30 =	sshrl.u32 s9, $0x1;
	s8 =	sshrl.u32 s8, $0x3  }
0xb: {  	s5 =	sadd.s32 $0x64000, s7;
	s9 =	ssub.s32 s9, s30;
	s31 =	sadd.s32 s2, s8  }
0xc: {  	s6 =	sadd.s32 $0x74000, s7;
	s8 =	smax.u32 s9, $0x1;
	[dreg:$0x3] =	wrdreg s31  }
.LBB2_1:
0xd: {  	s0 =	rddreg [dreg:$0x3];
	s1 =	simm.s32 $0x80  }
0xe: {  	s7 =	simm.s32 $0x400;
	s15 =	simm.s32 $0xFFFFFFFF;
	s16 =	simm.s32 $0x0  }
0xf: {  	[tilespmem:s4], [sflag:$0x1] =	stream.strided.gather [hbm4b:s0+s1], $0x18700, s7, s1, $0x38;
	[tilespmem:$0x1E700] =	vst v63  }
.LBB2_2:
0x10: {  	s17 =	sadd.s32 s3, s16  }
0x11: {  	s18 =	smov.u32 s15;
	s15 =	sshrl.u32 s17, $0x4  }
0x12: {  	p0 =	seq.s32 s15, s18  }
0x13: {  	s18 =	sshll.u32 @!p0 s15, $0xB;
	s19 =	sand.u32 @!p0 $0x70, s17  }
0x14: {  	s20 =	simm.s32 @!p0 $0x400;
	s18 =	sand.u32 @!p0 $0xFFFC000, s18;
	s19 =	sadd.s32 @!p0 s5, s19  }
0x15: {  	s21 =	simm.s32 @!p0 $0x18700;
	s18 =	sadd.s32 @!p0 s18, s19;
	s19 =	simm.s32 @!p0 $0x80  }
0x16: {  	[tilespmem:s21], [sflag:$0x4] =	stream.strided.gather @!p0 [hbm4b:s18+s19], $0x4000, s20, s19, $0x38;
	[tilespmem:$0x1E700] =	vst v63  }
0x17: {  	s18 =	simm.s32 @!p0 $0x4  }
0x18: {  	_ =	swait.ge @!p0 [sflag:s18], $0x4000  }
0x19: {  	[sflag:s18] =	ssyncset.done @!p0 $0x0  }
0x1a: {  	[sflag:s18] =	ssyncadd.s32 @!p0 $0xFFFFC000  }
0x1b: {  	_ =	swait.ge [sflag:s11], $0x18700  }
0x1c: {  	p0 =	seq.s32 s16, $0x0;
	[sflag:s11] =	ssyncset.done $0x0  }
0x1d: {  	s18 =	simm.s32 @!p0 $0x2;
	[sflag:s11] =	ssyncadd.s32 $0xFFFE7900  }
0x1e: {  	s31 =	simm.s32 $0x18700;
	s19 =	simm.s32 $0x0;
	_ =	swait.ge @!p0 [sflag:s18], $0x1000  }
0x1f: {  	s25 =	sand.u32 $0x40, s19;
	s26 =	sand.u32 $0xF80, s19;
	[sflag:s18] =	ssyncset.done @!p0 $0x0  }
0x20: {  	[sflag:s18] =	ssyncadd.s32 @!p0 $0xFFFFF000;
	s18 =	sadd.s32 $0x18700, s26;
	s26 =	sor.u32 $0x30, s25  }
0x21: {  	v0 =	vld [tilespmem:s31+$0x0];
	s0 =	sor.u32 s26, s18  }
0x22: {  	v1 =	vld [tilespmem:s0+$0x0]  }
0x23: {  	s28 =	sor.u32 $0x10, s25;
	s29 =	sor.u32 $0x20, s25  }
0x24: {  	s7 =	simm.s32 $0x40;
	s1 =	sor.u32 s28, s18;
	s18 =	sor.u32 s29, s18  }
0x25: {  	s20 =	sand.u32 $0x40, s7;
	v5 =	vld [tilespmem:s18+$0x0];
	s18 =	sand.u32 $0xF80, s7  }
0x26: {  	s9 =	simm.s32 $0x18740;
	s23 =	sor.u32 $0x10, s20;
	v3 =	vld [tilespmem:s1+$0x0];
	s18 =	sadd.s32 $0x18700, s18  }
0x27: {  	v2 =	vld [tilespmem:s9+$0x0];
	s30 =	sor.u32 s23, s18  }
0x28: {  	v6 =	vld [tilespmem:s30+$0x0]  }
0x29: {  	s22 =	sor.u32 $0x30, s20;
	v0 =	vld.idx.msk [tilespmem:v0+s4+$0x0], $0xffff  }
0x2a: {  	s24 =	sor.u32 s22, s18;
	v7 =	vld.idx.msk [tilespmem:v1+s4+$0x0], $0xffff  }
0x2b: {  	s21 =	sor.u32 $0x20, s20;
	s30 =	sand.u32 $0x1F00, s19;
	v1 =	vld [tilespmem:s24+$0x0]  }
0x2c: {  	s31 =	sor.u32 s21, s18;
	s10 =	sadd.s32 $0x1C700, s30  }
0x2d: {  	s18 =	sadd.s32 $0x1, s16;
	v4 =	vld [tilespmem:s31+$0x0];
	s30 =	sor.u32 s25, s10  }
0x2e: {  	s28 =	sor.u32 s28, s10;
	s1 =	sor.u32 s26, s10;
	s25 =	simm.s32 $0x80;
	v3 =	vld.idx.msk [tilespmem:v3+s4+$0x0], $0xffff  }
0x2f: {  	s26 =	simm.s32 $0x18780;
	s29 =	sor.u32 s29, s10;
	s24 =	simm.s32 $0x4;
	v5 =	vld.idx.msk [tilespmem:v5+s4+$0x0], $0xffff;
	[tilespmem:s1+$0x0] =	vst v7  }
.LBB2_3:
0x30: {  	v7 =	vld [tilespmem:s26+$0x0];
	s1 =	sand.u32 $0xF80, s25;
	s24 =	sadd.s32 $0x4, s24;
	[tilespmem:s30+$0x0] =	vst v0;
	s30 =	smov.u32 s20  }
0x31: {  	v8 =	vmov v6;
	s20 =	sand.u32 $0x40, s25;
	s31 =	smov.u32 s22;
	s0 =	smov.u32 s23  }
0x32: {  	s1 =	sadd.s32 $0x18700, s1;
	s22 =	sor.u32 $0x30, s20;
	p1 =	slt.u32 s24, $0xFC;
	v0 =	vld.idx.msk [tilespmem:v2+s4+$0x0], $0xffff;
	v9 =	vmov v4  }
0x33: {  	s23 =	sor.u32 $0x10, s20;
	s9 =	sor.u32 $0x20, s20;
	s10 =	sor.u32 s22, s1;
	v10 =	vld.idx.msk [tilespmem:v1+s4+$0x0], $0xffff  }
0x34: {  	s7 =	sor.u32 s23, s1;
	s1 =	sor.u32 s9, s1;
	v1 =	vld [tilespmem:s10+$0x0];
	[tilespmem:s28+$0x0] =	vst v3;
	s10 =	smov.u32 s21  }
.Ltmp0:
0x35: {  	s19 =	sadd.s32 $0x80, s19;
	s21 =	smov.u32 s9;
	v6 =	vld [tilespmem:s7+$0x0];
	[tilespmem:s29+$0x0] =	vst v5;
	(pc) =	sbr.rel @p1 .LBB2_3-.Ltmp0, $4  }
0x36: {  	v4 =	vld [tilespmem:s1+$0x0];
	s1 =	sand.u32 $0x1F00, s19;
	v2 =	vmov v7  }
0x37: {  	s1 =	sadd.s32 $0x1C700, s1;
	v3 =	vld.idx.msk [tilespmem:v8+s4+$0x0], $0xffff  }
0x38: {  	s30 =	sor.u32 s30, s1;
	s28 =	sor.u32 s0, s1;
	v5 =	vld.idx.msk [tilespmem:v9+s4+$0x0], $0xffff;
	s0 =	sor.u32 s31, s1  }
0x39: {  	s25 =	sadd.s32 $0x40, s25;
	s26 =	sadd.s32 $0x40, s26;
	s29 =	sor.u32 s10, s1;
	[tilespmem:s0+$0x0] =	vst v10  }
0x3a: {  	_ =	sdelay $0x3  }
0x3b: {  	v1 =	vld.idx.msk [tilespmem:v1+s4+$0x0], $0xffff  }
0x3c: {  	v2 =	vld.idx.msk [tilespmem:v2+s4+$0x0], $0xffff;
	s0 =	sadd.s32 $0x80, s19  }
0x3d: {  	[tilespmem:s30+$0x0] =	vst v0;
	v62 =	vld.idx.msk [tilespmem:v6+s4+$0x0], $0xffff;
	s0 =	sand.u32 $0x1F00, s0  }
0x3e: {  	v63 =	vld.idx.msk [tilespmem:v4+s4+$0x0], $0xffff;
	[tilespmem:s28+$0x0] =	vst v3;
	s0 =	sadd.s32 $0x1C700, s0  }
0x3f: {  	s7 =	sshll.u32 s17, $0x4;
	[tilespmem:s29+$0x0] =	vst v5;
	s1 =	sor.u32 s22, s0  }
0x40: {  	s31 =	sshll.u32 s17, $0xB;
	s7 =	sand.u32 $0x70, s7;
	s9 =	sor.u32 s20, s0;
	[tilespmem:s1+$0x0] =	vst v1  }
0x41: {  	s7 =	sadd.s32 s6, s7;
	s10 =	sor.u32 s23, s0;
	[tilespmem:s9+$0x0] =	vst v2;
	s1 =	sand.u32 $0xFFFC000, s31  }
0x42: {  	s0 =	sor.u32 s21, s0;
	s20 =	simm.s32 $0x1C700;
	[tilespmem:s10+$0x0] =	vst v62;
	s19 =	sadd.s32 s1, s7  }
0x43: {  	s21 =	simm.s32 $0x80;
	s22 =	simm.s32 $0x1C800;
	[tilespmem:s0+$0x0] =	vst v63;
	s23 =	sadd.s32 $0x0, s19  }
.LBB2_5:
0x44: {  	[hbm4b:s23+s4] =	stream.linear.scatter [tilespmem:s20], [sflag:$0x2], $0x80, $0x38;
	[tilespmem:$0x1E700] =	vst v63  }
0x45: {  	s0 =	smov.u32 s21;
	s20 =	smov.u32 s22;
	p1 =	sne.s32 s21, $0xF80  }
.Ltmp1:
0x46: {  	s21 =	sadd.s32 $0x80, s21;
	(pc) =	sbr.rel @p1 .LBB2_5-.Ltmp1, $2  }
0x47: {  	_ =	sdelay $0x2  }
0x48: {  	s22 =	sadd.s32 $0x100, s22;
	s23 =	sadd.s32 s0, s19  }
0x49: {  	[hbm4b:s23+s4] =	stream.linear.scatter [tilespmem:s20], [sflag:$0x2], $0x80, $0x38;
	[tilespmem:$0x1E700] =	vst v63  }
0x4a: {  	s0 =	simm.s32 @!p0 $0x3  }
0x4b: {  	_ =	swait.ge @!p0 [sflag:s0], $0x1000  }
0x4c: {  	[sflag:s0] =	ssyncset.done @!p0 $0x0  }
0x4d: {  	s26 =	simm.s32 $0x19730;
	s20 =	simm.s32 $0x0;
	[sflag:s0] =	ssyncadd.s32 @!p0 $0xFFFFF000  }
0x4e: {  	s1 =	sand.u32 $0xFC0, s20;
	v0 =	vld [tilespmem:s26+$0xFFFFFFE0]  }
0x4f: {  	v2 =	vld [tilespmem:s1+$0x19700]  }
0x50: {  	v4 =	vld [tilespmem:s26+$0xFFFFFFF0]  }
0x51: {  	v8 =	vld [tilespmem:s26+$0x0]  }
0x52: {  	s29 =	simm.s32 $0x19770  }
0x53: {  	s21 =	simm.s32 $0x40;
	v5 =	vld [tilespmem:s29+$0xFFFFFFE0]  }
0x54: {  	s30 =	sand.u32 $0xFC0, s21;
	v1 =	vld [tilespmem:s29+$0xFFFFFFF0]  }
0x55: {  	v3 =	vld [tilespmem:s30+$0x19700]  }
0x56: {  	v0 =	vld.idx.msk [tilespmem:v0+s4+$0x0], $0xffff  }
0x57: {  	s7 =	simm.s32 $0x1;
	p0 =	por $0x0, $0x0;
	v7 =	vld.idx.msk [tilespmem:v2+s4+$0x0], $0xffff  }
0x58: {  	s7 =	simm.s32 @!p0 $0x0;
	v6 =	vld.idx.msk [tilespmem:v4+s4+$0x0], $0xffff  }
0x59: {  	s31 =	sshll.u32 s7, $0x6;
	v4 =	vld.idx.msk [tilespmem:v8+s4+$0x0], $0xffff  }
0x5a: {  	s22 =	simm.s32 $0x4;
	s23 =	simm.s32 $0x197B0;
	s24 =	sadd.s32 $0x0, s31;
	v2 =	vld [tilespmem:s29+$0x0]  }
0x5b: {  	s28 =	sor.u32 $0x80, s24;
	s26 =	sor.u32 $0x90, s24;
	s25 =	sor.u32 $0xA0, s24  }
.LBB2_7:
0x5c: {  	v8 =	vld [tilespmem:s23+$0xFFFFFFE0];
	[tilespmem:s28+$0x1C700] =	vst v7;
	s0 =	sor.u32 $0xB0, s24  }
0x5d: {  	v9 =	vld [tilespmem:s23+$0xFFFFFFF0];
	[tilespmem:s26+$0x1C700] =	vst v0  }
0x5e: {  	s21 =	sadd.s32 $0x40, s21;
	s22 =	sadd.s32 $0x4, s22;
	v0 =	vld.idx.msk [tilespmem:v5+s4+$0x0], $0xffff;
	[tilespmem:s25+$0x1C700] =	vst v6  }
0x5f: {  	s1 =	sand.u32 $0xFC0, s21;
	p1 =	slt.u32 s22, $0xFC;
	v7 =	vld.idx.msk [tilespmem:v3+s4+$0x0], $0xffff;
	[tilespmem:s0+$0x1C700] =	vst v4  }
.Ltmp2:
0x60: {  	p0 =	por !p0, !p0;
	s0 =	simm.s32 $0x1;
	v3 =	vld [tilespmem:s1+$0x19700];
	(pc) =	sbr.rel @p1 .LBB2_7-.Ltmp2, $4  }
0x61: {  	s0 =	simm.s32 @!p0 $0x0;
	v6 =	vld.idx.msk [tilespmem:v1+s4+$0x0], $0xffff;
	v5 =	vmov v8  }
0x62: {  	s20 =	sadd.s32 $0x80, s20;
	s0 =	sshll.u32 s0, $0x6;
	v4 =	vld.idx.msk [tilespmem:v2+s4+$0x0], $0xffff;
	v1 =	vmov v9  }
0x63: {  	s24 =	sadd.s32 s0, s20;
	v2 =	vld [tilespmem:s23+$0x0];
	s23 =	sadd.s32 $0x40, s23  }
0x64: {  	s28 =	sor.u32 $0x80, s24;
	s26 =	sor.u32 $0x90, s24;
	s25 =	sor.u32 $0xA0, s24  }
0x65: {  	_ =	sdelay $0x3  }
0x66: {  	v3 =	vld.idx.msk [tilespmem:v3+s4+$0x0], $0xffff;
	p0 =	por !p0, !p0;
	s0 =	simm.s32 $0x1  }
0x67: {  	[tilespmem:s28+$0x1C700] =	vst v7;
	v5 =	vld.idx.msk [tilespmem:v5+s4+$0x0], $0xffff;
	s0 =	simm.s32 @!p0 $0x0  }
0x68: {  	[tilespmem:s26+$0x1C700] =	vst v0;
	v62 =	vld.idx.msk [tilespmem:v1+s4+$0x0], $0xffff;
	s1 =	sadd.s32 $0x80, s20;
	s0 =	sshll.u32 s0, $0x6  }
0x69: {  	s7 =	sor.u32 $0xB0, s24;
	[tilespmem:s25+$0x1C700] =	vst v6;
	v63 =	vld.idx.msk [tilespmem:v2+s4+$0x0], $0xffff;
	s0 =	sadd.s32 s0, s1  }
0x6a: {  	[tilespmem:s7+$0x1C700] =	vst v4;
	s1 =	sor.u32 $0x80, s0  }
0x6b: {  	s30 =	sor.u32 $0x90, s0;
	[tilespmem:s1+$0x1C700] =	vst v3  }
0x6c: {  	s31 =	sor.u32 $0xA0, s0;
	[tilespmem:s30+$0x1C700] =	vst v5  }
0x6d: {  	s20 =	sadd.s32 $0x1000, s19;
	s21 =	simm.s32 $0x1C780;
	s0 =	sor.u32 $0xB0, s0;
	[tilespmem:s31+$0x1C700] =	vst v62  }
0x6e: {  	s22 =	simm.s32 $0x80;
	s23 =	simm.s32 $0x1C880;
	s24 =	sadd.s32 $0x0, s20;
	[tilespmem:s0+$0x1C700] =	vst v63  }
.LBB2_9:
0x6f: {  	[hbm4b:s24+s4] =	stream.linear.scatter [tilespmem:s21], [sflag:$0x3], $0x80, $0x38;
	[tilespmem:$0x1E700] =	vst v63  }
0x70: {  	s0 =	smov.u32 s22;
	s21 =	smov.u32 s23;
	p0 =	sne.s32 s22, $0xF80  }
.Ltmp3:
0x71: {  	s22 =	sadd.s32 $0x80, s22;
	(pc) =	sbr.rel @p0 .LBB2_9-.Ltmp3, $2  }
0x72: {  	_ =	sdelay $0x2  }
0x73: {  	s23 =	sadd.s32 $0x100, s23;
	s24 =	sadd.s32 s0, s20  }
0x74: {  	[hbm4b:s24+s4] =	stream.linear.scatter [tilespmem:s21], [sflag:$0x3], $0x80, $0x38;
	[tilespmem:$0x1E700] =	vst v63  }
0x75: {  	_ =	swait.ge [sflag:s12], $0x1000  }
0x76: {  	[sflag:s12] =	ssyncset.done $0x0  }
0x77: {  	s0 =	simm.s32 $0x1A730;
	s20 =	simm.s32 $0x0;
	[sflag:s12] =	ssyncadd.s32 $0xFFFFF000  }
0x78: {  	s1 =	sand.u32 $0xFC0, s20;
	v0 =	vld [tilespmem:s0+$0xFFFFFFE0]  }
0x79: {  	v2 =	vld [tilespmem:s1+$0x1A700]  }
0x7a: {  	v3 =	vld [tilespmem:s0+$0xFFFFFFF0]  }
0x7b: {  	v8 =	vld [tilespmem:s0+$0x0]  }
0x7c: {  	s29 =	simm.s32 $0x1A770  }
0x7d: {  	s21 =	simm.s32 $0x40;
	v5 =	vld [tilespmem:s29+$0xFFFFFFE0]  }
0x7e: {  	s30 =	sand.u32 $0xFC0, s21;
	v1 =	vld [tilespmem:s29+$0xFFFFFFF0]  }
0x7f: {  	v4 =	vld [tilespmem:s30+$0x1A700]  }
0x80: {  	v0 =	vld.idx.msk [tilespmem:v0+s4+$0x0], $0xffff  }
0x81: {  	v7 =	vld.idx.msk [tilespmem:v2+s4+$0x0], $0xffff  }
0x82: {  	v6 =	vld.idx.msk [tilespmem:v3+s4+$0x0], $0xffff  }
0x83: {  	v2 =	vld.idx.msk [tilespmem:v8+s4+$0x0], $0xffff  }
0x84: {  	s23 =	simm.s32 $0x4;
	s31 =	sand.u32 $0x40, s20;
	s7 =	sand.u32 $0x1F00, s20;
	v3 =	vld [tilespmem:s29+$0x0]  }
0x85: {  	s24 =	simm.s32 $0x1A7B0;
	s22 =	simm.s32 $0x40;
	s25 =	sor.u32 s31, s7  }
.LBB2_11:
0x86: {  	v8 =	vld [tilespmem:s24+$0xFFFFFFE0];
	s0 =	sadd.s32 $0x1C700, s25;
	[tilespmem:s25+$0x1C700] =	vst v7  }
0x87: {  	v9 =	vld [tilespmem:s24+$0xFFFFFFF0];
	[tilespmem:s0+$0x10] =	vst v0  }
0x88: {  	s21 =	sadd.s32 $0x40, s21;
	s23 =	sadd.s32 $0x4, s23;
	v0 =	vld.idx.msk [tilespmem:v5+s4+$0x0], $0xffff;
	[tilespmem:s0+$0x20] =	vst v6  }
0x89: {  	s1 =	sand.u32 $0xFC0, s21;
	p0 =	slt.u32 s23, $0xFC;
	v7 =	vld.idx.msk [tilespmem:v4+s4+$0x0], $0xffff;
	[tilespmem:s0+$0x30] =	vst v2  }
.Ltmp4:
0x8a: {  	v4 =	vld [tilespmem:s1+$0x1A700];
	(pc) =	sbr.rel @p0 .LBB2_11-.Ltmp4, $4  }
0x8b: {  	v6 =	vld.idx.msk [tilespmem:v1+s4+$0x0], $0xffff;
	v5 =	vmov v8  }
0x8c: {  	s20 =	sadd.s32 $0x80, s20;
	v2 =	vld.idx.msk [tilespmem:v3+s4+$0x0], $0xffff;
	v1 =	vmov v9  }
0x8d: {  	s0 =	sand.u32 $0x40, s22;
	s22 =	smov.u32 s21;
	s1 =	sand.u32 $0x1F00, s20;
	v3 =	vld [tilespmem:s24+$0x0]  }
0x8e: {  	s25 =	sor.u32 s0, s1;
	s24 =	sadd.s32 $0x40, s24  }
0x8f: {  	_ =	sdelay $0x3  }
0x90: {  	v4 =	vld.idx.msk [tilespmem:v4+s4+$0x0], $0xffff  }
0x91: {  	s0 =	sadd.s32 $0x1C700, s25;
	[tilespmem:s25+$0x1C700] =	vst v7;
	v5 =	vld.idx.msk [tilespmem:v5+s4+$0x0], $0xffff  }
0x92: {  	v62 =	vld.idx.msk [tilespmem:v1+s4+$0x0], $0xffff;
	s1 =	sadd.s32 $0x80, s20;
	[tilespmem:s0+$0x10] =	vst v0  }
0x93: {  	s7 =	sand.u32 $0x40, s22;
	[tilespmem:s0+$0x20] =	vst v6;
	s1 =	sand.u32 $0x1F00, s1;
	v63 =	vld.idx.msk [tilespmem:v3+s4+$0x0], $0xffff  }
0x94: {  	[tilespmem:s0+$0x30] =	vst v2;
	s31 =	sor.u32 s7, s1  }
0x95: {  	s1 =	sadd.s32 $0x1C700, s31;
	[tilespmem:s31+$0x1C700] =	vst v4  }
0x96: {  	[tilespmem:s1+$0x10] =	vst v5  }
0x97: {  	s20 =	sadd.s32 $0x2000, s19;
	s21 =	simm.s32 $0x1C700;
	[tilespmem:s1+$0x20] =	vst v62  }
0x98: {  	s22 =	simm.s32 $0x80;
	s23 =	simm.s32 $0x1C800;
	s24 =	sadd.s32 $0x0, s20;
	[tilespmem:s1+$0x30] =	vst v63  }
.LBB2_13:
0x99: {  	[hbm4b:s24+s4] =	stream.linear.scatter [tilespmem:s21], [sflag:$0x2], $0x80, $0x38;
	[tilespmem:$0x1E700] =	vst v63  }
0x9a: {  	s0 =	smov.u32 s22;
	s21 =	smov.u32 s23;
	p0 =	sne.s32 s22, $0xF80  }
.Ltmp5:
0x9b: {  	s22 =	sadd.s32 $0x80, s22;
	(pc) =	sbr.rel @p0 .LBB2_13-.Ltmp5, $2  }
0x9c: {  	_ =	sdelay $0x2  }
0x9d: {  	s23 =	sadd.s32 $0x100, s23;
	s24 =	sadd.s32 s0, s20  }
0x9e: {  	[hbm4b:s24+s4] =	stream.linear.scatter [tilespmem:s21], [sflag:$0x2], $0x80, $0x38;
	[tilespmem:$0x1E700] =	vst v63  }
0x9f: {  	_ =	swait.ge [sflag:s13], $0x1000  }
0xa0: {  	[sflag:s13] =	ssyncset.done $0x0  }
0xa1: {  	s0 =	simm.s32 $0x1B730;
	s20 =	simm.s32 $0x0;
	[sflag:s13] =	ssyncadd.s32 $0xFFFFF000  }
0xa2: {  	s1 =	sand.u32 $0xFC0, s20;
	v0 =	vld [tilespmem:s0+$0xFFFFFFE0]  }
0xa3: {  	v2 =	vld [tilespmem:s1+$0x1B700]  }
0xa4: {  	v4 =	vld [tilespmem:s0+$0xFFFFFFF0]  }
0xa5: {  	v8 =	vld [tilespmem:s0+$0x0]  }
0xa6: {  	s29 =	simm.s32 $0x1B770  }
0xa7: {  	s21 =	simm.s32 $0x40;
	v5 =	vld [tilespmem:s29+$0xFFFFFFE0]  }
0xa8: {  	s30 =	sand.u32 $0xFC0, s21;
	v1 =	vld [tilespmem:s29+$0xFFFFFFF0]  }
0xa9: {  	v3 =	vld [tilespmem:s30+$0x1B700]  }
0xaa: {  	v0 =	vld.idx.msk [tilespmem:v0+s4+$0x0], $0xffff  }
0xab: {  	p0 =	por $0x0, $0x0;
	s7 =	simm.s32 $0x1;
	v7 =	vld.idx.msk [tilespmem:v2+s4+$0x0], $0xffff  }
0xac: {  	s7 =	simm.s32 @!p0 $0x0;
	v6 =	vld.idx.msk [tilespmem:v4+s4+$0x0], $0xffff  }
0xad: {  	s31 =	sshll.u32 s7, $0x6;
	v4 =	vld.idx.msk [tilespmem:v8+s4+$0x0], $0xffff  }
0xae: {  	s22 =	simm.s32 $0x4;
	s23 =	simm.s32 $0x1B7B0;
	s24 =	sadd.s32 $0x0, s31;
	v2 =	vld [tilespmem:s29+$0x0]  }
0xaf: {  	s28 =	sor.u32 $0x80, s24;
	s26 =	sor.u32 $0x90, s24;
	s25 =	sor.u32 $0xA0, s24  }
.LBB2_15:
0xb0: {  	v8 =	vld [tilespmem:s23+$0xFFFFFFE0];
	[tilespmem:s28+$0x1C700] =	vst v7;
	s0 =	sor.u32 $0xB0, s24  }
0xb1: {  	v9 =	vld [tilespmem:s23+$0xFFFFFFF0];
	[tilespmem:s26+$0x1C700] =	vst v0  }
0xb2: {  	s21 =	sadd.s32 $0x40, s21;
	s22 =	sadd.s32 $0x4, s22;
	v0 =	vld.idx.msk [tilespmem:v5+s4+$0x0], $0xffff;
	[tilespmem:s25+$0x1C700] =	vst v6  }
0xb3: {  	s1 =	sand.u32 $0xFC0, s21;
	p1 =	slt.u32 s22, $0xFC;
	v7 =	vld.idx.msk [tilespmem:v3+s4+$0x0], $0xffff;
	[tilespmem:s0+$0x1C700] =	vst v4  }
.Ltmp6:
0xb4: {  	p0 =	por !p0, !p0;
	s0 =	simm.s32 $0x1;
	v3 =	vld [tilespmem:s1+$0x1B700];
	(pc) =	sbr.rel @p1 .LBB2_15-.Ltmp6, $4  }
0xb5: {  	s0 =	simm.s32 @!p0 $0x0;
	v6 =	vld.idx.msk [tilespmem:v1+s4+$0x0], $0xffff;
	v5 =	vmov v8  }
0xb6: {  	s20 =	sadd.s32 $0x80, s20;
	s0 =	sshll.u32 s0, $0x6;
	v4 =	vld.idx.msk [tilespmem:v2+s4+$0x0], $0xffff;
	v1 =	vmov v9  }
0xb7: {  	s24 =	sadd.s32 s0, s20;
	v2 =	vld [tilespmem:s23+$0x0];
	s23 =	sadd.s32 $0x40, s23  }
0xb8: {  	s28 =	sor.u32 $0x80, s24;
	s26 =	sor.u32 $0x90, s24;
	s25 =	sor.u32 $0xA0, s24  }
0xb9: {  	_ =	sdelay $0x3  }
0xba: {  	v3 =	vld.idx.msk [tilespmem:v3+s4+$0x0], $0xffff;
	p0 =	por !p0, !p0;
	s0 =	simm.s32 $0x1  }
0xbb: {  	[tilespmem:s28+$0x1C700] =	vst v7;
	v5 =	vld.idx.msk [tilespmem:v5+s4+$0x0], $0xffff;
	s0 =	simm.s32 @!p0 $0x0  }
0xbc: {  	[tilespmem:s26+$0x1C700] =	vst v0;
	v62 =	vld.idx.msk [tilespmem:v1+s4+$0x0], $0xffff;
	s1 =	sadd.s32 $0x80, s20;
	s0 =	sshll.u32 s0, $0x6  }
0xbd: {  	s7 =	sor.u32 $0xB0, s24;
	[tilespmem:s25+$0x1C700] =	vst v6;
	v63 =	vld.idx.msk [tilespmem:v2+s4+$0x0], $0xffff;
	s0 =	sadd.s32 s0, s1  }
0xbe: {  	[tilespmem:s7+$0x1C700] =	vst v4;
	s1 =	sor.u32 $0x80, s0  }
0xbf: {  	s30 =	sor.u32 $0x90, s0;
	[tilespmem:s1+$0x1C700] =	vst v3  }
0xc0: {  	s31 =	sor.u32 $0xA0, s0;
	[tilespmem:s30+$0x1C700] =	vst v5  }
0xc1: {  	s19 =	sadd.s32 $0x3000, s19;
	s20 =	simm.s32 $0x1C780;
	s0 =	sor.u32 $0xB0, s0;
	[tilespmem:s31+$0x1C700] =	vst v62  }
0xc2: {  	s21 =	simm.s32 $0x80;
	s22 =	simm.s32 $0x1C880;
	s23 =	sadd.s32 $0x0, s19;
	[tilespmem:s0+$0x1C700] =	vst v63  }
.LBB2_17:
0xc3: {  	[hbm4b:s23+s4] =	stream.linear.scatter [tilespmem:s20], [sflag:$0x3], $0x80, $0x38;
	[tilespmem:$0x1E700] =	vst v63  }
0xc4: {  	s0 =	smov.u32 s21;
	s20 =	smov.u32 s22;
	p0 =	sne.s32 s21, $0xF80  }
.Ltmp7:
0xc5: {  	s21 =	sadd.s32 $0x80, s21;
	(pc) =	sbr.rel @p0 .LBB2_17-.Ltmp7, $2  }
0xc6: {  	_ =	sdelay $0x2  }
0xc7: {  	s22 =	sadd.s32 $0x100, s22;
	s23 =	sadd.s32 s0, s19  }
0xc8: {  	[hbm4b:s23+s4] =	stream.linear.scatter [tilespmem:s20], [sflag:$0x3], $0x80, $0x38;
	[tilespmem:$0x1E700] =	vst v63  }
0xc9: {  	p0 =	seq.s32 s16, $0x9  }
0xca: {  	s0 =	sadd.s32 @!p0 $0x1, s17  }
0xcb: {  	s1 =	sshrl.u32 @!p0 s0, $0x3  }
0xcc: {  	s0 =	sshll.u32 @!p0 s0, $0x7;
	s1 =	smul.u32 @!p0 $0xC3800, s1  }
0xcd: {  	s0 =	sand.u32 @!p0 $0x380, s0  }
0xce: {  	s0 =	sor.u32 @!p0 s0, s1  }
0xcf: {  	s7 =	simm.s32 @!p0 $0x400;
	s9 =	simm.s32 @!p0 $0x0;
	s0 =	sshrl.u32 @!p0 s0, $0x3  }
0xd0: {  	p1 =	sne.s32 @!p0 s18, $0xA;
	s1 =	simm.s32 @!p0 $0x80;
	s0 =	sadd.s32 @!p0 s2, s0  }
0xd1: {  	[tilespmem:s9], [sflag:$0x1] =	stream.strided.gather @!p0 [hbm4b:s0+s1], $0x18700, s7, s1, $0x38;
	[tilespmem:$0x1E700] =	vst v63  }
0xd2: {  	p0 =	por p0, !p1  }
.Ltmp8:
0xd3: {  	_ = 	snop;
	(pc) =	sbr.rel @!p0 .LBB2_2-.Ltmp8, $2  }
0xd4: {  	_ =	sdelay $0x2  }
0xd5: {  	s16 =	smov.u32 s18  }
0xd6: {  	s14 =	sadd.s32 $0x1, s14  }
0xd7: {  	_ =	swait.ge [sflag:s12], $0x1000;
	p0 =	sne.s32 s14, s8  }
.Ltmp9:
0xd8: {  	[sflag:s12] =	ssyncset.done $0x0;
	(pc) =	sbr.rel @p0 .LBB2_1-.Ltmp9, $4  }
0xd9: {  	[sflag:s12] =	ssyncadd.s32 $0xFFFFF000  }
0xda: {  	_ =	swait.ge [sflag:s13], $0x1000  }
0xdb: {  	[sflag:s13] =	ssyncset.done $0x0  }
0xdc: {  	[sflag:s13] =	ssyncadd.s32 $0xFFFFF000  }
0xdd: {  	_ =	sfence.sel $0x180000  }
0xde: {  	[bflag:$0x0] =	sbarrier.arrive $0xFFFF  }
0xdf: {  	_ =	strace $0x90000047  }
0xe0: {  	s0 =	stileid.u32;
	[bflag:$0x2] =	sbarrier.arrive $0xFFFF  }
0xe1: {  	p0 =	sne.s32 s0, $0x0;
	s0 =	rddreg [dreg:$0x2]  }
0xe2: {  	s0 =	sadd.s32 @!p0 $0x100000, s0  }
0xe3: {  	[sflag:s0] =	ssyncadd.tile.s32 @!p0 $0x1;
	_ =	shalt  }
.Lfunc_end2:
_tile_overlayer_lowered:
.L_overlay_start_2:
0xe4: {  	(tag) =	ssettag $0x2  }
0xe5: {  	s0 =	rddreg [dreg:$0x0];
	s2 =	stileid.u32  }
0xe6: {  	s1 =	rddreg [dreg:$0x1];
	p0 =	sne.s32 s2, $0x0  }
0xe7: {  	s3 =	rddreg [dreg:$0x2];
	[bflag:$0x3] =	sbarrier.arrive $0xFFFF;
	s2 =	simm.s32 @!p0 $0x1C04  }
0xe8: {  	[timem:s3], [sflag:s2] =	dma.local @!p0 [hbm:s0], s1  }
0xe9: {  	s0 =	simm.s32 @!p0 $0x4  }
0xea: {  	_ =	swait.ge @!p0 [sflag:s0], s1  }
0xeb: {  	s1 =	ssub.s32 @!p0 $0x0, s1;
	[sflag:s0] =	ssyncset.done @!p0 $0x0  }
0xec: {  	[sflag:s0] =	ssyncadd.s32 @!p0 s1  }
0xed: {  	[bflag:$0x3] =	sbarrier.arrive $0xFFFF  }
0xee: {  	_ =	shalt  }

// kernel: kernel.9.cloned.1.call-start
scs
__scs_entry_jumppad:
0x0: {  	(pc) =	sbr.rel $0x88, $3  }
0x1: {  	(tag) =	ssettag $0x0;
	lr =	simm.s32 $0x1  }
0x2: {  	[smem:$0x3F95] =	sst lr;
	_ =	strace $0xD0000000  }
0x3: {  	_ = 	snop  }
0x4: {  	_ = 	snop  }
0x5: {  	_ = 	snop  }
0x6: {  	_ = 	snop  }
0x7: {  	_ = 	snop  }
__scs_overlays_trampoline_lowered:
0x8: {  	[smem:$0x3FA4] =	sst s0  }
0x9: {  	[smem:$0x3FA5] =	sst s1  }
0xa: {  	[smem:$0x3FA6] =	sst s2  }
0xb: {  	[smem:$0x3FA7] =	sst s3  }
0xc: {  	[smem:$0x3FA8] =	sst s4  }
0xd: {  	[smem:$0x3FA9] =	sst s5  }
0xe: {  	[smem:$0x3FAA] =	sst s6  }
0xf: {  	[smem:$0x3FAB] =	sst s7  }
0x10: {  	[smem:$0x3FAC] =	sst s8  }
0x11: {  	[smem:$0x3FAD] =	sst s9;
	s0 =	simm.s32 @!p0 $0x0  }
0x12: {  	s1 =	sld [smem:$0x3F93];
	s0 =	simm.s32 @p0 $0x1  }
0x13: {  	[smem:$0x3FAE] =	sst s0;
	s0 =	simm.s32 @!p1 $0x0  }
0x14: {  	s2 =	sld [smem:$0x3F92];
	s0 =	simm.s32 @p1 $0x1  }
0x15: {  	[smem:$0x3FAF] =	sst s0;
	s0 =	simm.s32 @!p2 $0x0  }
0x16: {  	s3 =	sld [smem:$0x3FDB];
	s0 =	simm.s32 @p2 $0x1  }
0x17: {  	s4 =	simm.s32 $0x1BF5;
	[smem:$0x3FB1] =	sst s0  }
0x18: {  	s0 =	sld [smem:$0x3F94];
	_ =	swait.ge [sflag:s4], $0x0  }
0x19: {  	s7 =	sld [smem:$0x3F95]  }
0x1a: {  	s8 =	sadd.s32 $0xFFFFE003, lr  }
0x1b: {  	s9 =	sadd.s32 $0xFFFFFEF7, lr;
	s5 =	simm.s32 $0xFFFFFFFF;
	p2 =	slt.u32 s8, $0xFFFFF086  }
0x1c: {  	p1 =	slt.u32 s9, $0xF7A;
	s5 =	simm.s32 @!p2 $0x0  }
0x1d: {  	s5 =	simm.s32 @p1 $0x1;
	p0 =	seq.s32 s7, s2  }
0x1e: {  	s7 =	smul.u32 @!p0 $0xF7A, s2;
	p2 =	seq.s32 @!p0 s5, $0x0  }
0x1f: {  	s9 =	smul.u32 $0xF7A, s1;
	s8 =	simm.s32 @!p0 $0x1BF5;
	p2 =	por !p2, p0  }
0x20: {  	[sflag:s8] =	ssyncset.s32 @!p0 $0xFFFFF086;
	s6 =	sadd.s32 @!p0 s3, s7;
	s7 =	simm.s32 @!p0 $0x108  }
0x21: {  	s3 =	sadd.s32 s3, s9;
	s6 =	sadd.s32 @!p0 $0x88, s6;
	s7 =	simm.s32 @p2 $0x1082  }
0x22: {  	[simem:s7], [sflag:s8] =	dma.local @!p0 [hbm:s6], $0xF7A  }
0x23: {  	s9 =	sor.u32 $0xD0000000, s2;
	s6 =	simm.s32 $0x108;
	_ =	swait.ge @!p0 [sflag:s8], $0x0  }
0x24: {  	s3 =	sadd.s32 $0x88, s3;
	s6 =	simm.s32 @!p1 $0x1082;
	[sflag:s4] =	ssyncset.s32 $0xFFFFF086  }
0x25: {  	[simem:s6], [sflag:s4] =	dma.local [hbm:s3], $0xF7A  }
0x26: {  	[smem:$0x3F95] =	sst s1;
	(tag) =	ssettag s2;
	_ =	strace s9  }
0x27: {  	s1 =	sld [smem:$0x3FA5]  }
0x28: {  	s2 =	sld [smem:$0x3FA6]  }
0x29: {  	s4 =	sld [smem:$0x3FA8]  }
0x2a: {  	p0 =	seq.s32 s5, $0x0;
	s5 =	sld [smem:$0x3FA9]  }
0x2b: {  	s6 =	sld [smem:$0x3FAA]  }
0x2c: {  	s7 =	sld [smem:$0x3FAB]  }
0x2d: {  	s3 =	simm.s32 $0x108;
	s8 =	sld [smem:$0x3FAC]  }
0x2e: {  	s3 =	simm.s32 @!p0 $0x1082;
	s9 =	sld [smem:$0x3FAD]  }
0x2f: {  	lr =	sadd.s32 s0, s3;
	s0 =	sld [smem:$0x3FA4]  }
0x30: {  	s3 =	sld [smem:$0x3FA7]  }
0x31: {  	[smem:$0x3FB0] =	sst s10  }
0x32: {  	s10 =	sld [smem:$0x3FAE];
	_ =	sdelay $0x3  }
0x33: {  	p0 =	seq.s32 s10, $0x1;
	s10 =	sld [smem:$0x3FB0];
	_ =	sdelay $0x3  }
0x34: {  	[smem:$0x3FB0] =	sst s10  }
0x35: {  	s10 =	sld [smem:$0x3FAF];
	_ =	sdelay $0x3  }
0x36: {  	p1 =	seq.s32 s10, $0x1;
	s10 =	sld [smem:$0x3FB0];
	_ =	sdelay $0x3  }
0x37: {  	[smem:$0x3FB0] =	sst s10  }
0x38: {  	s10 =	sld [smem:$0x3FB1]  }
0x39: {  	_ = 	snop;
	(pc) =	sbr.ind lr, $3  }
0x3a: {  	_ = 	snop  }
0x3b: {  	_ = 	snop  }
0x3c: {  	p2 =	seq.s32 s10, $0x1;
	s10 =	sld [smem:$0x3FB0]  }
0x3d: {  	_ =	shalt  }
0x3e: {  	_ =	shalt  }
0x3f: {  	_ =	shalt  }
0x40: {  	_ =	shalt  }
0x41: {  	_ =	shalt  }
0x42: {  	_ =	shalt  }
0x43: {  	_ =	shalt  }
0x44: {  	_ =	shalt  }
0x45: {  	_ =	shalt  }
0x46: {  	_ =	shalt  }
0x47: {  	_ =	shalt  }
0x48: {  	_ =	shalt  }
0x49: {  	_ =	shalt  }
0x4a: {  	_ =	shalt  }
0x4b: {  	_ =	shalt  }
0x4c: {  	_ =	shalt  }
0x4d: {  	_ =	shalt  }
0x4e: {  	_ =	shalt  }
0x4f: {  	_ =	shalt  }
0x50: {  	_ =	shalt  }
0x51: {  	_ =	shalt  }
0x52: {  	_ =	shalt  }
0x53: {  	_ =	shalt  }
0x54: {  	_ =	shalt  }
0x55: {  	_ =	shalt  }
0x56: {  	_ =	shalt  }
0x57: {  	_ =	shalt  }
0x58: {  	_ =	shalt  }
0x59: {  	_ =	shalt  }
0x5a: {  	_ =	shalt  }
0x5b: {  	_ =	shalt  }
0x5c: {  	_ =	shalt  }
0x5d: {  	_ =	shalt  }
0x5e: {  	_ =	shalt  }
0x5f: {  	_ =	shalt  }
0x60: {  	_ =	shalt  }
0x61: {  	_ =	shalt  }
0x62: {  	_ =	shalt  }
0x63: {  	_ =	shalt  }
0x64: {  	_ =	shalt  }
0x65: {  	_ =	shalt  }
0x66: {  	_ =	shalt  }
0x67: {  	_ =	shalt  }
0x68: {  	_ =	shalt  }
0x69: {  	_ =	shalt  }
0x6a: {  	_ =	shalt  }
0x6b: {  	_ =	shalt  }
0x6c: {  	_ =	shalt  }
0x6d: {  	_ =	shalt  }
0x6e: {  	_ =	shalt  }
0x6f: {  	_ =	shalt  }
0x70: {  	_ =	shalt  }
0x71: {  	_ =	shalt  }
0x72: {  	_ =	shalt  }
0x73: {  	_ =	shalt  }
0x74: {  	_ =	shalt  }
0x75: {  	_ =	shalt  }
0x76: {  	_ =	shalt  }
0x77: {  	_ =	shalt  }
0x78: {  	_ =	shalt  }
0x79: {  	_ =	shalt  }
0x7a: {  	_ =	shalt  }
0x7b: {  	_ =	shalt  }
0x7c: {  	_ =	shalt  }
0x7d: {  	_ =	shalt  }
0x7e: {  	_ =	shalt  }
0x7f: {  	_ =	shalt  }
0x80: {  	_ =	shalt  }
0x81: {  	_ =	shalt  }
0x82: {  	_ =	shalt  }
0x83: {  	_ =	shalt  }
0x84: {  	_ =	shalt  }
0x85: {  	_ =	shalt  }
0x86: {  	_ =	shalt  }
0x87: {  	_ =	shalt  }
.Lfunc_end0:
.L_simem_size_0:
called_computation.1_lowered:
.L_overlay_start_0:
0x88: {  	s2 =	sld [smem:$0x3FD9]  }
0x89: {  	s3 =	sld [smem:$0x3FFE];
	_ =	sdelay $0x1  }
0x8a: {  	s1 =	srdreg.scid  }
0x8b: {  	s0 =	sand.u32 $0x1, s1  }
0x8c: {  	s17 =	sshll.u32 s0, $0xA;
	s2 =	sadd.s32 s3, s2  }
0x8d: {  	s2 =	sadd.s32 s2, s17  }
0x8e: {  	[smem:$0x3FBC] =	sst s2  }
0x8f: {  	_ = 	snop  }
0x90: {  	s18 =	sld [smem:$0x3FC6];
	(tm) =	ssettm $0x1  }
0x91: {  	s19 =	sld [smem:$0x3FFB];
	_ =	sdelay $0x3  }
0x92: {  	_ =	strace s19  }
0x93: {  	s2 =	sld [smem:$0x3FFC];
	_ =	sdelay $0x3  }
0x94: {  	_ =	strace s2  }
0x95: {  	s2 =	sld [smem:$0x3FFD];
	_ =	sdelay $0x3  }
0x96: {  	_ =	strace s2  }
0x97: {  	_ =	strace $0x8FFFFFFF  }
0x98: {  	s20 =	sld [smem:$0x3FDB];
	_ =	sdelay $0x1  }
0x99: {  	s4 =	simm.s32 $_scs_section_size  }
0x9a: {  	s5 =	simm.s32 $_size__tile_overlayer_lowered;
	s6 =	simm.s32 $_tile_overlayer_lowered  }
0x9b: {  	s7 =	simm.s32 $0x1BFF;
	s21 =	sshll.u32 s6, $0x1;
	s4 =	sadd.s32 s4, s20  }
0x9c: {  	s22 =	simm.s32 $0x0;
	s5 =	sshll.u32 s5, $0x1;
	s6 =	sadd.s32 s21, s4  }
0x9d: {  	[timem:s22], [sflag:s7] =	dma.local [hbm:s6], s5  }
0x9e: {  	_ =	swait.ge [sflag:s7], s5  }
0x9f: {  	s5 =	ssub.s32 $0x0, s5;
	[sflag:s7] =	ssyncset.done $0x0  }
0xa0: {  	[sflag:s7] =	ssyncadd.s32 s5;
	_ =	sdelay $0x1  }
0xa1: {  	s23 =	simm.s32 $0x1B8B  }
0xa2: {  	_ =	swait.ge [sflag:s23], $0x1  }
0xa3: {  	[sflag:s23] =	ssyncset.done $0x0  }
0xa4: {  	[sflag:s23] =	ssyncadd.s32 $0xFFFFFFFF  }
0xa5: {  	s5 =	sld [smem:$0x0]  }
0xa6: {  	s6 =	sand.u32 $0xFFFFFFFE, s1  }
0xa7: {  	p0 =	sne.s32 s1, s6  }
0xa8: {  	s6 =	sshll.u32 @p0 s6, $0xE  }
0xa9: {  	s6 =	sadd.s32 @p0 $0x11B8D, s6;
	s7 =	sshll.u32 @p0 s5, $0x11  }
0xaa: {  	s6 =	sor.u32 @p0 s7, s6  }
0xab: {  	[sflag:s6] =	ssyncadd.remote.s32 @p0 $0x1;
	_ =	sdelay $0x1  }
0xac: {  	s6 =	simm.s32 @p0 $0x1B8D  }
0xad: {  	_ =	swait.eq @p0 [sflag:s6], $0x1  }
0xae: {  	[sflag:s6] =	ssyncadd.s32 @p0 $0xFFFFFFFF  }
0xaf: {  	s7 =	sshll.u32 @!p0 s1, $0xE  }
0xb0: {  	s7 =	sor.u32 @!p0 $0x4000, s7;
	s6 =	simm.s32 @!p0 $0x1B8D  }
0xb1: {  	s5 =	sshll.u32 @!p0 s5, $0x11;
	s7 =	sadd.s32 @!p0 $0x11B8D, s7;
	_ =	swait.eq @!p0 [sflag:s6], $0x1  }
0xb2: {  	s5 =	sor.u32 @!p0 s5, s7;
	[sflag:s6] =	ssyncadd.s32 @!p0 $0xFFFFFFFF  }
0xb3: {  	s25 =	simm.s32 $0x1B8E;
	s24 =	sld [smem:$0x3FFE];
	[sflag:s5] =	ssyncadd.remote.s32 @!p0 $0x1  }
0xb4: {  	s26 =	simm.s32 $execute0_lowered;
	[smem:$0x3FD2] =	sst s25  }
0xb5: {  	s6 =	sshll.u32 s26, $0x1;
	_ =	strace $0x80000049;
	[dreg:$0x1] =	wrdreg $0xFFFFFFFF  }
0xb6: {  	s28 =	simm.s32 $_size_execute0_lowered;
	s4 =	sadd.s32 s4, s6;
	[dreg:$0x0] =	wrdreg $0x0  }
0xb7: {  	s6 =	sshll.u32 s28, $0x1;
	[dreg:$0x2] =	wrdreg s4  }
0xb8: {  	[dreg:$0x3] =	wrdreg s6  }
0xb9: {  	[dreg:$0x4] =	wrdreg $0xC0  }
0xba: {  	_ =	task [dreg:s22], $0x5FFFF  }
0xbb: {  	[dreg:$0x1] =	wrdreg $0xFFFFFFFF  }
0xbc: {  	[dreg:$0x0] =	wrdreg $0x60  }
0xbd: {  	[dreg:$0x2] =	wrdreg s18  }
0xbe: {  	[dreg:$0x3] =	wrdreg s24  }
0xbf: {  	[dreg:$0x4] =	wrdreg $0xA  }
0xc0: {  	_ =	task.clear_ibuf [dreg:s22], $0x5FFFF;
	_ =	strace $0x90000049  }
0xc1: {  	s29 =	simm.s32 $0xA;
	_ =	strace $0x8000004B  }
0xc2: {  	_ =	swait.ge [sflag:s29], $0x1  }
0xc3: {  	[sflag:s29] =	ssyncadd.s32 $0xFFFFFFFF  }
0xc4: {  	_ =	strace $0x9000004B  }
0xc5: {  	_ =	sfence  }
0xc6: {  	s30 =	sld [smem:$0x0];
	_ =	sdelay $0x2  }
0xc7: {  	s31 =	sshll.u32 s1, $0xD;
	s1 =	sshrl.u32 s1, $0x2  }
0xc8: {  	s4 =	sand.u32 $0x4000, s31;
	s1 =	sadd.s32 s1, s30  }
0xc9: {  	s0 =	sor.u32 s4, s0;
	s1 =	sshll.u32 s1, $0x11  }
0xca: {  	s0 =	sor.u32 s1, s0  }
0xcb: {  	s0 =	sadd.s32 $0x8F2B, s0  }
0xcc: {  	[sflag:s0] =	ssyncadd.remote.s32 $0x1  }
0xcd: {  	_ =	sfence.sel $0xFFFF  }
0xce: {  	[dreg:$0x0] =	wrdreg $0xFFFFFFFF;
	(pc) =	sbr.abs _section_cstart, $3  }
0xcf: {  	[dreg:$0x1] =	wrdreg $0xFFFFFFFF  }
0xd0: {  	_ =	task.clear_ibuf [dreg:s22], $0x2FFFF;
	_ =	strace $0x9FFFFFFF  }
0xd1: {  	(tm) =	ssettm $0x7FFFFFFF  }
tec
execute0_lowered:
.L_overlay_start_1:
0x0: {  	(tag) =	ssettag $0x1  }
0x1: {  	s0 =	srdreg.scid  }
0x2: {  	s2 =	stileid.u32;
	s13 =	rddreg [dreg:$0x0]  }
0x3: {  	s8 =	rddreg [dreg:$0x1];
	s0 =	sand.u32 $0x1, s0;
	s1 =	sshll.u32 s2, $0x1  }
0x4: {  	s15 =	simm.s32 $0x1;
	s16 =	simm.s32 $0x2;
	s1 =	sor.u32 s0, s1  }
0x5: {  	s17 =	simm.s32 $0x3;
	s0 =	ssub.s32 $0x2, s0;
	s7 =	sadd.s32 $0xFFFFFFFA, s1  }
0x6: {  	p0 =	slt.u32 s2, $0x3;
	s28 =	sshrl.u32 s0, $0x1;
	s3 =	sshrl.u32 s7, $0x3  }
0x7: {  	s4 =	sshll.u32 s7, $0x7;
	s12 =	sshll.u32 s7, $0xE;
	s5 =	smul.u32 $0xC3800, s3  }
0x8: {  	s7 =	sadd.s32 $0x114000, s8;
	s9 =	sand.u32 $0x380, s4;
	s4 =	smul.u32 $0x3, s1  }
0x9: {  	s0 =	ssub.s32 s0, s28;
	s3 =	simm.s32 $0x0;
	s1 =	smul.u32 $0x180, s1  }
0xa: {  	s12 =	sand.u32 $0xFFFE0000, s12;
	s0 =	smax.u32 s0, $0x1;
	s5 =	sor.u32 s9, s5  }
0xb: {  	[smem:$0x7FF] =	sst s3;
	s6 =	sshrl.u32 s5, $0x3;
	s5 =	sadd.s32 $0x140, s4  }
0xc: {  	_ =	strace $0x8000004A;
	s1 =	sand.u32 $0x380, s1;
	s11 =	sshrl.u32 s5, $0x3  }
0xd: {  	s9 =	sor.u32 s9, s12;
	[dreg:$0x6] =	wrdreg s0;
	s11 =	smul.u32 $0xC3800, s11  }
.Ltmp0:
0xe: {  	s9 =	sshrl.u32 s9, $0x3;
	s10 =	sadd.s32 s6, s8;
	(pc) =	sbr.rel .LBB2_1-.Ltmp0, $4  }
0xf: {  	s6 =	sadd.s32 $0x64000, s8;
	s30 =	sadd.s32 $0x2400, s10;
	s1 =	sor.u32 s1, s11  }
0x10: {  	s31 =	sadd.s32 s6, s9;
	[dreg:$0x4] =	wrdreg s30;
	s1 =	sshrl.u32 s1, $0x3  }
0x11: {  	s29 =	sadd.s32 s9, s8;
	[dreg:$0x5] =	wrdreg s31;
	s1 =	sadd.s32 s13, s1  }
0x12: {  	s11 =	sadd.s32 $0x144000, s29;
	[dreg:$0x3] =	wrdreg s1;
	s1 =	simm.s32 $0x0  }
.LBB2_40:
0x13: {  	_ =	swait.ge [sflag:s16], $0x1000  }
0x14: {  	[sflag:s16] =	ssyncset.done $0x0  }
0x15: {  	[sflag:s16] =	ssyncadd.s32 $0xFFFFF000  }
0x16: {  	_ =	swait.ge [sflag:s17], $0x1000  }
0x17: {  	s1 =	sadd.s32 $0x1, s1;
	s0 =	rddreg [dreg:$0x6]  }
0x18: {  	p1 =	sne.s32 s1, s0  }
.Ltmp1:
0x19: {  	_ = 	snop;
	(pc) =	sbr.rel @!p1 .LBB2_41-.Ltmp1, $3  }
0x1a: {  	_ =	sdelay $0x1  }
0x1b: {  	[sflag:s17] =	ssyncset.done $0x0  }
0x1c: {  	[sflag:s17] =	ssyncadd.s32 $0xFFFFF000  }
.LBB2_1:
0x1d: {  	[dreg:$0x7] =	wrdreg s1  }
0x1e: {  	s0 =	rddreg [dreg:$0x3];
	s31 =	simm.s32 $0x80  }
0x1f: {  	s2 =	simm.s32 $0x400;
	s20 =	simm.s32 $0xFFFFFFFF;
	s21 =	simm.s32 $0x0  }
0x20: {  	[tilespmem:s3], [sflag:$0x1] =	stream.strided.gather [hbm4b:s0+s31], $0x18700, s2, s31, $0x38;
	[tilespmem:$0x1E700] =	vst v63  }
.LBB2_2:
0x21: {  	s22 =	sadd.s32 s5, s21  }
0x22: {  	s0 =	smov.u32 s20;
	s20 =	sshrl.u32 s22, $0x4  }
0x23: {  	p1 =	seq.s32 s20, s0  }
0x24: {  	s0 =	sshll.u32 @!p1 s20, $0xE;
	s1 =	sshll.u32 @!p1 s20, $0x7  }
0x25: {  	s0 =	sand.u32 @!p1 $0x7FFE0000, s0;
	s1 =	sand.u32 @!p1 $0x380, s1  }
0x26: {  	s0 =	sor.u32 @!p1 s1, s0  }
0x27: {  	s9 =	simm.s32 @!p1 $0x400;
	s0 =	sshrl.u32 @!p1 s0, $0x3  }
0x28: {  	s10 =	simm.s32 @!p1 $0x18700;
	s1 =	simm.s32 @!p1 $0x80;
	s0 =	sadd.s32 @!p1 s6, s0  }
0x29: {  	[tilespmem:s10], [sflag:$0x4] =	stream.strided.gather @!p1 [hbm4b:s0+s1], $0x4000, s9, s1, $0x38;
	[tilespmem:$0x1E700] =	vst v63  }
0x2a: {  	s0 =	simm.s32 @!p1 $0x4  }
0x2b: {  	_ =	swait.ge @!p1 [sflag:s0], $0x4000  }
0x2c: {  	[sflag:s0] =	ssyncset.done @!p1 $0x0  }
0x2d: {  	[sflag:s0] =	ssyncadd.s32 @!p1 $0xFFFFC000  }
0x2e: {  	_ =	swait.ge [sflag:s15], $0x18700  }
0x2f: {  	p1 =	seq.s32 s21, $0x0;
	[sflag:s15] =	ssyncset.done $0x0  }
0x30: {  	s0 =	simm.s32 @!p1 $0x2;
	[sflag:s15] =	ssyncadd.s32 $0xFFFE7900  }
0x31: {  	_ =	swait.ge @!p1 [sflag:s0], $0x1000  }
0x32: {  	s24 =	simm.s32 $0x0;
	[sflag:s0] =	ssyncset.done @!p1 $0x0  }
0x33: {  	s23 =	sand.u32 $0xF80, s24;
	[sflag:s0] =	ssyncadd.s32 @!p1 $0xFFFFF000;
	s0 =	sand.u32 $0x40, s24  }
0x34: {  	s1 =	sadd.s32 $0x18700, s23;
	s10 =	sor.u32 $0x30, s0  }
0x35: {  	s26 =	sor.u32 s10, s1  }
0x36: {  	v1 =	vld [tilespmem:s26+$0x0]  }
0x37: {  	s25 =	simm.s32 $0x18700;
	s2 =	sor.u32 $0x10, s0  }
0x38: {  	v0 =	vld [tilespmem:s25+$0x0];
	s8 =	sor.u32 $0x20, s0;
	s18 =	sor.u32 s2, s1  }
0x39: {  	s12 =	simm.s32 $0x40;
	s1 =	sor.u32 s8, s1;
	v3 =	vld [tilespmem:s18+$0x0]  }
0x3a: {  	s25 =	sand.u32 $0x40, s12;
	v5 =	vld [tilespmem:s1+$0x0];
	s1 =	sand.u32 $0xF80, s12  }
0x3b: {  	s13 =	simm.s32 $0x18740;
	s29 =	sor.u32 $0x10, s25;
	s1 =	sadd.s32 $0x18700, s1  }
0x3c: {  	v2 =	vld [tilespmem:s13+$0x0];
	s30 =	sor.u32 s29, s1  }
0x3d: {  	s28 =	sor.u32 $0x30, s25;
	v6 =	vld [tilespmem:s30+$0x0]  }
0x3e: {  	s14 =	sor.u32 s28, s1;
	v7 =	vld.idx.msk [tilespmem:v1+s3+$0x0], $0xffff  }
0x3f: {  	s19 =	sand.u32 $0x1F00, s24;
	s26 =	sor.u32 $0x20, s25;
	v1 =	vld [tilespmem:s14+$0x0]  }
0x40: {  	s12 =	sadd.s32 $0x1C700, s19;
	s1 =	sor.u32 s26, s1;
	v0 =	vld.idx.msk [tilespmem:v0+s3+$0x0], $0xffff  }
0x41: {  	s31 =	simm.s32 $0x4;
	s23 =	sadd.s32 $0x1, s21;
	s18 =	sor.u32 s0, s12;
	v4 =	vld [tilespmem:s1+$0x0]  }
0x42: {  	s9 =	sor.u32 s2, s12;
	s19 =	sor.u32 s10, s12;
	s0 =	simm.s32 $0x18780;
	v3 =	vld.idx.msk [tilespmem:v3+s3+$0x0], $0xffff  }
0x43: {  	s10 =	sor.u32 s8, s12;
	s30 =	sadd.s32 s4, s21;
	s1 =	simm.s32 $0x80;
	v5 =	vld.idx.msk [tilespmem:v5+s3+$0x0], $0xffff;
	[tilespmem:s19+$0x0] =	vst v7  }
.LBB2_3:
0x44: {  	s8 =	sand.u32 $0xF80, s1;
	s31 =	sadd.s32 $0x4, s31;
	s12 =	smov.u32 s25  }
0x45: {  	v7 =	vld [tilespmem:s0+$0x0];
	[tilespmem:s18+$0x0] =	vst v0;
	v8 =	vmov v6;
	s25 =	sand.u32 $0x40, s1;
	s19 =	smov.u32 s28;
	s2 =	smov.u32 s29  }
0x46: {  	s8 =	sadd.s32 $0x18700, s8;
	s28 =	sor.u32 $0x30, s25;
	p2 =	slt.u32 s31, $0xFC;
	v0 =	vld.idx.msk [tilespmem:v2+s3+$0x0], $0xffff;
	v9 =	vmov v4  }
0x47: {  	s29 =	sor.u32 $0x10, s25;
	s18 =	sor.u32 $0x20, s25;
	s13 =	sor.u32 s28, s8;
	v10 =	vld.idx.msk [tilespmem:v1+s3+$0x0], $0xffff  }
0x48: {  	s14 =	sor.u32 s29, s8;
	s8 =	sor.u32 s18, s8;
	v1 =	vld [tilespmem:s13+$0x0];
	[tilespmem:s9+$0x0] =	vst v3;
	s13 =	smov.u32 s26  }
.Ltmp2:
0x49: {  	s24 =	sadd.s32 $0x80, s24;
	s26 =	smov.u32 s18;
	v6 =	vld [tilespmem:s14+$0x0];
	[tilespmem:s10+$0x0] =	vst v5;
	(pc) =	sbr.rel @p2 .LBB2_3-.Ltmp2, $4  }
0x4a: {  	v4 =	vld [tilespmem:s8+$0x0];
	s8 =	sand.u32 $0x1F00, s24;
	v2 =	vmov v7  }
0x4b: {  	s8 =	sadd.s32 $0x1C700, s8;
	v3 =	vld.idx.msk [tilespmem:v8+s3+$0x0], $0xffff  }
0x4c: {  	s18 =	sor.u32 s12, s8;
	s9 =	sor.u32 s2, s8;
	v5 =	vld.idx.msk [tilespmem:v9+s3+$0x0], $0xffff;
	s2 =	sor.u32 s19, s8  }
0x4d: {  	s1 =	sadd.s32 $0x40, s1;
	s0 =	sadd.s32 $0x40, s0;
	s10 =	sor.u32 s13, s8;
	[tilespmem:s2+$0x0] =	vst v10  }
0x4e: {  	_ =	sdelay $0x3  }
0x4f: {  	v1 =	vld.idx.msk [tilespmem:v1+s3+$0x0], $0xffff  }
0x50: {  	v2 =	vld.idx.msk [tilespmem:v2+s3+$0x0], $0xffff;
	s0 =	sadd.s32 $0x80, s24  }
0x51: {  	[tilespmem:s18+$0x0] =	vst v0;
	v62 =	vld.idx.msk [tilespmem:v6+s3+$0x0], $0xffff;
	s0 =	sand.u32 $0x1F00, s0  }
0x52: {  	v63 =	vld.idx.msk [tilespmem:v4+s3+$0x0], $0xffff;
	[tilespmem:s9+$0x0] =	vst v3;
	s0 =	sadd.s32 $0x1C700, s0  }
0x53: {  	s2 =	sshll.u32 s30, $0x4;
	[tilespmem:s10+$0x0] =	vst v5;
	s1 =	sor.u32 s28, s0  }
0x54: {  	s2 =	sand.u32 $0x70, s2;
	s8 =	sor.u32 s25, s0;
	s28 =	sshll.u32 s30, $0xB;
	[tilespmem:s1+$0x0] =	vst v1  }
0x55: {  	s2 =	sadd.s32 s7, s2;
	s30 =	sor.u32 s29, s0;
	[tilespmem:s8+$0x0] =	vst v2;
	s1 =	sand.u32 $0xFFFC000, s28  }
0x56: {  	s9 =	simm.s32 $0x1C800;
	s31 =	sor.u32 s26, s0;
	[tilespmem:s30+$0x0] =	vst v62;
	s24 =	sadd.s32 s1, s2  }
0x57: {  	s0 =	simm.s32 $0x1C700;
	[tilespmem:s31+$0x0] =	vst v63;
	s1 =	simm.s32 $0x80;
	s10 =	sadd.s32 $0x0, s24  }
.LBB2_5:
0x58: {  	[hbm4b:s10+s3] =	stream.linear.scatter [tilespmem:s0], [sflag:$0x2], $0x80, $0x38;
	[tilespmem:$0x1E700] =	vst v63  }
0x59: {  	s2 =	smov.u32 s1;
	s0 =	smov.u32 s9;
	p2 =	sne.s32 s1, $0xF80  }
.Ltmp3:
0x5a: {  	s1 =	sadd.s32 $0x80, s1;
	(pc) =	sbr.rel @p2 .LBB2_5-.Ltmp3, $2  }
0x5b: {  	_ =	sdelay $0x2  }
0x5c: {  	s9 =	sadd.s32 $0x100, s9;
	s10 =	sadd.s32 s2, s24  }
0x5d: {  	[hbm4b:s10+s3] =	stream.linear.scatter [tilespmem:s0], [sflag:$0x2], $0x80, $0x38;
	[tilespmem:$0x1E700] =	vst v63  }
0x5e: {  	s0 =	simm.s32 @!p1 $0x3  }
0x5f: {  	_ =	swait.ge @!p1 [sflag:s0], $0x1000  }
0x60: {  	[sflag:s0] =	ssyncset.done @!p1 $0x0  }
0x61: {  	s30 =	simm.s32 $0x19730;
	s25 =	simm.s32 $0x0;
	[sflag:s0] =	ssyncadd.s32 @!p1 $0xFFFFF000  }
0x62: {  	s1 =	sand.u32 $0xFC0, s25;
	v0 =	vld [tilespmem:s30+$0xFFFFFFE0]  }
0x63: {  	v2 =	vld [tilespmem:s1+$0x19700]  }
0x64: {  	v4 =	vld [tilespmem:s30+$0xFFFFFFF0]  }
0x65: {  	v8 =	vld [tilespmem:s30+$0x0]  }
0x66: {  	s2 =	simm.s32 $0x19770  }
0x67: {  	s26 =	simm.s32 $0x40;
	v5 =	vld [tilespmem:s2+$0xFFFFFFE0]  }
0x68: {  	s31 =	sand.u32 $0xFC0, s26;
	v1 =	vld [tilespmem:s2+$0xFFFFFFF0]  }
0x69: {  	v3 =	vld [tilespmem:s31+$0x19700]  }
0x6a: {  	v0 =	vld.idx.msk [tilespmem:v0+s3+$0x0], $0xffff  }
0x6b: {  	p1 =	por $0x0, $0x0;
	s1 =	simm.s32 $0x1;
	v7 =	vld.idx.msk [tilespmem:v2+s3+$0x0], $0xffff  }
0x6c: {  	s1 =	simm.s32 @!p1 $0x0;
	v6 =	vld.idx.msk [tilespmem:v4+s3+$0x0], $0xffff  }
0x6d: {  	s8 =	sshll.u32 s1, $0x6;
	v4 =	vld.idx.msk [tilespmem:v8+s3+$0x0], $0xffff  }
0x6e: {  	s0 =	simm.s32 $0x4;
	s1 =	simm.s32 $0x197B0;
	s9 =	sadd.s32 $0x0, s8;
	v2 =	vld [tilespmem:s2+$0x0]  }
0x6f: {  	s28 =	sor.u32 $0x80, s9;
	s18 =	sor.u32 $0x90, s9;
	s10 =	sor.u32 $0xA0, s9  }
.LBB2_7:
0x70: {  	v8 =	vld [tilespmem:s1+$0xFFFFFFE0];
	[tilespmem:s28+$0x1C700] =	vst v7;
	s2 =	sor.u32 $0xB0, s9  }
0x71: {  	v9 =	vld [tilespmem:s1+$0xFFFFFFF0];
	[tilespmem:s18+$0x1C700] =	vst v0  }
0x72: {  	s26 =	sadd.s32 $0x40, s26;
	s0 =	sadd.s32 $0x4, s0;
	v0 =	vld.idx.msk [tilespmem:v5+s3+$0x0], $0xffff;
	[tilespmem:s10+$0x1C700] =	vst v6  }
0x73: {  	s8 =	sand.u32 $0xFC0, s26;
	p2 =	slt.u32 s0, $0xFC;
	v7 =	vld.idx.msk [tilespmem:v3+s3+$0x0], $0xffff;
	[tilespmem:s2+$0x1C700] =	vst v4  }
.Ltmp4:
0x74: {  	p1 =	por !p1, !p1;
	s2 =	simm.s32 $0x1;
	v3 =	vld [tilespmem:s8+$0x19700];
	(pc) =	sbr.rel @p2 .LBB2_7-.Ltmp4, $4  }
0x75: {  	s2 =	simm.s32 @!p1 $0x0;
	v6 =	vld.idx.msk [tilespmem:v1+s3+$0x0], $0xffff;
	v5 =	vmov v8  }
0x76: {  	s25 =	sadd.s32 $0x80, s25;
	s2 =	sshll.u32 s2, $0x6;
	v4 =	vld.idx.msk [tilespmem:v2+s3+$0x0], $0xffff;
	v1 =	vmov v9  }
0x77: {  	s9 =	sadd.s32 s2, s25;
	v2 =	vld [tilespmem:s1+$0x0];
	s1 =	sadd.s32 $0x40, s1  }
0x78: {  	s28 =	sor.u32 $0x80, s9;
	s18 =	sor.u32 $0x90, s9;
	s10 =	sor.u32 $0xA0, s9  }
0x79: {  	_ =	sdelay $0x3  }
0x7a: {  	v3 =	vld.idx.msk [tilespmem:v3+s3+$0x0], $0xffff;
	p1 =	por !p1, !p1;
	s0 =	simm.s32 $0x1  }
0x7b: {  	[tilespmem:s28+$0x1C700] =	vst v7;
	v5 =	vld.idx.msk [tilespmem:v5+s3+$0x0], $0xffff;
	s0 =	simm.s32 @!p1 $0x0  }
0x7c: {  	[tilespmem:s18+$0x1C700] =	vst v0;
	v62 =	vld.idx.msk [tilespmem:v1+s3+$0x0], $0xffff;
	s1 =	sadd.s32 $0x80, s25;
	s0 =	sshll.u32 s0, $0x6  }
0x7d: {  	s2 =	sor.u32 $0xB0, s9;
	[tilespmem:s10+$0x1C700] =	vst v6;
	v63 =	vld.idx.msk [tilespmem:v2+s3+$0x0], $0xffff;
	s0 =	sadd.s32 s0, s1  }
0x7e: {  	[tilespmem:s2+$0x1C700] =	vst v4;
	s1 =	sor.u32 $0x80, s0  }
0x7f: {  	s29 =	sor.u32 $0x90, s0;
	[tilespmem:s1+$0x1C700] =	vst v3  }
0x80: {  	s30 =	sor.u32 $0xA0, s0;
	[tilespmem:s29+$0x1C700] =	vst v5  }
0x81: {  	s9 =	simm.s32 $0x80;
	s31 =	sor.u32 $0xB0, s0;
	s0 =	sadd.s32 $0x1000, s24;
	[tilespmem:s30+$0x1C700] =	vst v62  }
0x82: {  	s10 =	simm.s32 $0x1C880;
	s1 =	simm.s32 $0x1C780;
	s18 =	sadd.s32 $0x0, s0;
	[tilespmem:s31+$0x1C700] =	vst v63  }
.LBB2_9:
0x83: {  	[hbm4b:s18+s3] =	stream.linear.scatter [tilespmem:s1], [sflag:$0x3], $0x80, $0x38;
	[tilespmem:$0x1E700] =	vst v63  }
0x84: {  	s2 =	smov.u32 s9;
	s1 =	smov.u32 s10;
	p1 =	sne.s32 s9, $0xF80  }
.Ltmp5:
0x85: {  	s9 =	sadd.s32 $0x80, s9;
	(pc) =	sbr.rel @p1 .LBB2_9-.Ltmp5, $2  }
0x86: {  	_ =	sdelay $0x2  }
0x87: {  	s10 =	sadd.s32 $0x100, s10;
	s18 =	sadd.s32 s2, s0  }
0x88: {  	[hbm4b:s18+s3] =	stream.linear.scatter [tilespmem:s1], [sflag:$0x3], $0x80, $0x38;
	[tilespmem:$0x1E700] =	vst v63  }
0x89: {  	_ =	swait.ge [sflag:s16], $0x1000  }
0x8a: {  	[sflag:s16] =	ssyncset.done $0x0  }
0x8b: {  	s0 =	simm.s32 $0x1A730;
	s25 =	simm.s32 $0x0;
	[sflag:s16] =	ssyncadd.s32 $0xFFFFF000  }
0x8c: {  	s29 =	sand.u32 $0xFC0, s25;
	v0 =	vld [tilespmem:s0+$0xFFFFFFE0]  }
0x8d: {  	v2 =	vld [tilespmem:s29+$0x1A700]  }
0x8e: {  	v3 =	vld [tilespmem:s0+$0xFFFFFFF0]  }
0x8f: {  	v8 =	vld [tilespmem:s0+$0x0]  }
0x90: {  	s30 =	simm.s32 $0x1A770  }
0x91: {  	v5 =	vld [tilespmem:s30+$0xFFFFFFE0];
	s0 =	simm.s32 $0x40  }
0x92: {  	v1 =	vld [tilespmem:s30+$0xFFFFFFF0];
	s2 =	sand.u32 $0xFC0, s0  }
0x93: {  	v4 =	vld [tilespmem:s2+$0x1A700]  }
0x94: {  	v0 =	vld.idx.msk [tilespmem:v0+s3+$0x0], $0xffff  }
0x95: {  	v7 =	vld.idx.msk [tilespmem:v2+s3+$0x0], $0xffff  }
0x96: {  	v6 =	vld.idx.msk [tilespmem:v3+s3+$0x0], $0xffff  }
0x97: {  	v2 =	vld.idx.msk [tilespmem:v8+s3+$0x0], $0xffff  }
0x98: {  	s9 =	simm.s32 $0x4;
	s31 =	sand.u32 $0x40, s25;
	s8 =	sand.u32 $0x1F00, s25;
	v3 =	vld [tilespmem:s30+$0x0]  }
0x99: {  	s10 =	simm.s32 $0x1A7B0;
	s1 =	simm.s32 $0x40;
	s18 =	sor.u32 s31, s8  }
.LBB2_11:
0x9a: {  	v8 =	vld [tilespmem:s10+$0xFFFFFFE0];
	s2 =	sadd.s32 $0x1C700, s18;
	[tilespmem:s18+$0x1C700] =	vst v7  }
0x9b: {  	v9 =	vld [tilespmem:s10+$0xFFFFFFF0];
	[tilespmem:s2+$0x10] =	vst v0  }
0x9c: {  	s0 =	sadd.s32 $0x40, s0;
	s9 =	sadd.s32 $0x4, s9;
	v0 =	vld.idx.msk [tilespmem:v5+s3+$0x0], $0xffff;
	[tilespmem:s2+$0x20] =	vst v6  }
0x9d: {  	s8 =	sand.u32 $0xFC0, s0;
	p1 =	slt.u32 s9, $0xFC;
	v7 =	vld.idx.msk [tilespmem:v4+s3+$0x0], $0xffff;
	[tilespmem:s2+$0x30] =	vst v2  }
.Ltmp6:
0x9e: {  	v4 =	vld [tilespmem:s8+$0x1A700];
	(pc) =	sbr.rel @p1 .LBB2_11-.Ltmp6, $4  }
0x9f: {  	v6 =	vld.idx.msk [tilespmem:v1+s3+$0x0], $0xffff;
	v5 =	vmov v8  }
0xa0: {  	s25 =	sadd.s32 $0x80, s25;
	v2 =	vld.idx.msk [tilespmem:v3+s3+$0x0], $0xffff;
	v1 =	vmov v9  }
0xa1: {  	s2 =	sand.u32 $0x40, s1;
	s1 =	smov.u32 s0;
	s8 =	sand.u32 $0x1F00, s25;
	v3 =	vld [tilespmem:s10+$0x0]  }
0xa2: {  	s18 =	sor.u32 s2, s8;
	s10 =	sadd.s32 $0x40, s10  }
0xa3: {  	_ =	sdelay $0x3  }
0xa4: {  	v4 =	vld.idx.msk [tilespmem:v4+s3+$0x0], $0xffff  }
0xa5: {  	s0 =	sadd.s32 $0x1C700, s18;
	[tilespmem:s18+$0x1C700] =	vst v7;
	v5 =	vld.idx.msk [tilespmem:v5+s3+$0x0], $0xffff  }
0xa6: {  	v62 =	vld.idx.msk [tilespmem:v1+s3+$0x0], $0xffff;
	s2 =	sadd.s32 $0x80, s25;
	[tilespmem:s0+$0x10] =	vst v0  }
0xa7: {  	s1 =	sand.u32 $0x40, s1;
	[tilespmem:s0+$0x20] =	vst v6;
	s2 =	sand.u32 $0x1F00, s2;
	v63 =	vld.idx.msk [tilespmem:v3+s3+$0x0], $0xffff  }
0xa8: {  	[tilespmem:s0+$0x30] =	vst v2;
	s31 =	sor.u32 s1, s2  }
0xa9: {  	s2 =	sadd.s32 $0x1C700, s31;
	[tilespmem:s31+$0x1C700] =	vst v4  }
0xaa: {  	[tilespmem:s2+$0x10] =	vst v5  }
0xab: {  	s9 =	simm.s32 $0x80;
	s0 =	sadd.s32 $0x2000, s24;
	[tilespmem:s2+$0x20] =	vst v62  }
0xac: {  	s10 =	simm.s32 $0x1C800;
	s1 =	simm.s32 $0x1C700;
	s18 =	sadd.s32 $0x0, s0;
	[tilespmem:s2+$0x30] =	vst v63  }
.LBB2_13:
0xad: {  	[hbm4b:s18+s3] =	stream.linear.scatter [tilespmem:s1], [sflag:$0x2], $0x80, $0x38;
	[tilespmem:$0x1E700] =	vst v63  }
0xae: {  	s2 =	smov.u32 s9;
	s1 =	smov.u32 s10;
	p1 =	sne.s32 s9, $0xF80  }
.Ltmp7:
0xaf: {  	s9 =	sadd.s32 $0x80, s9;
	(pc) =	sbr.rel @p1 .LBB2_13-.Ltmp7, $2  }
0xb0: {  	_ =	sdelay $0x2  }
0xb1: {  	s10 =	sadd.s32 $0x100, s10;
	s18 =	sadd.s32 s2, s0  }
0xb2: {  	[hbm4b:s18+s3] =	stream.linear.scatter [tilespmem:s1], [sflag:$0x2], $0x80, $0x38;
	[tilespmem:$0x1E700] =	vst v63  }
0xb3: {  	_ =	swait.ge [sflag:s17], $0x1000  }
0xb4: {  	[sflag:s17] =	ssyncset.done $0x0  }
0xb5: {  	s0 =	simm.s32 $0x1B730;
	s25 =	simm.s32 $0x0;
	[sflag:s17] =	ssyncadd.s32 $0xFFFFF000  }
0xb6: {  	s30 =	sand.u32 $0xFC0, s25;
	v0 =	vld [tilespmem:s0+$0xFFFFFFE0]  }
0xb7: {  	v2 =	vld [tilespmem:s30+$0x1B700]  }
0xb8: {  	v4 =	vld [tilespmem:s0+$0xFFFFFFF0]  }
0xb9: {  	v8 =	vld [tilespmem:s0+$0x0]  }
0xba: {  	s2 =	simm.s32 $0x1B770  }
0xbb: {  	s26 =	simm.s32 $0x40;
	v5 =	vld [tilespmem:s2+$0xFFFFFFE0]  }
0xbc: {  	s31 =	sand.u32 $0xFC0, s26;
	v1 =	vld [tilespmem:s2+$0xFFFFFFF0]  }
0xbd: {  	v3 =	vld [tilespmem:s31+$0x1B700]  }
0xbe: {  	v0 =	vld.idx.msk [tilespmem:v0+s3+$0x0], $0xffff  }
0xbf: {  	p1 =	por $0x0, $0x0;
	s1 =	simm.s32 $0x1;
	v7 =	vld.idx.msk [tilespmem:v2+s3+$0x0], $0xffff  }
0xc0: {  	s1 =	simm.s32 @!p1 $0x0;
	v6 =	vld.idx.msk [tilespmem:v4+s3+$0x0], $0xffff  }
0xc1: {  	s8 =	sshll.u32 s1, $0x6;
	v4 =	vld.idx.msk [tilespmem:v8+s3+$0x0], $0xffff  }
0xc2: {  	s1 =	simm.s32 $0x1B7B0;
	s9 =	sadd.s32 $0x0, s8;
	s0 =	simm.s32 $0x4;
	v2 =	vld [tilespmem:s2+$0x0]  }
0xc3: {  	s28 =	sor.u32 $0x80, s9;
	s18 =	sor.u32 $0x90, s9;
	s10 =	sor.u32 $0xA0, s9  }
.LBB2_15:
0xc4: {  	v8 =	vld [tilespmem:s1+$0xFFFFFFE0];
	[tilespmem:s28+$0x1C700] =	vst v7;
	s2 =	sor.u32 $0xB0, s9  }
0xc5: {  	v9 =	vld [tilespmem:s1+$0xFFFFFFF0];
	[tilespmem:s18+$0x1C700] =	vst v0  }
0xc6: {  	s26 =	sadd.s32 $0x40, s26;
	s0 =	sadd.s32 $0x4, s0;
	v0 =	vld.idx.msk [tilespmem:v5+s3+$0x0], $0xffff;
	[tilespmem:s10+$0x1C700] =	vst v6  }
0xc7: {  	s8 =	sand.u32 $0xFC0, s26;
	p2 =	slt.u32 s0, $0xFC;
	v7 =	vld.idx.msk [tilespmem:v3+s3+$0x0], $0xffff;
	[tilespmem:s2+$0x1C700] =	vst v4  }
.Ltmp8:
0xc8: {  	p1 =	por !p1, !p1;
	s2 =	simm.s32 $0x1;
	v3 =	vld [tilespmem:s8+$0x1B700];
	(pc) =	sbr.rel @p2 .LBB2_15-.Ltmp8, $4  }
0xc9: {  	s2 =	simm.s32 @!p1 $0x0;
	v6 =	vld.idx.msk [tilespmem:v1+s3+$0x0], $0xffff;
	v5 =	vmov v8  }
0xca: {  	s25 =	sadd.s32 $0x80, s25;
	s2 =	sshll.u32 s2, $0x6;
	v4 =	vld.idx.msk [tilespmem:v2+s3+$0x0], $0xffff;
	v1 =	vmov v9  }
0xcb: {  	s9 =	sadd.s32 s2, s25;
	v2 =	vld [tilespmem:s1+$0x0];
	s1 =	sadd.s32 $0x40, s1  }
0xcc: {  	s28 =	sor.u32 $0x80, s9;
	s18 =	sor.u32 $0x90, s9;
	s10 =	sor.u32 $0xA0, s9  }
0xcd: {  	_ =	sdelay $0x3  }
0xce: {  	v3 =	vld.idx.msk [tilespmem:v3+s3+$0x0], $0xffff;
	p1 =	por !p1, !p1;
	s0 =	simm.s32 $0x1  }
0xcf: {  	[tilespmem:s28+$0x1C700] =	vst v7;
	v5 =	vld.idx.msk [tilespmem:v5+s3+$0x0], $0xffff;
	s0 =	simm.s32 @!p1 $0x0  }
0xd0: {  	[tilespmem:s18+$0x1C700] =	vst v0;
	v62 =	vld.idx.msk [tilespmem:v1+s3+$0x0], $0xffff;
	s1 =	sadd.s32 $0x80, s25;
	s0 =	sshll.u32 s0, $0x6  }
0xd1: {  	s2 =	sor.u32 $0xB0, s9;
	[tilespmem:s10+$0x1C700] =	vst v6;
	v63 =	vld.idx.msk [tilespmem:v2+s3+$0x0], $0xffff;
	s0 =	sadd.s32 s0, s1  }
0xd2: {  	[tilespmem:s2+$0x1C700] =	vst v4;
	s1 =	sor.u32 $0x80, s0  }
0xd3: {  	s29 =	sor.u32 $0x90, s0;
	[tilespmem:s1+$0x1C700] =	vst v3  }
0xd4: {  	s30 =	sor.u32 $0xA0, s0;
	[tilespmem:s29+$0x1C700] =	vst v5  }
0xd5: {  	s9 =	simm.s32 $0x80;
	s31 =	sor.u32 $0xB0, s0;
	s0 =	sadd.s32 $0x3000, s24;
	[tilespmem:s30+$0x1C700] =	vst v62  }
0xd6: {  	s10 =	simm.s32 $0x1C880;
	s1 =	simm.s32 $0x1C780;
	s18 =	sadd.s32 $0x0, s0;
	[tilespmem:s31+$0x1C700] =	vst v63  }
.LBB2_17:
0xd7: {  	[hbm4b:s18+s3] =	stream.linear.scatter [tilespmem:s1], [sflag:$0x3], $0x80, $0x38;
	[tilespmem:$0x1E700] =	vst v63  }
0xd8: {  	s2 =	smov.u32 s9;
	s1 =	smov.u32 s10;
	p1 =	sne.s32 s9, $0xF80  }
.Ltmp9:
0xd9: {  	s9 =	sadd.s32 $0x80, s9;
	(pc) =	sbr.rel @p1 .LBB2_17-.Ltmp9, $2  }
0xda: {  	_ =	sdelay $0x2  }
0xdb: {  	s10 =	sadd.s32 $0x100, s10;
	s18 =	sadd.s32 s2, s0  }
0xdc: {  	p1 =	sne.s32 s21, $0x2  }
.Ltmp10:
0xdd: {  	_ = 	snop;
	(pc) =	sbr.rel @!p1 .LBB2_19-.Ltmp10, $2  }
0xde: {  	_ =	sdelay $0x2  }
0xdf: {  	[hbm4b:s18+s3] =	stream.linear.scatter [tilespmem:s1], [sflag:$0x3], $0x80, $0x38;
	[tilespmem:$0x1E700] =	vst v63  }
0xe0: {  	s0 =	sadd.s32 $0x1, s22  }
0xe1: {  	s1 =	sshrl.u32 s0, $0x3  }
0xe2: {  	p1 =	sne.s32 s23, $0x3;
	s0 =	sshll.u32 s0, $0x7;
	s1 =	smul.u32 $0xC3800, s1  }
.Ltmp11:
0xe3: {  	s0 =	sand.u32 $0x380, s0;
	(pc) =	sbr.rel @p1 .LBB2_2-.Ltmp11, $4  }
0xe4: {  	s0 =	sor.u32 s0, s1  }
0xe5: {  	s30 =	rddreg [dreg:$0x0];
	s31 =	simm.s32 $0x80;
	s0 =	sshrl.u32 s0, $0x3  }
0xe6: {  	s2 =	simm.s32 $0x400;
	s21 =	smov.u32 s23;
	s0 =	sadd.s32 s30, s0  }
0xe7: {  	[tilespmem:s3], [sflag:$0x1] =	stream.strided.gather [hbm4b:s0+s31], $0x18700, s2, s31, $0x38;
	[tilespmem:$0x1E700] =	vst v63  }
.Ltmp12:
0xe8: {  	(pc) =	sbr.rel @p0 .LBB2_40-.Ltmp12, $4  }
.Ltmp13:
0xe9: {  	(pc) =	sbr.rel @!p0 .LBB2_23-.Ltmp13, $4  }
0xea: {  	_ = 	snop  }
0xeb: {  	_ = 	snop  }
0xec: {  	s1 =	rddreg [dreg:$0x7]  }
0xed: {  	_ = 	snop  }
.LBB2_19:
.Ltmp14:
0xee: {  	(pc) =	sbr.rel @p0 .LBB2_40-.Ltmp14, $2  }
0xef: {  	_ =	sdelay $0x2  }
0xf0: {  	s1 =	rddreg [dreg:$0x7]  }
0xf1: {  	s0 =	rddreg [dreg:$0x4];
	s1 =	simm.s32 $0x80;
	s2 =	simm.s32 $0x400  }
0xf2: {  	[tilespmem:s3], [sflag:$0x1] =	stream.strided.gather [hbm4b:s0+s1], $0x18700, s2, s1, $0x38;
	[tilespmem:$0x1E700] =	vst v63  }
.LBB2_23:
0xf3: {  	s0 =	simm.s32 $0x18700  }
0xf4: {  	s1 =	rddreg [dreg:$0x5];
	s2 =	simm.s32 $0x80;
	s8 =	simm.s32 $0x400  }
0xf5: {  	[tilespmem:s0], [sflag:$0x4] =	stream.strided.gather [hbm4b:s1+s2], $0x4000, s8, s2, $0x38;
	[tilespmem:$0x1E700] =	vst v63  }
0xf6: {  	s2 =	simm.s32 $0x4  }
0xf7: {  	_ =	swait.ge [sflag:s2], $0x4000  }
0xf8: {  	[sflag:s2] =	ssyncset.done $0x0  }
0xf9: {  	[sflag:s2] =	ssyncadd.s32 $0xFFFFC000  }
0xfa: {  	_ =	swait.ge [sflag:s15], $0x18700  }
0xfb: {  	[sflag:s15] =	ssyncset.done $0x0  }
0xfc: {  	s20 =	simm.s32 $0x0;
	[sflag:s15] =	ssyncadd.s32 $0xFFFE7900  }
0xfd: {  	s8 =	sand.u32 $0x40, s20;
	s13 =	sand.u32 $0xF80, s20;
	_ =	swait.ge [sflag:s16], $0x1000  }
0xfe: {  	s14 =	sor.u32 $0x30, s8;
	s2 =	sadd.s32 $0x18700, s13;
	[sflag:s16] =	ssyncset.done $0x0  }
0xff: {  	s18 =	sor.u32 s14, s2;
	[sflag:s16] =	ssyncadd.s32 $0xFFFFF000  }
0x100: {  	v1 =	vld [tilespmem:s18+$0x0]  }
0x101: {  	s19 =	sor.u32 $0x10, s8  }
0x102: {  	s10 =	sor.u32 $0x20, s8;
	s9 =	sor.u32 s19, s2;
	v0 =	vld [tilespmem:s0+$0x0]  }
0x103: {  	s26 =	simm.s32 $0x40;
	s2 =	sor.u32 s10, s2;
	v3 =	vld [tilespmem:s9+$0x0]  }
0x104: {  	s21 =	sand.u32 $0x40, s26;
	v5 =	vld [tilespmem:s2+$0x0];
	s2 =	sand.u32 $0xF80, s26  }
0x105: {  	s28 =	simm.s32 $0x18740;
	s24 =	sor.u32 $0x10, s21;
	s2 =	sadd.s32 $0x18700, s2  }
0x106: {  	v2 =	vld [tilespmem:s28+$0x0];
	s12 =	sor.u32 s24, s2  }
0x107: {  	s22 =	sor.u32 $0x30, s21;
	v6 =	vld [tilespmem:s12+$0x0]  }
0x108: {  	s29 =	sor.u32 s22, s2;
	v7 =	vld.idx.msk [tilespmem:v1+s3+$0x0], $0xffff  }
0x109: {  	s23 =	sor.u32 $0x20, s21;
	v1 =	vld [tilespmem:s29+$0x0]  }
0x10a: {  	s30 =	sand.u32 $0x1F00, s20;
	s2 =	sor.u32 s23, s2;
	v0 =	vld.idx.msk [tilespmem:v0+s3+$0x0], $0xffff  }
0x10b: {  	s25 =	simm.s32 $0x4;
	s31 =	sadd.s32 $0x1C700, s30;
	v4 =	vld [tilespmem:s2+$0x0]  }
0x10c: {  	s1 =	simm.s32 $0x80;
	s18 =	sor.u32 s8, s31;
	s8 =	sor.u32 s14, s31;
	v3 =	vld.idx.msk [tilespmem:v3+s3+$0x0], $0xffff  }
0x10d: {  	s10 =	sor.u32 s10, s31;
	s9 =	sor.u32 s19, s31;
	s0 =	simm.s32 $0x18780;
	v5 =	vld.idx.msk [tilespmem:v5+s3+$0x0], $0xffff;
	[tilespmem:s8+$0x0] =	vst v7  }
.LBB2_24:
0x10e: {  	s2 =	sand.u32 $0xF80, s1;
	s25 =	sadd.s32 $0x4, s25;
	s8 =	smov.u32 s21  }
0x10f: {  	v7 =	vld [tilespmem:s0+$0x0];
	[tilespmem:s18+$0x0] =	vst v0;
	v8 =	vmov v6;
	s21 =	sand.u32 $0x40, s1;
	s12 =	smov.u32 s22;
	s13 =	smov.u32 s24  }
0x110: {  	s2 =	sadd.s32 $0x18700, s2;
	s22 =	sor.u32 $0x30, s21;
	p1 =	slt.u32 s25, $0xFC;
	v0 =	vld.idx.msk [tilespmem:v2+s3+$0x0], $0xffff;
	v9 =	vmov v4  }
0x111: {  	s24 =	sor.u32 $0x10, s21;
	s14 =	sor.u32 $0x20, s21;
	s18 =	sor.u32 s22, s2;
	v10 =	vld.idx.msk [tilespmem:v1+s3+$0x0], $0xffff  }
0x112: {  	s26 =	smov.u32 s23;
	s19 =	sor.u32 s24, s2;
	s2 =	sor.u32 s14, s2;
	v1 =	vld [tilespmem:s18+$0x0];
	[tilespmem:s9+$0x0] =	vst v3  }
.Ltmp15:
0x113: {  	s20 =	sadd.s32 $0x80, s20;
	s23 =	smov.u32 s14;
	v6 =	vld [tilespmem:s19+$0x0];
	[tilespmem:s10+$0x0] =	vst v5;
	(pc) =	sbr.rel @p1 .LBB2_24-.Ltmp15, $4  }
0x114: {  	v4 =	vld [tilespmem:s2+$0x0];
	s2 =	sand.u32 $0x1F00, s20;
	v2 =	vmov v7  }
0x115: {  	s2 =	sadd.s32 $0x1C700, s2;
	v3 =	vld.idx.msk [tilespmem:v8+s3+$0x0], $0xffff  }
0x116: {  	s18 =	sor.u32 s8, s2;
	s9 =	sor.u32 s13, s2;
	v5 =	vld.idx.msk [tilespmem:v9+s3+$0x0], $0xffff;
	s8 =	sor.u32 s12, s2  }
0x117: {  	s1 =	sadd.s32 $0x40, s1;
	s0 =	sadd.s32 $0x40, s0;
	s10 =	sor.u32 s26, s2;
	[tilespmem:s8+$0x0] =	vst v10  }
0x118: {  	_ =	sdelay $0x3  }
0x119: {  	v1 =	vld.idx.msk [tilespmem:v1+s3+$0x0], $0xffff  }
0x11a: {  	v2 =	vld.idx.msk [tilespmem:v2+s3+$0x0], $0xffff;
	s0 =	sadd.s32 $0x80, s20  }
0x11b: {  	[tilespmem:s18+$0x0] =	vst v0;
	v62 =	vld.idx.msk [tilespmem:v6+s3+$0x0], $0xffff;
	s0 =	sand.u32 $0x1F00, s0  }
0x11c: {  	v63 =	vld.idx.msk [tilespmem:v4+s3+$0x0], $0xffff;
	[tilespmem:s9+$0x0] =	vst v3;
	s0 =	sadd.s32 $0x1C700, s0  }
0x11d: {  	[tilespmem:s10+$0x0] =	vst v5;
	s1 =	sor.u32 s22, s0  }
0x11e: {  	s2 =	sor.u32 s21, s0;
	[tilespmem:s1+$0x0] =	vst v1  }
0x11f: {  	s30 =	sor.u32 s24, s0;
	[tilespmem:s2+$0x0] =	vst v2  }
0x120: {  	s9 =	simm.s32 $0x1C800;
	s31 =	sor.u32 s23, s0;
	[tilespmem:s30+$0x0] =	vst v62  }
0x121: {  	s0 =	simm.s32 $0x1C700;
	s10 =	sadd.s32 $0x0, s11;
	s1 =	simm.s32 $0x80;
	[tilespmem:s31+$0x0] =	vst v63  }
.LBB2_26:
0x122: {  	[hbm4b:s10+s3] =	stream.linear.scatter [tilespmem:s0], [sflag:$0x2], $0x80, $0x38;
	[tilespmem:$0x1E700] =	vst v63  }
0x123: {  	s2 =	smov.u32 s1;
	s0 =	smov.u32 s9;
	p1 =	sne.s32 s1, $0xF80  }
.Ltmp16:
0x124: {  	s1 =	sadd.s32 $0x80, s1;
	(pc) =	sbr.rel @p1 .LBB2_26-.Ltmp16, $2  }
0x125: {  	_ =	sdelay $0x2  }
0x126: {  	s9 =	sadd.s32 $0x100, s9;
	s10 =	sadd.s32 s2, s11  }
0x127: {  	[hbm4b:s10+s3] =	stream.linear.scatter [tilespmem:s0], [sflag:$0x2], $0x80, $0x38;
	[tilespmem:$0x1E700] =	vst v63  }
0x128: {  	_ =	swait.ge [sflag:s17], $0x1000  }
0x129: {  	[sflag:s17] =	ssyncset.done $0x0  }
0x12a: {  	s30 =	simm.s32 $0x19730;
	s20 =	simm.s32 $0x0;
	[sflag:s17] =	ssyncadd.s32 $0xFFFFF000  }
0x12b: {  	s1 =	sand.u32 $0xFC0, s20;
	v0 =	vld [tilespmem:s30+$0xFFFFFFE0]  }
0x12c: {  	v2 =	vld [tilespmem:s1+$0x19700]  }
0x12d: {  	v4 =	vld [tilespmem:s30+$0xFFFFFFF0]  }
0x12e: {  	v8 =	vld [tilespmem:s30+$0x0]  }
0x12f: {  	s2 =	simm.s32 $0x19770  }
0x130: {  	s21 =	simm.s32 $0x40;
	v5 =	vld [tilespmem:s2+$0xFFFFFFE0]  }
0x131: {  	s31 =	sand.u32 $0xFC0, s21;
	v1 =	vld [tilespmem:s2+$0xFFFFFFF0]  }
0x132: {  	v3 =	vld [tilespmem:s31+$0x19700]  }
0x133: {  	v0 =	vld.idx.msk [tilespmem:v0+s3+$0x0], $0xffff  }
0x134: {  	p1 =	por $0x0, $0x0;
	s1 =	simm.s32 $0x1;
	v7 =	vld.idx.msk [tilespmem:v2+s3+$0x0], $0xffff  }
0x135: {  	s1 =	simm.s32 @!p1 $0x0;
	v6 =	vld.idx.msk [tilespmem:v4+s3+$0x0], $0xffff  }
0x136: {  	s8 =	sshll.u32 s1, $0x6;
	v4 =	vld.idx.msk [tilespmem:v8+s3+$0x0], $0xffff  }
0x137: {  	s0 =	simm.s32 $0x4;
	s1 =	simm.s32 $0x197B0;
	s9 =	sadd.s32 $0x0, s8;
	v2 =	vld [tilespmem:s2+$0x0]  }
0x138: {  	s22 =	sor.u32 $0x80, s9;
	s18 =	sor.u32 $0x90, s9;
	s10 =	sor.u32 $0xA0, s9  }
.LBB2_28:
0x139: {  	v8 =	vld [tilespmem:s1+$0xFFFFFFE0];
	[tilespmem:s22+$0x1C700] =	vst v7;
	s2 =	sor.u32 $0xB0, s9  }
0x13a: {  	v9 =	vld [tilespmem:s1+$0xFFFFFFF0];
	[tilespmem:s18+$0x1C700] =	vst v0  }
0x13b: {  	s21 =	sadd.s32 $0x40, s21;
	s0 =	sadd.s32 $0x4, s0;
	v0 =	vld.idx.msk [tilespmem:v5+s3+$0x0], $0xffff;
	[tilespmem:s10+$0x1C700] =	vst v6  }
0x13c: {  	s8 =	sand.u32 $0xFC0, s21;
	p2 =	slt.u32 s0, $0xFC;
	v7 =	vld.idx.msk [tilespmem:v3+s3+$0x0], $0xffff;
	[tilespmem:s2+$0x1C700] =	vst v4  }
.Ltmp17:
0x13d: {  	p1 =	por !p1, !p1;
	s2 =	simm.s32 $0x1;
	v3 =	vld [tilespmem:s8+$0x19700];
	(pc) =	sbr.rel @p2 .LBB2_28-.Ltmp17, $4  }
0x13e: {  	s2 =	simm.s32 @!p1 $0x0;
	v6 =	vld.idx.msk [tilespmem:v1+s3+$0x0], $0xffff;
	v5 =	vmov v8  }
0x13f: {  	s20 =	sadd.s32 $0x80, s20;
	s2 =	sshll.u32 s2, $0x6;
	v4 =	vld.idx.msk [tilespmem:v2+s3+$0x0], $0xffff;
	v1 =	vmov v9  }
0x140: {  	s9 =	sadd.s32 s2, s20;
	v2 =	vld [tilespmem:s1+$0x0];
	s1 =	sadd.s32 $0x40, s1  }
0x141: {  	s22 =	sor.u32 $0x80, s9;
	s18 =	sor.u32 $0x90, s9;
	s10 =	sor.u32 $0xA0, s9  }
0x142: {  	_ =	sdelay $0x3  }
0x143: {  	v3 =	vld.idx.msk [tilespmem:v3+s3+$0x0], $0xffff;
	p1 =	por !p1, !p1;
	s0 =	simm.s32 $0x1  }
0x144: {  	[tilespmem:s22+$0x1C700] =	vst v7;
	v5 =	vld.idx.msk [tilespmem:v5+s3+$0x0], $0xffff;
	s0 =	simm.s32 @!p1 $0x0  }
0x145: {  	[tilespmem:s18+$0x1C700] =	vst v0;
	v62 =	vld.idx.msk [tilespmem:v1+s3+$0x0], $0xffff;
	s1 =	sadd.s32 $0x80, s20;
	s0 =	sshll.u32 s0, $0x6  }
0x146: {  	s2 =	sor.u32 $0xB0, s9;
	[tilespmem:s10+$0x1C700] =	vst v6;
	v63 =	vld.idx.msk [tilespmem:v2+s3+$0x0], $0xffff;
	s0 =	sadd.s32 s0, s1  }
0x147: {  	[tilespmem:s2+$0x1C700] =	vst v4;
	s1 =	sor.u32 $0x80, s0  }
0x148: {  	s29 =	sor.u32 $0x90, s0;
	[tilespmem:s1+$0x1C700] =	vst v3  }
0x149: {  	s30 =	sor.u32 $0xA0, s0;
	[tilespmem:s29+$0x1C700] =	vst v5  }
0x14a: {  	s9 =	simm.s32 $0x80;
	s31 =	sor.u32 $0xB0, s0;
	s0 =	sadd.s32 $0x1000, s11;
	[tilespmem:s30+$0x1C700] =	vst v62  }
0x14b: {  	s10 =	simm.s32 $0x1C880;
	s1 =	simm.s32 $0x1C780;
	s18 =	sadd.s32 $0x0, s0;
	[tilespmem:s31+$0x1C700] =	vst v63  }
.LBB2_30:
0x14c: {  	[hbm4b:s18+s3] =	stream.linear.scatter [tilespmem:s1], [sflag:$0x3], $0x80, $0x38;
	[tilespmem:$0x1E700] =	vst v63  }
0x14d: {  	s2 =	smov.u32 s9;
	s1 =	smov.u32 s10;
	p1 =	sne.s32 s9, $0xF80  }
.Ltmp18:
0x14e: {  	s9 =	sadd.s32 $0x80, s9;
	(pc) =	sbr.rel @p1 .LBB2_30-.Ltmp18, $2  }
0x14f: {  	_ =	sdelay $0x2  }
0x150: {  	s10 =	sadd.s32 $0x100, s10;
	s18 =	sadd.s32 s2, s0  }
0x151: {  	[hbm4b:s18+s3] =	stream.linear.scatter [tilespmem:s1], [sflag:$0x3], $0x80, $0x38;
	[tilespmem:$0x1E700] =	vst v63  }
0x152: {  	_ =	swait.ge [sflag:s16], $0x1000  }
0x153: {  	[sflag:s16] =	ssyncset.done $0x0  }
0x154: {  	s0 =	simm.s32 $0x1A730;
	s20 =	simm.s32 $0x0;
	[sflag:s16] =	ssyncadd.s32 $0xFFFFF000  }
0x155: {  	s29 =	sand.u32 $0xFC0, s20;
	v0 =	vld [tilespmem:s0+$0xFFFFFFE0]  }
0x156: {  	v2 =	vld [tilespmem:s29+$0x1A700]  }
0x157: {  	v3 =	vld [tilespmem:s0+$0xFFFFFFF0]  }
0x158: {  	v8 =	vld [tilespmem:s0+$0x0]  }
0x159: {  	s30 =	simm.s32 $0x1A770  }
0x15a: {  	v5 =	vld [tilespmem:s30+$0xFFFFFFE0];
	s0 =	simm.s32 $0x40  }
0x15b: {  	v1 =	vld [tilespmem:s30+$0xFFFFFFF0];
	s2 =	sand.u32 $0xFC0, s0  }
0x15c: {  	v4 =	vld [tilespmem:s2+$0x1A700]  }
0x15d: {  	v0 =	vld.idx.msk [tilespmem:v0+s3+$0x0], $0xffff  }
0x15e: {  	v7 =	vld.idx.msk [tilespmem:v2+s3+$0x0], $0xffff  }
0x15f: {  	v6 =	vld.idx.msk [tilespmem:v3+s3+$0x0], $0xffff  }
0x160: {  	v2 =	vld.idx.msk [tilespmem:v8+s3+$0x0], $0xffff  }
0x161: {  	s9 =	simm.s32 $0x4;
	s31 =	sand.u32 $0x40, s20;
	s8 =	sand.u32 $0x1F00, s20;
	v3 =	vld [tilespmem:s30+$0x0]  }
0x162: {  	s10 =	simm.s32 $0x1A7B0;
	s1 =	simm.s32 $0x40;
	s18 =	sor.u32 s31, s8  }
.LBB2_32:
0x163: {  	v8 =	vld [tilespmem:s10+$0xFFFFFFE0];
	s2 =	sadd.s32 $0x1C700, s18;
	[tilespmem:s18+$0x1C700] =	vst v7  }
0x164: {  	v9 =	vld [tilespmem:s10+$0xFFFFFFF0];
	[tilespmem:s2+$0x10] =	vst v0  }
0x165: {  	s0 =	sadd.s32 $0x40, s0;
	s9 =	sadd.s32 $0x4, s9;
	v0 =	vld.idx.msk [tilespmem:v5+s3+$0x0], $0xffff;
	[tilespmem:s2+$0x20] =	vst v6  }
0x166: {  	s8 =	sand.u32 $0xFC0, s0;
	p1 =	slt.u32 s9, $0xFC;
	v7 =	vld.idx.msk [tilespmem:v4+s3+$0x0], $0xffff;
	[tilespmem:s2+$0x30] =	vst v2  }
.Ltmp19:
0x167: {  	v4 =	vld [tilespmem:s8+$0x1A700];
	(pc) =	sbr.rel @p1 .LBB2_32-.Ltmp19, $4  }
0x168: {  	v6 =	vld.idx.msk [tilespmem:v1+s3+$0x0], $0xffff;
	v5 =	vmov v8  }
0x169: {  	s20 =	sadd.s32 $0x80, s20;
	v2 =	vld.idx.msk [tilespmem:v3+s3+$0x0], $0xffff;
	v1 =	vmov v9  }
0x16a: {  	s2 =	sand.u32 $0x40, s1;
	s1 =	smov.u32 s0;
	s8 =	sand.u32 $0x1F00, s20;
	v3 =	vld [tilespmem:s10+$0x0]  }
0x16b: {  	s18 =	sor.u32 s2, s8;
	s10 =	sadd.s32 $0x40, s10  }
0x16c: {  	_ =	sdelay $0x3  }
0x16d: {  	v4 =	vld.idx.msk [tilespmem:v4+s3+$0x0], $0xffff  }
0x16e: {  	s0 =	sadd.s32 $0x1C700, s18;
	[tilespmem:s18+$0x1C700] =	vst v7;
	v5 =	vld.idx.msk [tilespmem:v5+s3+$0x0], $0xffff  }
0x16f: {  	v62 =	vld.idx.msk [tilespmem:v1+s3+$0x0], $0xffff;
	s2 =	sadd.s32 $0x80, s20;
	[tilespmem:s0+$0x10] =	vst v0  }
0x170: {  	s1 =	sand.u32 $0x40, s1;
	[tilespmem:s0+$0x20] =	vst v6;
	s2 =	sand.u32 $0x1F00, s2;
	v63 =	vld.idx.msk [tilespmem:v3+s3+$0x0], $0xffff  }
0x171: {  	[tilespmem:s0+$0x30] =	vst v2;
	s31 =	sor.u32 s1, s2  }
0x172: {  	s2 =	sadd.s32 $0x1C700, s31;
	[tilespmem:s31+$0x1C700] =	vst v4  }
0x173: {  	[tilespmem:s2+$0x10] =	vst v5  }
0x174: {  	s9 =	simm.s32 $0x80;
	s0 =	sadd.s32 $0x2000, s11;
	[tilespmem:s2+$0x20] =	vst v62  }
0x175: {  	s10 =	simm.s32 $0x1C800;
	s1 =	simm.s32 $0x1C700;
	s18 =	sadd.s32 $0x0, s0;
	[tilespmem:s2+$0x30] =	vst v63  }
.LBB2_34:
0x176: {  	[hbm4b:s18+s3] =	stream.linear.scatter [tilespmem:s1], [sflag:$0x2], $0x80, $0x38;
	[tilespmem:$0x1E700] =	vst v63  }
0x177: {  	s2 =	smov.u32 s9;
	s1 =	smov.u32 s10;
	p1 =	sne.s32 s9, $0xF80  }
.Ltmp20:
0x178: {  	s9 =	sadd.s32 $0x80, s9;
	(pc) =	sbr.rel @p1 .LBB2_34-.Ltmp20, $2  }
0x179: {  	_ =	sdelay $0x2  }
0x17a: {  	s10 =	sadd.s32 $0x100, s10;
	s18 =	sadd.s32 s2, s0  }
0x17b: {  	[hbm4b:s18+s3] =	stream.linear.scatter [tilespmem:s1], [sflag:$0x2], $0x80, $0x38;
	[tilespmem:$0x1E700] =	vst v63  }
0x17c: {  	_ =	swait.ge [sflag:s17], $0x1000  }
0x17d: {  	[sflag:s17] =	ssyncset.done $0x0  }
0x17e: {  	s0 =	simm.s32 $0x1B730;
	s20 =	simm.s32 $0x0;
	[sflag:s17] =	ssyncadd.s32 $0xFFFFF000  }
0x17f: {  	s30 =	sand.u32 $0xFC0, s20;
	v0 =	vld [tilespmem:s0+$0xFFFFFFE0]  }
0x180: {  	v2 =	vld [tilespmem:s30+$0x1B700]  }
0x181: {  	v4 =	vld [tilespmem:s0+$0xFFFFFFF0]  }
0x182: {  	v8 =	vld [tilespmem:s0+$0x0]  }
0x183: {  	s2 =	simm.s32 $0x1B770  }
0x184: {  	s21 =	simm.s32 $0x40;
	v5 =	vld [tilespmem:s2+$0xFFFFFFE0]  }
0x185: {  	s31 =	sand.u32 $0xFC0, s21;
	v1 =	vld [tilespmem:s2+$0xFFFFFFF0]  }
0x186: {  	v3 =	vld [tilespmem:s31+$0x1B700]  }
0x187: {  	v0 =	vld.idx.msk [tilespmem:v0+s3+$0x0], $0xffff  }
0x188: {  	p1 =	por $0x0, $0x0;
	s1 =	simm.s32 $0x1;
	v7 =	vld.idx.msk [tilespmem:v2+s3+$0x0], $0xffff  }
0x189: {  	s1 =	simm.s32 @!p1 $0x0;
	v6 =	vld.idx.msk [tilespmem:v4+s3+$0x0], $0xffff  }
0x18a: {  	s8 =	sshll.u32 s1, $0x6;
	v4 =	vld.idx.msk [tilespmem:v8+s3+$0x0], $0xffff  }
0x18b: {  	s1 =	simm.s32 $0x1B7B0;
	s9 =	sadd.s32 $0x0, s8;
	s0 =	simm.s32 $0x4;
	v2 =	vld [tilespmem:s2+$0x0]  }
0x18c: {  	s22 =	sor.u32 $0x80, s9;
	s18 =	sor.u32 $0x90, s9;
	s10 =	sor.u32 $0xA0, s9  }
.LBB2_36:
0x18d: {  	v8 =	vld [tilespmem:s1+$0xFFFFFFE0];
	[tilespmem:s22+$0x1C700] =	vst v7;
	s2 =	sor.u32 $0xB0, s9  }
0x18e: {  	v9 =	vld [tilespmem:s1+$0xFFFFFFF0];
	[tilespmem:s18+$0x1C700] =	vst v0  }
0x18f: {  	s21 =	sadd.s32 $0x40, s21;
	s0 =	sadd.s32 $0x4, s0;
	v0 =	vld.idx.msk [tilespmem:v5+s3+$0x0], $0xffff;
	[tilespmem:s10+$0x1C700] =	vst v6  }
0x190: {  	s8 =	sand.u32 $0xFC0, s21;
	p2 =	slt.u32 s0, $0xFC;
	v7 =	vld.idx.msk [tilespmem:v3+s3+$0x0], $0xffff;
	[tilespmem:s2+$0x1C700] =	vst v4  }
.Ltmp21:
0x191: {  	p1 =	por !p1, !p1;
	s2 =	simm.s32 $0x1;
	v3 =	vld [tilespmem:s8+$0x1B700];
	(pc) =	sbr.rel @p2 .LBB2_36-.Ltmp21, $4  }
0x192: {  	s2 =	simm.s32 @!p1 $0x0;
	v6 =	vld.idx.msk [tilespmem:v1+s3+$0x0], $0xffff;
	v5 =	vmov v8  }
0x193: {  	s20 =	sadd.s32 $0x80, s20;
	s2 =	sshll.u32 s2, $0x6;
	v4 =	vld.idx.msk [tilespmem:v2+s3+$0x0], $0xffff;
	v1 =	vmov v9  }
0x194: {  	s9 =	sadd.s32 s2, s20;
	v2 =	vld [tilespmem:s1+$0x0];
	s1 =	sadd.s32 $0x40, s1  }
0x195: {  	s22 =	sor.u32 $0x80, s9;
	s18 =	sor.u32 $0x90, s9;
	s10 =	sor.u32 $0xA0, s9  }
0x196: {  	_ =	sdelay $0x3  }
0x197: {  	v3 =	vld.idx.msk [tilespmem:v3+s3+$0x0], $0xffff;
	p1 =	por !p1, !p1;
	s0 =	simm.s32 $0x1  }
0x198: {  	[tilespmem:s22+$0x1C700] =	vst v7;
	v5 =	vld.idx.msk [tilespmem:v5+s3+$0x0], $0xffff;
	s0 =	simm.s32 @!p1 $0x0  }
0x199: {  	[tilespmem:s18+$0x1C700] =	vst v0;
	v62 =	vld.idx.msk [tilespmem:v1+s3+$0x0], $0xffff;
	s1 =	sadd.s32 $0x80, s20;
	s0 =	sshll.u32 s0, $0x6  }
0x19a: {  	s2 =	sor.u32 $0xB0, s9;
	[tilespmem:s10+$0x1C700] =	vst v6;
	v63 =	vld.idx.msk [tilespmem:v2+s3+$0x0], $0xffff;
	s0 =	sadd.s32 s0, s1  }
0x19b: {  	[tilespmem:s2+$0x1C700] =	vst v4;
	s1 =	sor.u32 $0x80, s0  }
0x19c: {  	s29 =	sor.u32 $0x90, s0;
	[tilespmem:s1+$0x1C700] =	vst v3  }
0x19d: {  	s30 =	sor.u32 $0xA0, s0;
	[tilespmem:s29+$0x1C700] =	vst v5  }
0x19e: {  	s9 =	simm.s32 $0x80;
	s31 =	sor.u32 $0xB0, s0;
	s0 =	sadd.s32 $0x3000, s11;
	[tilespmem:s30+$0x1C700] =	vst v62  }
0x19f: {  	s10 =	simm.s32 $0x1C880;
	s1 =	simm.s32 $0x1C780;
	s18 =	sadd.s32 $0x0, s0;
	[tilespmem:s31+$0x1C700] =	vst v63  }
.LBB2_38:
0x1a0: {  	[hbm4b:s18+s3] =	stream.linear.scatter [tilespmem:s1], [sflag:$0x3], $0x80, $0x38;
	[tilespmem:$0x1E700] =	vst v63  }
0x1a1: {  	s2 =	smov.u32 s9;
	s1 =	smov.u32 s10;
	p1 =	sne.s32 s9, $0xF80  }
.Ltmp22:
0x1a2: {  	s9 =	sadd.s32 $0x80, s9;
	(pc) =	sbr.rel @p1 .LBB2_38-.Ltmp22, $2  }
0x1a3: {  	_ =	sdelay $0x2  }
0x1a4: {  	s10 =	sadd.s32 $0x100, s10;
	s18 =	sadd.s32 s2, s0  }
.Ltmp23:
0x1a5: {  	(pc) =	sbr.rel .LBB2_40-.Ltmp23, $3  }
0x1a6: {  	_ =	sdelay $0x1  }
0x1a7: {  	[hbm4b:s18+s3] =	stream.linear.scatter [tilespmem:s1], [sflag:$0x3], $0x80, $0x38;
	[tilespmem:$0x1E700] =	vst v63  }
0x1a8: {  	s1 =	rddreg [dreg:$0x7]  }
.LBB2_41:
0x1a9: {  	_ =	sfence.sel $0x180000  }
0x1aa: {  	[bflag:$0x0] =	sbarrier.arrive $0xFFFF  }
0x1ab: {  	_ =	strace $0x9000004A  }
0x1ac: {  	s0 =	stileid.u32;
	[bflag:$0x2] =	sbarrier.arrive $0xFFFF  }
0x1ad: {  	p0 =	sne.s32 s0, $0x0;
	s0 =	rddreg [dreg:$0x2]  }
0x1ae: {  	s0 =	sadd.s32 @!p0 $0x100000, s0  }
0x1af: {  	[sflag:s0] =	ssyncadd.tile.s32 @!p0 $0x1;
	_ =	shalt  }
.Lfunc_end2:
_tile_overlayer_lowered:
.L_overlay_start_2:
0x1b0: {  	(tag) =	ssettag $0x2  }
0x1b1: {  	s0 =	rddreg [dreg:$0x0];
	s2 =	stileid.u32  }
0x1b2: {  	s1 =	rddreg [dreg:$0x1];
	p0 =	sne.s32 s2, $0x0  }
0x1b3: {  	s3 =	rddreg [dreg:$0x2];
	[bflag:$0x3] =	sbarrier.arrive $0xFFFF;
	s2 =	simm.s32 @!p0 $0x1C04  }
0x1b4: {  	[timem:s3], [sflag:s2] =	dma.local @!p0 [hbm:s0], s1  }
0x1b5: {  	s0 =	simm.s32 @!p0 $0x4  }
0x1b6: {  	_ =	swait.ge @!p0 [sflag:s0], s1  }
0x1b7: {  	s1 =	ssub.s32 @!p0 $0x0, s1;
	[sflag:s0] =	ssyncset.done @!p0 $0x0  }
0x1b8: {  	[sflag:s0] =	ssyncadd.s32 @!p0 s1  }
0x1b9: {  	[bflag:$0x3] =	sbarrier.arrive $0xFFFF  }
0x1ba: {  	_ =	shalt  }

</sc_bundles>
